<compile_context>
chip_gen: v7x
topology: tpu7x:2x2x1
jax: 0.10.2.dev20260603
libtpu: 0.0.44.dev20260713+nightly
codegen_flags: <defaults>
</compile_context>

<pallas_src>
import jax
import jax.numpy as jnp
from jax import lax
from jax.experimental import pallas as pl
from jax.experimental.pallas import tpu as pltpu, tpu_sc as plsc

B, N, D = 32, 4096, 64
NC, NS, L = 2, 16, 16
NVEC = N // L
TD = D // 8
TN = N // 128
NBUF = 2
HALF = TN // 2


def _sc_body(x_hbm, w_hbm, ll_hbm, pi_hbm, inds_hbm,
             mean_hbm, xr_hbm, wr_hbm, llr_hbm, pir_hbm,
             inds_v, w_v, ll_v, pi_v, wr_v, llr_v, pir_v, acc_v,
             ibuf0, ibuf1, obuf0, obuf1,
             sem_in0, sem_in1, sem_out0, sem_out1, sem_s):
  wid = lax.axis_index("s") * NC + lax.axis_index("c")
  tb = wid // 8
  br = wid % 8
  xb = x_hbm.at[wid]
  xrb = xr_hbm.at[wid]
  ibufs = (ibuf0, ibuf1)
  obufs = (obuf0, obuf1)
  sems_in = (sem_in0, sem_in1)
  sems_out = (sem_out0, sem_out1)
  wexp_v = w_v

  in_dma = {}
  for g in range(NBUF):
    in_dma[g] = pltpu.async_copy(xb.at[g], ibufs[g], sems_in[g])

  stage = [pltpu.async_copy(inds_hbm.at[tb, :, br], inds_v, sem_s),
           pltpu.async_copy(w_hbm.at[tb, :, br], w_v, sem_s),
           pltpu.async_copy(ll_hbm.at[tb, :, br], ll_v, sem_s),
           pltpu.async_copy(pi_hbm.at[tb, :, br], pi_v, sem_s)]
  for cp in stage:
    cp.wait()

  def gather_body(j, mx):
    tn_j = j // 8
    nc_j = (j % 8) * L
    idx16 = inds_v[tn_j, pl.ds(nc_j, L)]
    hi = jax.lax.shift_right_logical(idx16, 7)
    lo = jax.lax.bitwise_and(idx16, 127)
    wr16 = plsc.load_gather(w_v, [hi, lo])
    wr_v[tn_j, pl.ds(nc_j, L)] = wr16
    llr_v[tn_j, pl.ds(nc_j, L)] = plsc.load_gather(ll_v, [hi, lo])
    pir_v[tn_j, pl.ds(nc_j, L)] = plsc.load_gather(pi_v, [hi, lo])
    return jnp.maximum(mx, wr16)

  mx16 = plsc.parallel_loop(
      0, NVEC, 1, unroll=2,
      carry=jnp.full((L,), -jnp.inf, jnp.float32))(gather_body)
  m = lax.reduce_max_p.bind(mx16, axes=(0,))

  def exp_body(j, s):
    tn_j = j // 8
    nc_j = (j % 8) * L
    e16 = jnp.exp(wr_v[tn_j, pl.ds(nc_j, L)] - m)
    wexp_v[tn_j, pl.ds(nc_j, L)] = e16
    return s + e16

  s16 = plsc.parallel_loop(
      0, NVEC, 1, unroll=2,
      carry=jnp.zeros((L,), jnp.float32))(exp_body)
  inv_z = (jnp.full((L,), 1.0, jnp.float32) /
           jnp.full((L,), lax.reduce_sum_p.bind(s16, axes=(0,)), jnp.float32))

  small_out = [pltpu.async_copy(wr_v, wr_hbm.at[tb, :, br], sem_s),
               pltpu.async_copy(llr_v, llr_hbm.at[tb, :, br], sem_s),
               pltpu.async_copy(pir_v, pir_hbm.at[tb, :, br], sem_s)]

  lane0 = lax.iota(jnp.int32, L) == 0

  def slab_pair(i, _):
    for iph in range(NBUF):
      g = i * NBUF + iph
      ibuf = ibufs[iph]
      pltpu.make_async_copy(xb.at[g], ibuf, sems_in[iph]).wait()

      accs = tuple(jnp.zeros((L,), jnp.float32) for _ in range(8))
      for h in range(2):
        obuf = obufs[h]

        @pl.when(g > 0)
        def _(obuf=obuf, h=h, g=g):
          pltpu.make_async_copy(
              obuf, xrb.at[g - 1, pl.ds(h * HALF, HALF)],
              sems_out[h]).wait()

        def half_body(j, accs, ibuf=ibuf, obuf=obuf, h=h):
          jj = h * (NVEC // 2) + j
          tn_j = jj // 8
          nc_j = (jj % 8) * L
          idx16 = inds_v[tn_j, pl.ds(nc_j, L)]
          we16 = wexp_v[tn_j, pl.ds(nc_j, L)]
          hi = jax.lax.shift_right_logical(idx16, 7)
          lo = jax.lax.bitwise_and(idx16, 127)
          tn_o = j // 8
          nc_o = (j % 8) * L
          new = []
          for r in range(8):
            g16 = plsc.load_gather(
                ibuf, [hi, jnp.full((L,), r, jnp.int32), lo])
            obuf[tn_o, r, pl.ds(nc_o, L)] = g16
            new.append(accs[r] + we16 * g16)
          return tuple(new)

        accs = plsc.parallel_loop(0, NVEC // 2, 1, unroll=2,
                                  carry=accs)(half_body)
        pltpu.async_copy(
            obuf, xrb.at[g, pl.ds(h * HALF, HALF)], sems_out[h])

      @pl.when(g + NBUF < TD)
      def _(g=g, ibuf=ibuf, iph=iph):
        pltpu.async_copy(xb.at[g + NBUF], ibuf, sems_in[iph])

      for r in range(8):
        s = lax.reduce_sum_p.bind(accs[r], axes=(0,))
        svec = jnp.full((L,), s, jnp.float32) * inv_z
        plsc.store_scatter(acc_v, [jnp.full((L,), g * 8 + r, jnp.int32)],
                           svec, mask=lane0)
    return 0

  lax.fori_loop(0, TD // NBUF, slab_pair, 0)
  for h in range(2):
    pltpu.make_async_copy(
        obufs[h], xrb.at[TD - 1, pl.ds(h * HALF, HALF)], sems_out[h]).wait()
  for cp in small_out:
    cp.wait()
  pltpu.sync_copy(acc_v, mean_hbm.at[wid])


@jax.jit
def kernel(x, w, ll, prev_inds, inds):
  inds32 = inds.astype(jnp.int32)
  pi32 = prev_inds.astype(jnp.int32)

  def view_x(a):
    return a.reshape(B, TN, 128, TD, 8).transpose(0, 3, 1, 4, 2)

  def view_s(a):
    return a.reshape(4, 8, TN, 128).transpose(0, 2, 1, 3)

  def unview_s(a):
    return a.transpose(0, 2, 1, 3).reshape(B, N)

  mesh = plsc.VectorSubcoreMesh(core_axis_name="c", subcore_axis_name="s")
  run = pl.kernel(
      _sc_body,
      out_type=(
          jax.ShapeDtypeStruct((B, D), jnp.float32),
          jax.ShapeDtypeStruct((B, TD, TN, 8, 128), jnp.float32),
          jax.ShapeDtypeStruct((4, TN, 8, 128), jnp.float32),
          jax.ShapeDtypeStruct((4, TN, 8, 128), jnp.float32),
          jax.ShapeDtypeStruct((4, TN, 8, 128), jnp.int32),
      ),
      mesh=mesh,
      compiler_params=pltpu.CompilerParams(needs_layout_passes=False,
                                           use_tc_tiling_on_sc=False),
      scratch_types=[
          pltpu.VMEM((TN, 128), jnp.int32),
          pltpu.VMEM((TN, 128), jnp.float32),
          pltpu.VMEM((TN, 128), jnp.float32),
          pltpu.VMEM((TN, 128), jnp.int32),
          pltpu.VMEM((TN, 128), jnp.float32),
          pltpu.VMEM((TN, 128), jnp.float32),
          pltpu.VMEM((TN, 128), jnp.int32),
          pltpu.VMEM((D,), jnp.float32),
          pltpu.VMEM((TN, 8, 128), jnp.float32),
          pltpu.VMEM((TN, 8, 128), jnp.float32),
          pltpu.VMEM((HALF, 8, 128), jnp.float32),
          pltpu.VMEM((HALF, 8, 128), jnp.float32),
          pltpu.SemaphoreType.DMA,
          pltpu.SemaphoreType.DMA,
          pltpu.SemaphoreType.DMA,
          pltpu.SemaphoreType.DMA,
          pltpu.SemaphoreType.DMA,
      ],
  )
  mean, xr5, wr4, llr4, pir4 = run(view_x(x), view_s(w), view_s(ll),
                                   view_s(pi32), view_s(inds32))
  x_r = xr5.transpose(0, 2, 4, 1, 3).reshape(B, N, D)
  return (mean, x_r, unview_s(wr4), unview_s(llr4),
          unview_s(pir4).astype(prev_inds.dtype))

# --- scband reference (transcript-rebuilt; emitter-appended) ---
"""Pipeline reference for scband-particle-state-58823872086706 (READ-ONLY COPY).

The authoritative reference and input builder live on the scoring server;
editing this copy changes nothing except your own understanding.
"""

import jax, jax.numpy as jnp
import numpy as np


def setup_inputs(seed: int = 0) -> dict:
    key = jax.random.key(seed)
    k1, k2, k3, k4, k5 = jax.random.split(key, 5)
    B, N, D = 32, 4096, 64
    x = jax.random.normal(k1, (B, N, D), dtype=jnp.float32)
    w = jax.random.normal(k2, (B, N), dtype=jnp.float32)
    ll = jax.random.normal(k3, (B, N), dtype=jnp.float32)
    prev_inds = jax.random.randint(k4, (B, N), 0, N, dtype=jnp.int64 if jax.config.read('jax_enable_x64') else jnp.int32)
    inds = jax.random.randint(k5, (B, N), 0, N, dtype=jnp.int64 if jax.config.read('jax_enable_x64') else jnp.int32)
    return {"x": x, "w": w, "ll": ll, "prev_inds": prev_inds, "inds": inds}


def reference(x, w, ll, prev_inds, inds):
    # resample: choose(tensor, inds) == batched gather along the particle dim
    x_r = jnp.take_along_axis(x, inds[..., None], axis=-2)
    w_r = jnp.take_along_axis(w, inds, axis=-1)
    ll_r = jnp.take_along_axis(ll, inds, axis=-1)
    prev_inds_r = jnp.take_along_axis(prev_inds, inds, axis=-1)
    # normalized_weights: w are log-weights -> exp-normalize (softmax) along particle dim
    normw = jax.nn.softmax(w_r, axis=-1)
    # get_mean: x.dim() == w.dim() + 1 branch
    mean = jnp.sum(x_r * normw[..., None], axis=-2)
    return (mean, x_r, w_r, ll_r, prev_inds_r)

if __name__ == "__main__":
    import jax
    _d = setup_inputs()
    print(jax.jit(kernel)(*tuple(_d.values())))

</pallas_src>

<mosaic_0001>
#map = affine_map<(d0, d1) -> (0, 0, 0, 0, 0)>
#map1 = affine_map<(d0, d1) -> (0, 0, 0, 0)>
#map2 = affine_map<(d0, d1) -> (0, 0)>
module attributes {stable_mosaic.version = 14 : i64} {
  func.func @_sc_body(%arg0: i32, %arg1: i32, %arg2: memref<32x8x32x8x128xf32, #tpu.memory_space<hbm>>, %arg3: memref<4x32x8x128xf32, #tpu.memory_space<hbm>>, %arg4: memref<4x32x8x128xf32, #tpu.memory_space<hbm>>, %arg5: memref<4x32x8x128xi32, #tpu.memory_space<hbm>>, %arg6: memref<4x32x8x128xi32, #tpu.memory_space<hbm>>, %arg7: memref<32x64xf32, #tpu.memory_space<hbm>>, %arg8: memref<32x8x32x8x128xf32, #tpu.memory_space<hbm>>, %arg9: memref<4x32x8x128xf32, #tpu.memory_space<hbm>>, %arg10: memref<4x32x8x128xf32, #tpu.memory_space<hbm>>, %arg11: memref<4x32x8x128xi32, #tpu.memory_space<hbm>>, %arg12: memref<32x128xi32, #tpu.memory_space<vmem>>, %arg13: memref<32x128xf32, #tpu.memory_space<vmem>>, %arg14: memref<32x128xf32, #tpu.memory_space<vmem>>, %arg15: memref<32x128xi32, #tpu.memory_space<vmem>>, %arg16: memref<32x128xf32, #tpu.memory_space<vmem>>, %arg17: memref<32x128xf32, #tpu.memory_space<vmem>>, %arg18: memref<32x128xi32, #tpu.memory_space<vmem>>, %arg19: memref<64xf32, #tpu.memory_space<vmem>>, %arg20: memref<32x8x128xf32, #tpu.memory_space<vmem>>, %arg21: memref<32x8x128xf32, #tpu.memory_space<vmem>>, %arg22: memref<16x8x128xf32, #tpu.memory_space<vmem>>, %arg23: memref<16x8x128xf32, #tpu.memory_space<vmem>>, %arg24: memref<!tpu.dma_semaphore, #tpu.memory_space<semaphore_mem>>, %arg25: memref<!tpu.dma_semaphore, #tpu.memory_space<semaphore_mem>>, %arg26: memref<!tpu.dma_semaphore, #tpu.memory_space<semaphore_mem>>, %arg27: memref<!tpu.dma_semaphore, #tpu.memory_space<semaphore_mem>>, %arg28: memref<!tpu.dma_semaphore, #tpu.memory_space<semaphore_mem>>) attributes {dimension_semantics = [#tpu.dimension_semantics<core_parallel>, #tpu.dimension_semantics<subcore_parallel>], iteration_bounds = array<i64: 2, 16>, scalar_prefetch = 0 : i64, scratch_operands = 17 : i64, tpu.core_type = #tpu.core_type<sc_vector_subcore>, window_params = [{transform_indices = #map}, {transform_indices = #map1}, {transform_indices = #map1}, {transform_indices = #map1}, {transform_indices = #map1}, {transform_indices = #map2}, {transform_indices = #map}, {transform_indices = #map1}, {transform_indices = #map1}, {transform_indices = #map1}]} {
    %mul3A = arith.constant 2 : i32
    %mul3A_0 = arith.muli %arg1, %mul3A : i32
    %add3A = arith.addi %mul3A_0, %arg0 : i32
    %jit3A = arith.constant 8 : i32
    %div3A = arith.divsi %add3A, %jit3A : i32
    %sign3A = arith.constant 0 : i32
    %sign3A_1 = arith.cmpi sgt, %add3A, %sign3A : i32
    %sign3A_2 = arith.extui %sign3A_1 : i1 to i32
    %sign3A_3 = arith.constant 0 : i32
    %sign3A_4 = arith.cmpi slt, %add3A, %sign3A_3 : i32
    %sign3A_5 = arith.extui %sign3A_4 : i1 to i32
    %sign3A_6 = arith.subi %sign3A_2, %sign3A_5 : i32
    %sign3A_7 = arith.constant 0 : i32
    %sign3A_8 = arith.cmpi sgt, %jit3A, %sign3A_7 : i32
    %sign3A_9 = arith.extui %sign3A_8 : i1 to i32
    %sign3A_10 = arith.constant 0 : i32
    %sign3A_11 = arith.cmpi slt, %jit3A, %sign3A_10 : i32
    %sign3A_12 = arith.extui %sign3A_11 : i1 to i32
    %sign3A_13 = arith.subi %sign3A_9, %sign3A_12 : i32
    %ne3A = arith.cmpi ne, %sign3A_6, %sign3A_13 : i32
    %rem3A = arith.remsi %add3A, %jit3A : i32
    %ne3A_14 = arith.constant 0 : i32
    %ne3A_15 = arith.cmpi ne, %rem3A, %ne3A_14 : i32
    %and3A = arith.andi %ne3A, %ne3A_15 : i1
    %sub3A = arith.constant 1 : i32
    %sub3A_16 = arith.subi %div3A, %sub3A : i32
    %select_n3A = arith.select %and3A, %sub3A_16, %div3A : i32
    %jit3A_17 = arith.constant 8 : i32
    %eq3A = arith.constant 0 : i32
    %eq3A_18 = arith.cmpi eq, %jit3A_17, %eq3A : i32
    %jit3A_19 = arith.constant 1 : i32
    %select_n3A_20 = arith.select %eq3A_18, %jit3A_19, %jit3A_17 : i32
    %rem3A_21 = arith.remsi %add3A, %select_n3A_20 : i32
    %ne3A_22 = arith.constant 0 : i32
    %ne3A_23 = arith.cmpi ne, %rem3A_21, %ne3A_22 : i32
    %lt3A = arith.constant 0 : i32
    %lt3A_24 = arith.cmpi slt, %rem3A_21, %lt3A : i32
    %lt3A_25 = arith.constant 0 : i32
    %lt3A_26 = arith.cmpi slt, %select_n3A_20, %lt3A_25 : i32
    %ne3A_27 = arith.xori %lt3A_24, %lt3A_26 : i1
    %and3A_28 = arith.andi %ne3A_27, %ne3A_23 : i1
    %add3A_29 = arith.addi %rem3A_21, %select_n3A_20 : i32
    %select_n3A_30 = arith.select %and3A_28, %add3A_29, %rem3A_21 : i32
    %dma_start3A = arith.constant 0 : i32
    %dma_start3A_31 = arith.constant 0 : i32
    %dma_start3A_32 = arith.constant 0 : i32
    %dma_start3A_33 = arith.constant 0 : i32
    %dma_start3A_34 = arith.constant 0 : i32
    %dma_start3A_35 = tpu.memref_slice %arg2[%add3A, %dma_start3A_31, %dma_start3A_32, %dma_start3A_33, %dma_start3A_34] : memref<32x8x32x8x128xf32, #tpu.memory_space<hbm>> -> memref<1x8x32x8x128xf32, #tpu.memory_space<hbm>>
    %dma_start3A_36 = tpu.memref_squeeze %dma_start3A_35 : memref<1x8x32x8x128xf32, #tpu.memory_space<hbm>> -> memref<8x32x8x128xf32, #tpu.memory_space<hbm>>
    %dma_start3A_37 = arith.constant 0 : i32
    %dma_start3A_38 = arith.constant 0 : i32
    %dma_start3A_39 = arith.constant 0 : i32
    %dma_start3A_40 = tpu.memref_slice %dma_start3A_36[%dma_start3A, %dma_start3A_37, %dma_start3A_38, %dma_start3A_39] : memref<8x32x8x128xf32, #tpu.memory_space<hbm>> -> memref<1x32x8x128xf32, #tpu.memory_space<hbm>>
    %dma_start3A_41 = tpu.memref_squeeze %dma_start3A_40 : memref<1x32x8x128xf32, #tpu.memory_space<hbm>> -> memref<32x8x128xf32, #tpu.memory_space<hbm>>
    %dma_start3A_42 = arith.constant 0 : i32
    %dma_start3A_43 = arith.constant 0 : i32
    %dma_start3A_44 = arith.constant 0 : i32
    %dma_start3A_45 = arith.constant 0 : i32
    %dma_start3A_46 = tpu.memref_slice %arg2[%add3A, %dma_start3A_42, %dma_start3A_43, %dma_start3A_44, %dma_start3A_45] : memref<32x8x32x8x128xf32, #tpu.memory_space<hbm>> -> memref<1x8x32x8x128xf32, #tpu.memory_space<hbm>>
    %dma_start3A_47 = tpu.memref_squeeze %dma_start3A_46 : memref<1x8x32x8x128xf32, #tpu.memory_space<hbm>> -> memref<8x32x8x128xf32, #tpu.memory_space<hbm>>
    %dma_start3A_48 = arith.constant 0 : i32
    %dma_start3A_49 = arith.constant 0 : i32
    %dma_start3A_50 = arith.constant 0 : i32
    %dma_start3A_51 = tpu.memref_slice %dma_start3A_47[%dma_start3A, %dma_start3A_48, %dma_start3A_49, %dma_start3A_50] : memref<8x32x8x128xf32, #tpu.memory_space<hbm>> -> memref<1x32x8x128xf32, #tpu.memory_space<hbm>>
    %dma_start3A_52 = tpu.memref_squeeze %dma_start3A_51 : memref<1x32x8x128xf32, #tpu.memory_space<hbm>> -> memref<32x8x128xf32, #tpu.memory_space<hbm>>
    tpu.enqueue_dma source(%dma_start3A_52 : memref<32x8x128xf32, #tpu.memory_space<hbm>>) target(%arg20 : memref<32x8x128xf32, #tpu.memory_space<vmem>>) target_semaphore(%arg24 : memref<!tpu.dma_semaphore, #tpu.memory_space<semaphore_mem>>)
    %dma_start3A_53 = arith.constant 1 : i32
    %dma_start3A_54 = arith.constant 0 : i32
    %dma_start3A_55 = arith.constant 0 : i32
    %dma_start3A_56 = arith.constant 0 : i32
    %dma_start3A_57 = arith.constant 0 : i32
    %dma_start3A_58 = tpu.memref_slice %arg2[%add3A, %dma_start3A_54, %dma_start3A_55, %dma_start3A_56, %dma_start3A_57] : memref<32x8x32x8x128xf32, #tpu.memory_space<hbm>> -> memref<1x8x32x8x128xf32, #tpu.memory_space<hbm>>
    %dma_start3A_59 = tpu.memref_squeeze %dma_start3A_58 : memref<1x8x32x8x128xf32, #tpu.memory_space<hbm>> -> memref<8x32x8x128xf32, #tpu.memory_space<hbm>>
    %dma_start3A_60 = arith.constant 0 : i32
    %dma_start3A_61 = arith.constant 0 : i32
    %dma_start3A_62 = arith.constant 0 : i32
    %dma_start3A_63 = tpu.memref_slice %dma_start3A_59[%dma_start3A_53, %dma_start3A_60, %dma_start3A_61, %dma_start3A_62] : memref<8x32x8x128xf32, #tpu.memory_space<hbm>> -> memref<1x32x8x128xf32, #tpu.memory_space<hbm>>
    %dma_start3A_64 = tpu.memref_squeeze %dma_start3A_63 : memref<1x32x8x128xf32, #tpu.memory_space<hbm>> -> memref<32x8x128xf32, #tpu.memory_space<hbm>>
    %dma_start3A_65 = arith.constant 0 : i32
    %dma_start3A_66 = arith.constant 0 : i32
    %dma_start3A_67 = arith.constant 0 : i32
    %dma_start3A_68 = arith.constant 0 : i32
    %dma_start3A_69 = tpu.memref_slice %arg2[%add3A, %dma_start3A_65, %dma_start3A_66, %dma_start3A_67, %dma_start3A_68] : memref<32x8x32x8x128xf32, #tpu.memory_space<hbm>> -> memref<1x8x32x8x128xf32, #tpu.memory_space<hbm>>
    %dma_start3A_70 = tpu.memref_squeeze %dma_start3A_69 : memref<1x8x32x8x128xf32, #tpu.memory_space<hbm>> -> memref<8x32x8x128xf32, #tpu.memory_space<hbm>>
    %dma_start3A_71 = arith.constant 0 : i32
    %dma_start3A_72 = arith.constant 0 : i32
    %dma_start3A_73 = arith.constant 0 : i32
    %dma_start3A_74 = tpu.memref_slice %dma_start3A_70[%dma_start3A_53, %dma_start3A_71, %dma_start3A_72, %dma_start3A_73] : memref<8x32x8x128xf32, #tpu.memory_space<hbm>> -> memref<1x32x8x128xf32, #tpu.memory_space<hbm>>
    %dma_start3A_75 = tpu.memref_squeeze %dma_start3A_74 : memref<1x32x8x128xf32, #tpu.memory_space<hbm>> -> memref<32x8x128xf32, #tpu.memory_space<hbm>>
    tpu.enqueue_dma source(%dma_start3A_75 : memref<32x8x128xf32, #tpu.memory_space<hbm>>) target(%arg21 : memref<32x8x128xf32, #tpu.memory_space<vmem>>) target_semaphore(%arg25 : memref<!tpu.dma_semaphore, #tpu.memory_space<semaphore_mem>>)
    %dma_start3A_76 = arith.constant 0 : i32
    %dma_start3A_77 = arith.constant 0 : i32
    %dma_start3A_78 = tpu.memref_slice %arg6[%select_n3A, %dma_start3A_76, %select_n3A_30, %dma_start3A_77] : memref<4x32x8x128xi32, #tpu.memory_space<hbm>> -> memref<1x32x1x128xi32, #tpu.memory_space<hbm>>
    %dma_start3A_79 = tpu.memref_squeeze %dma_start3A_78 : memref<1x32x1x128xi32, #tpu.memory_space<hbm>> -> memref<32x128xi32, #tpu.memory_space<hbm>>
    %dma_start3A_80 = arith.constant 0 : i32
    %dma_start3A_81 = arith.constant 0 : i32
    %dma_start3A_82 = tpu.memref_slice %arg6[%select_n3A, %dma_start3A_80, %select_n3A_30, %dma_start3A_81] : memref<4x32x8x128xi32, #tpu.memory_space<hbm>> -> memref<1x32x1x128xi32, #tpu.memory_space<hbm>>
    %dma_start3A_83 = tpu.memref_squeeze %dma_start3A_82 : memref<1x32x1x128xi32, #tpu.memory_space<hbm>> -> memref<32x128xi32, #tpu.memory_space<hbm>>
    tpu.enqueue_dma source(%dma_start3A_83 : memref<32x128xi32, #tpu.memory_space<hbm>>) target(%arg12 : memref<32x128xi32, #tpu.memory_space<vmem>>) target_semaphore(%arg28 : memref<!tpu.dma_semaphore, #tpu.memory_space<semaphore_mem>>)
    %dma_start3A_84 = arith.constant 0 : i32
    %dma_start3A_85 = arith.constant 0 : i32
    %dma_start3A_86 = tpu.memref_slice %arg3[%select_n3A, %dma_start3A_84, %select_n3A_30, %dma_start3A_85] : memref<4x32x8x128xf32, #tpu.memory_space<hbm>> -> memref<1x32x1x128xf32, #tpu.memory_space<hbm>>
    %dma_start3A_87 = tpu.memref_squeeze %dma_start3A_86 : memref<1x32x1x128xf32, #tpu.memory_space<hbm>> -> memref<32x128xf32, #tpu.memory_space<hbm>>
    %dma_start3A_88 = arith.constant 0 : i32
    %dma_start3A_89 = arith.constant 0 : i32
    %dma_start3A_90 = tpu.memref_slice %arg3[%select_n3A, %dma_start3A_88, %select_n3A_30, %dma_start3A_89] : memref<4x32x8x128xf32, #tpu.memory_space<hbm>> -> memref<1x32x1x128xf32, #tpu.memory_space<hbm>>
    %dma_start3A_91 = tpu.memref_squeeze %dma_start3A_90 : memref<1x32x1x128xf32, #tpu.memory_space<hbm>> -> memref<32x128xf32, #tpu.memory_space<hbm>>
    tpu.enqueue_dma source(%dma_start3A_91 : memref<32x128xf32, #tpu.memory_space<hbm>>) target(%arg13 : memref<32x128xf32, #tpu.memory_space<vmem>>) target_semaphore(%arg28 : memref<!tpu.dma_semaphore, #tpu.memory_space<semaphore_mem>>)
    %dma_start3A_92 = arith.constant 0 : i32
    %dma_start3A_93 = arith.constant 0 : i32
    %dma_start3A_94 = tpu.memref_slice %arg4[%select_n3A, %dma_start3A_92, %select_n3A_30, %dma_start3A_93] : memref<4x32x8x128xf32, #tpu.memory_space<hbm>> -> memref<1x32x1x128xf32, #tpu.memory_space<hbm>>
    %dma_start3A_95 = tpu.memref_squeeze %dma_start3A_94 : memref<1x32x1x128xf32, #tpu.memory_space<hbm>> -> memref<32x128xf32, #tpu.memory_space<hbm>>
    %dma_start3A_96 = arith.constant 0 : i32
    %dma_start3A_97 = arith.constant 0 : i32
    %dma_start3A_98 = tpu.memref_slice %arg4[%select_n3A, %dma_start3A_96, %select_n3A_30, %dma_start3A_97] : memref<4x32x8x128xf32, #tpu.memory_space<hbm>> -> memref<1x32x1x128xf32, #tpu.memory_space<hbm>>
    %dma_start3A_99 = tpu.memref_squeeze %dma_start3A_98 : memref<1x32x1x128xf32, #tpu.memory_space<hbm>> -> memref<32x128xf32, #tpu.memory_space<hbm>>
    tpu.enqueue_dma source(%dma_start3A_99 : memref<32x128xf32, #tpu.memory_space<hbm>>) target(%arg14 : memref<32x128xf32, #tpu.memory_space<vmem>>) target_semaphore(%arg28 : memref<!tpu.dma_semaphore, #tpu.memory_space<semaphore_mem>>)
    %dma_start3A_100 = arith.constant 0 : i32
    %dma_start3A_101 = arith.constant 0 : i32
    %dma_start3A_102 = tpu.memref_slice %arg5[%select_n3A, %dma_start3A_100, %select_n3A_30, %dma_start3A_101] : memref<4x32x8x128xi32, #tpu.memory_space<hbm>> -> memref<1x32x1x128xi32, #tpu.memory_space<hbm>>
    %dma_start3A_103 = tpu.memref_squeeze %dma_start3A_102 : memref<1x32x1x128xi32, #tpu.memory_space<hbm>> -> memref<32x128xi32, #tpu.memory_space<hbm>>
    %dma_start3A_104 = arith.constant 0 : i32
    %dma_start3A_105 = arith.constant 0 : i32
    %dma_start3A_106 = tpu.memref_slice %arg5[%select_n3A, %dma_start3A_104, %select_n3A_30, %dma_start3A_105] : memref<4x32x8x128xi32, #tpu.memory_space<hbm>> -> memref<1x32x1x128xi32, #tpu.memory_space<hbm>>
    %dma_start3A_107 = tpu.memref_squeeze %dma_start3A_106 : memref<1x32x1x128xi32, #tpu.memory_space<hbm>> -> memref<32x128xi32, #tpu.memory_space<hbm>>
    tpu.enqueue_dma source(%dma_start3A_107 : memref<32x128xi32, #tpu.memory_space<hbm>>) target(%arg15 : memref<32x128xi32, #tpu.memory_space<vmem>>) target_semaphore(%arg28 : memref<!tpu.dma_semaphore, #tpu.memory_space<semaphore_mem>>)
    %dma_wait3A = arith.constant 0 : i32
    %dma_wait3A_108 = arith.constant 0 : i32
    %dma_wait3A_109 = tpu.memref_slice %arg6[%select_n3A, %dma_wait3A, %select_n3A_30, %dma_wait3A_108] : memref<4x32x8x128xi32, #tpu.memory_space<hbm>> -> memref<1x32x1x128xi32, #tpu.memory_space<hbm>>
    %dma_wait3A_110 = tpu.memref_squeeze %dma_wait3A_109 : memref<1x32x1x128xi32, #tpu.memory_space<hbm>> -> memref<32x128xi32, #tpu.memory_space<hbm>>
    %dma_wait3A_111 = arith.constant 0 : i32
    %dma_wait3A_112 = arith.constant 0 : i32
    %dma_wait3A_113 = tpu.memref_slice %arg6[%select_n3A, %dma_wait3A_111, %select_n3A_30, %dma_wait3A_112] : memref<4x32x8x128xi32, #tpu.memory_space<hbm>> -> memref<1x32x1x128xi32, #tpu.memory_space<hbm>>
    %dma_wait3A_114 = tpu.memref_squeeze %dma_wait3A_113 : memref<1x32x1x128xi32, #tpu.memory_space<hbm>> -> memref<32x128xi32, #tpu.memory_space<hbm>>
    tpu.wait_dma2 semaphore(%arg28 : memref<!tpu.dma_semaphore, #tpu.memory_space<semaphore_mem>>) src(%dma_wait3A_114 : memref<32x128xi32, #tpu.memory_space<hbm>>) dst(%arg12 : memref<32x128xi32, #tpu.memory_space<vmem>>)
    %dma_wait3A_115 = arith.constant 0 : i32
    %dma_wait3A_116 = arith.constant 0 : i32
    %dma_wait3A_117 = tpu.memref_slice %arg3[%select_n3A, %dma_wait3A_115, %select_n3A_30, %dma_wait3A_116] : memref<4x32x8x128xf32, #tpu.memory_space<hbm>> -> memref<1x32x1x128xf32, #tpu.memory_space<hbm>>
    %dma_wait3A_118 = tpu.memref_squeeze %dma_wait3A_117 : memref<1x32x1x128xf32, #tpu.memory_space<hbm>> -> memref<32x128xf32, #tpu.memory_space<hbm>>
    %dma_wait3A_119 = arith.constant 0 : i32
    %dma_wait3A_120 = arith.constant 0 : i32
    %dma_wait3A_121 = tpu.memref_slice %arg3[%select_n3A, %dma_wait3A_119, %select_n3A_30, %dma_wait3A_120] : memref<4x32x8x128xf32, #tpu.memory_space<hbm>> -> memref<1x32x1x128xf32, #tpu.memory_space<hbm>>
    %dma_wait3A_122 = tpu.memref_squeeze %dma_wait3A_121 : memref<1x32x1x128xf32, #tpu.memory_space<hbm>> -> memref<32x128xf32, #tpu.memory_space<hbm>>
    tpu.wait_dma2 semaphore(%arg28 : memref<!tpu.dma_semaphore, #tpu.memory_space<semaphore_mem>>) src(%dma_wait3A_122 : memref<32x128xf32, #tpu.memory_space<hbm>>) dst(%arg13 : memref<32x128xf32, #tpu.memory_space<vmem>>)
    %dma_wait3A_123 = arith.constant 0 : i32
    %dma_wait3A_124 = arith.constant 0 : i32
    %dma_wait3A_125 = tpu.memref_slice %arg4[%select_n3A, %dma_wait3A_123, %select_n3A_30, %dma_wait3A_124] : memref<4x32x8x128xf32, #tpu.memory_space<hbm>> -> memref<1x32x1x128xf32, #tpu.memory_space<hbm>>
    %dma_wait3A_126 = tpu.memref_squeeze %dma_wait3A_125 : memref<1x32x1x128xf32, #tpu.memory_space<hbm>> -> memref<32x128xf32, #tpu.memory_space<hbm>>
    %dma_wait3A_127 = arith.constant 0 : i32
    %dma_wait3A_128 = arith.constant 0 : i32
    %dma_wait3A_129 = tpu.memref_slice %arg4[%select_n3A, %dma_wait3A_127, %select_n3A_30, %dma_wait3A_128] : memref<4x32x8x128xf32, #tpu.memory_space<hbm>> -> memref<1x32x1x128xf32, #tpu.memory_space<hbm>>
    %dma_wait3A_130 = tpu.memref_squeeze %dma_wait3A_129 : memref<1x32x1x128xf32, #tpu.memory_space<hbm>> -> memref<32x128xf32, #tpu.memory_space<hbm>>
    tpu.wait_dma2 semaphore(%arg28 : memref<!tpu.dma_semaphore, #tpu.memory_space<semaphore_mem>>) src(%dma_wait3A_130 : memref<32x128xf32, #tpu.memory_space<hbm>>) dst(%arg14 : memref<32x128xf32, #tpu.memory_space<vmem>>)
    %dma_wait3A_131 = arith.constant 0 : i32
    %dma_wait3A_132 = arith.constant 0 : i32
    %dma_wait3A_133 = tpu.memref_slice %arg5[%select_n3A, %dma_wait3A_131, %select_n3A_30, %dma_wait3A_132] : memref<4x32x8x128xi32, #tpu.memory_space<hbm>> -> memref<1x32x1x128xi32, #tpu.memory_space<hbm>>
    %dma_wait3A_134 = tpu.memref_squeeze %dma_wait3A_133 : memref<1x32x1x128xi32, #tpu.memory_space<hbm>> -> memref<32x128xi32, #tpu.memory_space<hbm>>
    %dma_wait3A_135 = arith.constant 0 : i32
    %dma_wait3A_136 = arith.constant 0 : i32
    %dma_wait3A_137 = tpu.memref_slice %arg5[%select_n3A, %dma_wait3A_135, %select_n3A_30, %dma_wait3A_136] : memref<4x32x8x128xi32, #tpu.memory_space<hbm>> -> memref<1x32x1x128xi32, #tpu.memory_space<hbm>>
    %dma_wait3A_138 = tpu.memref_squeeze %dma_wait3A_137 : memref<1x32x1x128xi32, #tpu.memory_space<hbm>> -> memref<32x128xi32, #tpu.memory_space<hbm>>
    tpu.wait_dma2 semaphore(%arg28 : memref<!tpu.dma_semaphore, #tpu.memory_space<semaphore_mem>>) src(%dma_wait3A_138 : memref<32x128xi32, #tpu.memory_space<hbm>>) dst(%arg15 : memref<32x128xi32, #tpu.memory_space<vmem>>)
    %broadcast_in_dim3A = arith.constant 0xFF800000 : f32
    %broadcast_in_dim3A_139 = vector.broadcast %broadcast_in_dim3A : f32 to vector<16xf32>
    %parallel_loop3A = arith.constant 0 : i32
    %parallel_loop3A_140 = arith.constant 256 : i32
    %parallel_loop3A_141 = arith.constant 1 : i32
    %parallel_loop3A_142 = scf.for %parallel_loop3A_262 = %parallel_loop3A to %parallel_loop3A_140 step %parallel_loop3A_141 iter_args(%parallel_loop3A_263 = %broadcast_in_dim3A_139) -> (vector<16xf32>)  : i32 {
      %parallel_loop3A_264 = arith.constant 8 : i32
      %parallel_loop3A_265 = arith.divsi %parallel_loop3A_262, %parallel_loop3A_264 : i32
      %parallel_loop3A_266 = arith.constant 0 : i32
      %parallel_loop3A_267 = arith.cmpi sgt, %parallel_loop3A_262, %parallel_loop3A_266 : i32
      %parallel_loop3A_268 = arith.extui %parallel_loop3A_267 : i1 to i32
      %parallel_loop3A_269 = arith.constant 0 : i32
      %parallel_loop3A_270 = arith.cmpi slt, %parallel_loop3A_262, %parallel_loop3A_269 : i32
      %parallel_loop3A_271 = arith.extui %parallel_loop3A_270 : i1 to i32
      %parallel_loop3A_272 = arith.subi %parallel_loop3A_268, %parallel_loop3A_271 : i32
      %parallel_loop3A_273 = arith.constant 0 : i32
      %parallel_loop3A_274 = arith.cmpi sgt, %parallel_loop3A_264, %parallel_loop3A_273 : i32
      %parallel_loop3A_275 = arith.extui %parallel_loop3A_274 : i1 to i32
      %parallel_loop3A_276 = arith.constant 0 : i32
      %parallel_loop3A_277 = arith.cmpi slt, %parallel_loop3A_264, %parallel_loop3A_276 : i32
      %parallel_loop3A_278 = arith.extui %parallel_loop3A_277 : i1 to i32
      %parallel_loop3A_279 = arith.subi %parallel_loop3A_275, %parallel_loop3A_278 : i32
      %parallel_loop3A_280 = arith.cmpi ne, %parallel_loop3A_272, %parallel_loop3A_279 : i32
      %parallel_loop3A_281 = arith.remsi %parallel_loop3A_262, %parallel_loop3A_264 : i32
      %parallel_loop3A_282 = arith.constant 0 : i32
      %parallel_loop3A_283 = arith.cmpi ne, %parallel_loop3A_281, %parallel_loop3A_282 : i32
      %parallel_loop3A_284 = arith.andi %parallel_loop3A_280, %parallel_loop3A_283 : i1
      %parallel_loop3A_285 = arith.constant 1 : i32
      %parallel_loop3A_286 = arith.subi %parallel_loop3A_265, %parallel_loop3A_285 : i32
      %parallel_loop3A_287 = arith.select %parallel_loop3A_284, %parallel_loop3A_286, %parallel_loop3A_265 : i32
      %parallel_loop3A_288 = arith.constant 8 : i32
      %parallel_loop3A_289 = arith.constant 0 : i32
      %parallel_loop3A_290 = arith.cmpi eq, %parallel_loop3A_288, %parallel_loop3A_289 : i32
      %parallel_loop3A_291 = arith.constant 1 : i32
      %parallel_loop3A_292 = arith.select %parallel_loop3A_290, %parallel_loop3A_291, %parallel_loop3A_288 : i32
      %parallel_loop3A_293 = arith.remsi %parallel_loop3A_262, %parallel_loop3A_292 : i32
      %parallel_loop3A_294 = arith.constant 0 : i32
      %parallel_loop3A_295 = arith.cmpi ne, %parallel_loop3A_293, %parallel_loop3A_294 : i32
      %parallel_loop3A_296 = arith.constant 0 : i32
      %parallel_loop3A_297 = arith.cmpi slt, %parallel_loop3A_293, %parallel_loop3A_296 : i32
      %parallel_loop3A_298 = arith.constant 0 : i32
      %parallel_loop3A_299 = arith.cmpi slt, %parallel_loop3A_292, %parallel_loop3A_298 : i32
      %parallel_loop3A_300 = arith.xori %parallel_loop3A_297, %parallel_loop3A_299 : i1
      %parallel_loop3A_301 = arith.andi %parallel_loop3A_300, %parallel_loop3A_295 : i1
      %parallel_loop3A_302 = arith.addi %parallel_loop3A_293, %parallel_loop3A_292 : i32
      %parallel_loop3A_303 = arith.select %parallel_loop3A_301, %parallel_loop3A_302, %parallel_loop3A_293 : i32
      %parallel_loop3A_304 = arith.constant 16 : i32
      %parallel_loop3A_305 = arith.muli %parallel_loop3A_303, %parallel_loop3A_304 : i32
      %parallel_loop3A_306 = arith.index_cast %parallel_loop3A_287 : i32 to index
      %parallel_loop3A_307 = arith.index_cast %parallel_loop3A_305 : i32 to index
      %parallel_loop3A_308 = tpu.vector_load %arg12[%parallel_loop3A_306, %parallel_loop3A_307] {strides = array<i32>} : memref<32x128xi32, #tpu.memory_space<vmem>>, vector<16xi32>,
      %parallel_loop3A_309 = arith.constant 7 : i32
      %parallel_loop3A_310 = vector.broadcast %parallel_loop3A_309 : i32 to vector<16xi32>
      %parallel_loop3A_311 = arith.shrui %parallel_loop3A_308, %parallel_loop3A_310 : vector<16xi32>
      %parallel_loop3A_312 = arith.constant 127 : i32
      %parallel_loop3A_313 = vector.broadcast %parallel_loop3A_312 : i32 to vector<16xi32>
      %parallel_loop3A_314 = arith.andi %parallel_loop3A_308, %parallel_loop3A_313 : vector<16xi32>
      %parallel_loop3A_315 = tpu.vector_load_idx %arg13[%parallel_loop3A_311, %parallel_loop3A_314] : memref<32x128xf32, #tpu.memory_space<vmem>>[vector<16xi32>, vector<16xi32>], vector<16xf32>,
      %parallel_loop3A_316 = arith.index_cast %parallel_loop3A_287 : i32 to index
      %parallel_loop3A_317 = arith.index_cast %parallel_loop3A_305 : i32 to index
      %parallel_loop3A_318 = tpu.vector_load %arg16[%parallel_loop3A_316, %parallel_loop3A_317] {strides = array<i32>} : memref<32x128xf32, #tpu.memory_space<vmem>>, vector<16xf32>,
      tpu.vector_store %arg16[%parallel_loop3A_316, %parallel_loop3A_317], %parallel_loop3A_315 {strides = array<i32>} : memref<32x128xf32, #tpu.memory_space<vmem>>, vector<16xf32>,
      %parallel_loop3A_319 = tpu.vector_load_idx %arg14[%parallel_loop3A_311, %parallel_loop3A_314] : memref<32x128xf32, #tpu.memory_space<vmem>>[vector<16xi32>, vector<16xi32>], vector<16xf32>,
      %parallel_loop3A_320 = arith.index_cast %parallel_loop3A_287 : i32 to index
      %parallel_loop3A_321 = arith.index_cast %parallel_loop3A_305 : i32 to index
      %parallel_loop3A_322 = tpu.vector_load %arg17[%parallel_loop3A_320, %parallel_loop3A_321] {strides = array<i32>} : memref<32x128xf32, #tpu.memory_space<vmem>>, vector<16xf32>,
      tpu.vector_store %arg17[%parallel_loop3A_320, %parallel_loop3A_321], %parallel_loop3A_319 {strides = array<i32>} : memref<32x128xf32, #tpu.memory_space<vmem>>, vector<16xf32>,
      %parallel_loop3A_323 = tpu.vector_load_idx %arg15[%parallel_loop3A_311, %parallel_loop3A_314] : memref<32x128xi32, #tpu.memory_space<vmem>>[vector<16xi32>, vector<16xi32>], vector<16xi32>,
      %parallel_loop3A_324 = arith.index_cast %parallel_loop3A_287 : i32 to index
      %parallel_loop3A_325 = arith.index_cast %parallel_loop3A_305 : i32 to index
      %parallel_loop3A_326 = tpu.vector_load %arg18[%parallel_loop3A_324, %parallel_loop3A_325] {strides = array<i32>} : memref<32x128xi32, #tpu.memory_space<vmem>>, vector<16xi32>,
      tpu.vector_store %arg18[%parallel_loop3A_324, %parallel_loop3A_325], %parallel_loop3A_323 {strides = array<i32>} : memref<32x128xi32, #tpu.memory_space<vmem>>, vector<16xi32>,
      %parallel_loop3A_327 = arith.maximumf %parallel_loop3A_263, %parallel_loop3A_315 : vector<16xf32>
      scf.yield %parallel_loop3A_327 : vector<16xf32>
    } {sc.loop_unroll_factor = 2 : i64, sc.parallel_access}
    %reduce_max3A = arith.constant true
    %reduce_max3A_143 = vector.broadcast %reduce_max3A : i1 to vector<16xi1>
    %reduce_max3A_144 = tpu.scan <max>, %parallel_loop3A_142 masked %reduce_max3A_143 : vector<16xf32>, vector<16xi1> -> vector<16xf32>
    %reduce_max3A_145 = vector.extract %reduce_max3A_144[15] : f32 from vector<16xf32>
    %broadcast_in_dim3A_146 = arith.constant 0.000000e+00 : f32
    %broadcast_in_dim3A_147 = vector.broadcast %broadcast_in_dim3A_146 : f32 to vector<16xf32>
    %parallel_loop3A_148 = arith.constant 0 : i32
    %parallel_loop3A_149 = arith.constant 256 : i32
    %parallel_loop3A_150 = arith.constant 1 : i32
    %parallel_loop3A_151 = scf.for %parallel_loop3A_262 = %parallel_loop3A_148 to %parallel_loop3A_149 step %parallel_loop3A_150 iter_args(%parallel_loop3A_263 = %broadcast_in_dim3A_147) -> (vector<16xf32>)  : i32 {
      %parallel_loop3A_264 = arith.constant 8 : i32
      %parallel_loop3A_265 = arith.divsi %parallel_loop3A_262, %parallel_loop3A_264 : i32
      %parallel_loop3A_266 = arith.constant 0 : i32
      %parallel_loop3A_267 = arith.cmpi sgt, %parallel_loop3A_262, %parallel_loop3A_266 : i32
      %parallel_loop3A_268 = arith.extui %parallel_loop3A_267 : i1 to i32
      %parallel_loop3A_269 = arith.constant 0 : i32
      %parallel_loop3A_270 = arith.cmpi slt, %parallel_loop3A_262, %parallel_loop3A_269 : i32
      %parallel_loop3A_271 = arith.extui %parallel_loop3A_270 : i1 to i32
      %parallel_loop3A_272 = arith.subi %parallel_loop3A_268, %parallel_loop3A_271 : i32
      %parallel_loop3A_273 = arith.constant 0 : i32
      %parallel_loop3A_274 = arith.cmpi sgt, %parallel_loop3A_264, %parallel_loop3A_273 : i32
      %parallel_loop3A_275 = arith.extui %parallel_loop3A_274 : i1 to i32
      %parallel_loop3A_276 = arith.constant 0 : i32
      %parallel_loop3A_277 = arith.cmpi slt, %parallel_loop3A_264, %parallel_loop3A_276 : i32
      %parallel_loop3A_278 = arith.extui %parallel_loop3A_277 : i1 to i32
      %parallel_loop3A_279 = arith.subi %parallel_loop3A_275, %parallel_loop3A_278 : i32
      %parallel_loop3A_280 = arith.cmpi ne, %parallel_loop3A_272, %parallel_loop3A_279 : i32
      %parallel_loop3A_281 = arith.remsi %parallel_loop3A_262, %parallel_loop3A_264 : i32
      %parallel_loop3A_282 = arith.constant 0 : i32
      %parallel_loop3A_283 = arith.cmpi ne, %parallel_loop3A_281, %parallel_loop3A_282 : i32
      %parallel_loop3A_284 = arith.andi %parallel_loop3A_280, %parallel_loop3A_283 : i1
      %parallel_loop3A_285 = arith.constant 1 : i32
      %parallel_loop3A_286 = arith.subi %parallel_loop3A_265, %parallel_loop3A_285 : i32
      %parallel_loop3A_287 = arith.select %parallel_loop3A_284, %parallel_loop3A_286, %parallel_loop3A_265 : i32
      %parallel_loop3A_288 = arith.constant 8 : i32
      %parallel_loop3A_289 = arith.constant 0 : i32
      %parallel_loop3A_290 = arith.cmpi eq, %parallel_loop3A_288, %parallel_loop3A_289 : i32
      %parallel_loop3A_291 = arith.constant 1 : i32
      %parallel_loop3A_292 = arith.select %parallel_loop3A_290, %parallel_loop3A_291, %parallel_loop3A_288 : i32
      %parallel_loop3A_293 = arith.remsi %parallel_loop3A_262, %parallel_loop3A_292 : i32
      %parallel_loop3A_294 = arith.constant 0 : i32
      %parallel_loop3A_295 = arith.cmpi ne, %parallel_loop3A_293, %parallel_loop3A_294 : i32
      %parallel_loop3A_296 = arith.constant 0 : i32
      %parallel_loop3A_297 = arith.cmpi slt, %parallel_loop3A_293, %parallel_loop3A_296 : i32
      %parallel_loop3A_298 = arith.constant 0 : i32
      %parallel_loop3A_299 = arith.cmpi slt, %parallel_loop3A_292, %parallel_loop3A_298 : i32
      %parallel_loop3A_300 = arith.xori %parallel_loop3A_297, %parallel_loop3A_299 : i1
      %parallel_loop3A_301 = arith.andi %parallel_loop3A_300, %parallel_loop3A_295 : i1
      %parallel_loop3A_302 = arith.addi %parallel_loop3A_293, %parallel_loop3A_292 : i32
      %parallel_loop3A_303 = arith.select %parallel_loop3A_301, %parallel_loop3A_302, %parallel_loop3A_293 : i32
      %parallel_loop3A_304 = arith.constant 16 : i32
      %parallel_loop3A_305 = arith.muli %parallel_loop3A_303, %parallel_loop3A_304 : i32
      %parallel_loop3A_306 = arith.index_cast %parallel_loop3A_287 : i32 to index
      %parallel_loop3A_307 = arith.index_cast %parallel_loop3A_305 : i32 to index
      %parallel_loop3A_308 = tpu.vector_load %arg16[%parallel_loop3A_306, %parallel_loop3A_307] {strides = array<i32>} : memref<32x128xf32, #tpu.memory_space<vmem>>, vector<16xf32>,
      %parallel_loop3A_309 = vector.broadcast %reduce_max3A_145 : f32 to vector<16xf32>
      %parallel_loop3A_310 = arith.subf %parallel_loop3A_308, %parallel_loop3A_309 : vector<16xf32>
      %parallel_loop3A_311 = math.exp %parallel_loop3A_310 : vector<16xf32>
      %parallel_loop3A_312 = arith.index_cast %parallel_loop3A_287 : i32 to index
      %parallel_loop3A_313 = arith.index_cast %parallel_loop3A_305 : i32 to index
      %parallel_loop3A_314 = tpu.vector_load %arg13[%parallel_loop3A_312, %parallel_loop3A_313] {strides = array<i32>} : memref<32x128xf32, #tpu.memory_space<vmem>>, vector<16xf32>,
      tpu.vector_store %arg13[%parallel_loop3A_312, %parallel_loop3A_313], %parallel_loop3A_311 {strides = array<i32>} : memref<32x128xf32, #tpu.memory_space<vmem>>, vector<16xf32>,
      %parallel_loop3A_315 = arith.addf %parallel_loop3A_263, %parallel_loop3A_311 : vector<16xf32>
      scf.yield %parallel_loop3A_315 : vector<16xf32>
    } {sc.loop_unroll_factor = 2 : i64, sc.parallel_access}
    %broadcast_in_dim3A_152 = arith.constant 1.000000e+00 : f32
    %broadcast_in_dim3A_153 = vector.broadcast %broadcast_in_dim3A_152 : f32 to vector<16xf32>
    %reduce_sum3A = arith.constant true
    %reduce_sum3A_154 = vector.broadcast %reduce_sum3A : i1 to vector<16xi1>
    %reduce_sum3A_155 = tpu.scan <sum>, %parallel_loop3A_151 masked %reduce_sum3A_154 : vector<16xf32>, vector<16xi1> -> vector<16xf32>
    %reduce_sum3A_156 = vector.extract %reduce_sum3A_155[15] : f32 from vector<16xf32>
    %broadcast_in_dim3A_157 = vector.broadcast %reduce_sum3A_156 : f32 to vector<16xf32>
    %div3A_158 = arith.divf %broadcast_in_dim3A_153, %broadcast_in_dim3A_157 : vector<16xf32>
    %dma_start3A_159 = arith.constant 0 : i32
    %dma_start3A_160 = arith.constant 0 : i32
    %dma_start3A_161 = tpu.memref_slice %arg9[%select_n3A, %dma_start3A_159, %select_n3A_30, %dma_start3A_160] : memref<4x32x8x128xf32, #tpu.memory_space<hbm>> -> memref<1x32x1x128xf32, #tpu.memory_space<hbm>>
    %dma_start3A_162 = tpu.memref_squeeze %dma_start3A_161 : memref<1x32x1x128xf32, #tpu.memory_space<hbm>> -> memref<32x128xf32, #tpu.memory_space<hbm>>
    %dma_start3A_163 = arith.constant 0 : i32
    %dma_start3A_164 = arith.constant 0 : i32
    %dma_start3A_165 = tpu.memref_slice %arg9[%select_n3A, %dma_start3A_163, %select_n3A_30, %dma_start3A_164] : memref<4x32x8x128xf32, #tpu.memory_space<hbm>> -> memref<1x32x1x128xf32, #tpu.memory_space<hbm>>
    %dma_start3A_166 = tpu.memref_squeeze %dma_start3A_165 : memref<1x32x1x128xf32, #tpu.memory_space<hbm>> -> memref<32x128xf32, #tpu.memory_space<hbm>>
    tpu.enqueue_dma source(%arg16 : memref<32x128xf32, #tpu.memory_space<vmem>>) target(%dma_start3A_166 : memref<32x128xf32, #tpu.memory_space<hbm>>) target_semaphore(%arg28 : memref<!tpu.dma_semaphore, #tpu.memory_space<semaphore_mem>>)
    %dma_start3A_167 = arith.constant 0 : i32
    %dma_start3A_168 = arith.constant 0 : i32
    %dma_start3A_169 = tpu.memref_slice %arg10[%select_n3A, %dma_start3A_167, %select_n3A_30, %dma_start3A_168] : memref<4x32x8x128xf32, #tpu.memory_space<hbm>> -> memref<1x32x1x128xf32, #tpu.memory_space<hbm>>
    %dma_start3A_170 = tpu.memref_squeeze %dma_start3A_169 : memref<1x32x1x128xf32, #tpu.memory_space<hbm>> -> memref<32x128xf32, #tpu.memory_space<hbm>>
    %dma_start3A_171 = arith.constant 0 : i32
    %dma_start3A_172 = arith.constant 0 : i32
    %dma_start3A_173 = tpu.memref_slice %arg10[%select_n3A, %dma_start3A_171, %select_n3A_30, %dma_start3A_172] : memref<4x32x8x128xf32, #tpu.memory_space<hbm>> -> memref<1x32x1x128xf32, #tpu.memory_space<hbm>>
    %dma_start3A_174 = tpu.memref_squeeze %dma_start3A_173 : memref<1x32x1x128xf32, #tpu.memory_space<hbm>> -> memref<32x128xf32, #tpu.memory_space<hbm>>
    tpu.enqueue_dma source(%arg17 : memref<32x128xf32, #tpu.memory_space<vmem>>) target(%dma_start3A_174 : memref<32x128xf32, #tpu.memory_space<hbm>>) target_semaphore(%arg28 : memref<!tpu.dma_semaphore, #tpu.memory_space<semaphore_mem>>)
    %dma_start3A_175 = arith.constant 0 : i32
    %dma_start3A_176 = arith.constant 0 : i32
    %dma_start3A_177 = tpu.memref_slice %arg11[%select_n3A, %dma_start3A_175, %select_n3A_30, %dma_start3A_176] : memref<4x32x8x128xi32, #tpu.memory_space<hbm>> -> memref<1x32x1x128xi32, #tpu.memory_space<hbm>>
    %dma_start3A_178 = tpu.memref_squeeze %dma_start3A_177 : memref<1x32x1x128xi32, #tpu.memory_space<hbm>> -> memref<32x128xi32, #tpu.memory_space<hbm>>
    %dma_start3A_179 = arith.constant 0 : i32
    %dma_start3A_180 = arith.constant 0 : i32
    %dma_start3A_181 = tpu.memref_slice %arg11[%select_n3A, %dma_start3A_179, %select_n3A_30, %dma_start3A_180] : memref<4x32x8x128xi32, #tpu.memory_space<hbm>> -> memref<1x32x1x128xi32, #tpu.memory_space<hbm>>
    %dma_start3A_182 = tpu.memref_squeeze %dma_start3A_181 : memref<1x32x1x128xi32, #tpu.memory_space<hbm>> -> memref<32x128xi32, #tpu.memory_space<hbm>>
    tpu.enqueue_dma source(%arg18 : memref<32x128xi32, #tpu.memory_space<vmem>>) target(%dma_start3A_182 : memref<32x128xi32, #tpu.memory_space<hbm>>) target_semaphore(%arg28 : memref<!tpu.dma_semaphore, #tpu.memory_space<semaphore_mem>>)
    %iota3A = tpu.iota {dimensions = array<i32: 0>} : vector<16xi32>
    %eq3A_183 = arith.constant 0 : i32
    %eq3A_184 = vector.broadcast %eq3A_183 : i32 to vector<16xi32>
    %eq3A_185 = arith.cmpi eq, %iota3A, %eq3A_184 : vector<16xi32>
    %scan3A = arith.constant 0 : i32
    %scan3A_186 = arith.constant 0 : i32
    %scan3A_187 = arith.constant 4 : i32
    %scan3A_188 = arith.addi %scan3A_186, %scan3A_187 : i32
    %scan3A_189 = arith.constant 1 : i32
    %scan3A_190 = scf.for %scan3A_262 = %scan3A_186 to %scan3A_188 step %scan3A_189 iter_args(%scan3A_263 = %scan3A) -> (i32)  : i32 {
      %mul3A_264 = arith.constant 2 : i32
      %mul3A_265 = arith.muli %scan3A_262, %mul3A_264 : i32
      %add3A_266 = arith.constant 0 : i32
      %add3A_267 = arith.addi %mul3A_265, %add3A_266 : i32
      %dma_wait3A_268 = arith.constant 0 : i32
      %dma_wait3A_269 = arith.constant 0 : i32
      %dma_wait3A_270 = arith.constant 0 : i32
      %dma_wait3A_271 = arith.constant 0 : i32
      %dma_wait3A_272 = tpu.memref_slice %arg2[%add3A, %dma_wait3A_268, %dma_wait3A_269, %dma_wait3A_270, %dma_wait3A_271] : memref<32x8x32x8x128xf32, #tpu.memory_space<hbm>> -> memref<1x8x32x8x128xf32, #tpu.memory_space<hbm>>
      %dma_wait3A_273 = tpu.memref_squeeze %dma_wait3A_272 : memref<1x8x32x8x128xf32, #tpu.memory_space<hbm>> -> memref<8x32x8x128xf32, #tpu.memory_space<hbm>>
      %dma_wait3A_274 = arith.constant 0 : i32
      %dma_wait3A_275 = arith.constant 0 : i32
      %dma_wait3A_276 = arith.constant 0 : i32
      %dma_wait3A_277 = tpu.memref_slice %dma_wait3A_273[%add3A_267, %dma_wait3A_274, %dma_wait3A_275, %dma_wait3A_276] : memref<8x32x8x128xf32, #tpu.memory_space<hbm>> -> memref<1x32x8x128xf32, #tpu.memory_space<hbm>>
      %dma_wait3A_278 = tpu.memref_squeeze %dma_wait3A_277 : memref<1x32x8x128xf32, #tpu.memory_space<hbm>> -> memref<32x8x128xf32, #tpu.memory_space<hbm>>
      %dma_wait3A_279 = arith.constant 0 : i32
      %dma_wait3A_280 = arith.constant 0 : i32
      %dma_wait3A_281 = arith.constant 0 : i32
      %dma_wait3A_282 = arith.constant 0 : i32
      %dma_wait3A_283 = tpu.memref_slice %arg2[%add3A, %dma_wait3A_279, %dma_wait3A_280, %dma_wait3A_281, %dma_wait3A_282] : memref<32x8x32x8x128xf32, #tpu.memory_space<hbm>> -> memref<1x8x32x8x128xf32, #tpu.memory_space<hbm>>
      %dma_wait3A_284 = tpu.memref_squeeze %dma_wait3A_283 : memref<1x8x32x8x128xf32, #tpu.memory_space<hbm>> -> memref<8x32x8x128xf32, #tpu.memory_space<hbm>>
      %dma_wait3A_285 = arith.constant 0 : i32
      %dma_wait3A_286 = arith.constant 0 : i32
      %dma_wait3A_287 = arith.constant 0 : i32
      %dma_wait3A_288 = tpu.memref_slice %dma_wait3A_284[%add3A_267, %dma_wait3A_285, %dma_wait3A_286, %dma_wait3A_287] : memref<8x32x8x128xf32, #tpu.memory_space<hbm>> -> memref<1x32x8x128xf32, #tpu.memory_space<hbm>>
      %dma_wait3A_289 = tpu.memref_squeeze %dma_wait3A_288 : memref<1x32x8x128xf32, #tpu.memory_space<hbm>> -> memref<32x8x128xf32, #tpu.memory_space<hbm>>
      tpu.wait_dma2 semaphore(%arg24 : memref<!tpu.dma_semaphore, #tpu.memory_space<semaphore_mem>>) src(%dma_wait3A_289 : memref<32x8x128xf32, #tpu.memory_space<hbm>>) dst(%arg20 : memref<32x8x128xf32, #tpu.memory_space<vmem>>)
      %broadcast_in_dim3A_290 = arith.constant 0.000000e+00 : f32
      %broadcast_in_dim3A_291 = vector.broadcast %broadcast_in_dim3A_290 : f32 to vector<16xf32>
      %broadcast_in_dim3A_292 = arith.constant 0.000000e+00 : f32
      %broadcast_in_dim3A_293 = vector.broadcast %broadcast_in_dim3A_292 : f32 to vector<16xf32>
      %broadcast_in_dim3A_294 = arith.constant 0.000000e+00 : f32
      %broadcast_in_dim3A_295 = vector.broadcast %broadcast_in_dim3A_294 : f32 to vector<16xf32>
      %broadcast_in_dim3A_296 = arith.constant 0.000000e+00 : f32
      %broadcast_in_dim3A_297 = vector.broadcast %broadcast_in_dim3A_296 : f32 to vector<16xf32>
      %broadcast_in_dim3A_298 = arith.constant 0.000000e+00 : f32
      %broadcast_in_dim3A_299 = vector.broadcast %broadcast_in_dim3A_298 : f32 to vector<16xf32>
      %broadcast_in_dim3A_300 = arith.constant 0.000000e+00 : f32
      %broadcast_in_dim3A_301 = vector.broadcast %broadcast_in_dim3A_300 : f32 to vector<16xf32>
      %broadcast_in_dim3A_302 = arith.constant 0.000000e+00 : f32
      %broadcast_in_dim3A_303 = vector.broadcast %broadcast_in_dim3A_302 : f32 to vector<16xf32>
      %broadcast_in_dim3A_304 = arith.constant 0.000000e+00 : f32
      %broadcast_in_dim3A_305 = vector.broadcast %broadcast_in_dim3A_304 : f32 to vector<16xf32>
      %gt3A = arith.constant 0 : i32
      %gt3A_306 = arith.cmpi sgt, %add3A_267, %gt3A : i32
      %convert_element_type3A = arith.extui %gt3A_306 : i1 to i32
      %cond3A = arith.constant 0 : i32
      %cond3A_307 = arith.cmpi ne, %convert_element_type3A, %cond3A : i32
      scf.if %cond3A_307 {
        %sub3A_660 = arith.constant 1 : i32
        %sub3A_661 = arith.subi %add3A_267, %sub3A_660 : i32
        %dma_wait3A_662 = arith.constant 0 : i32
        %dma_wait3A_663 = arith.constant 0 : i32
        %dma_wait3A_664 = arith.constant 0 : i32
        %dma_wait3A_665 = arith.constant 0 : i32
        %dma_wait3A_666 = tpu.memref_slice %arg8[%add3A, %dma_wait3A_662, %dma_wait3A_663, %dma_wait3A_664, %dma_wait3A_665] : memref<32x8x32x8x128xf32, #tpu.memory_space<hbm>> -> memref<1x8x32x8x128xf32, #tpu.memory_space<hbm>>
        %dma_wait3A_667 = tpu.memref_squeeze %dma_wait3A_666 : memref<1x8x32x8x128xf32, #tpu.memory_space<hbm>> -> memref<8x32x8x128xf32, #tpu.memory_space<hbm>>
        %dma_wait3A_668 = arith.constant 0 : i32
        %dma_wait3A_669 = arith.constant 0 : i32
        %dma_wait3A_670 = arith.constant 0 : i32
        %dma_wait3A_671 = tpu.memref_slice %dma_wait3A_667[%sub3A_661, %dma_wait3A_668, %dma_wait3A_669, %dma_wait3A_670] : memref<8x32x8x128xf32, #tpu.memory_space<hbm>> -> memref<1x16x8x128xf32, #tpu.memory_space<hbm>>
        %dma_wait3A_672 = tpu.memref_squeeze %dma_wait3A_671 : memref<1x16x8x128xf32, #tpu.memory_space<hbm>> -> memref<16x8x128xf32, #tpu.memory_space<hbm>>
        %dma_wait3A_673 = arith.constant 0 : i32
        %dma_wait3A_674 = arith.constant 0 : i32
        %dma_wait3A_675 = arith.constant 0 : i32
        %dma_wait3A_676 = arith.constant 0 : i32
        %dma_wait3A_677 = tpu.memref_slice %arg8[%add3A, %dma_wait3A_673, %dma_wait3A_674, %dma_wait3A_675, %dma_wait3A_676] : memref<32x8x32x8x128xf32, #tpu.memory_space<hbm>> -> memref<1x8x32x8x128xf32, #tpu.memory_space<hbm>>
        %dma_wait3A_678 = tpu.memref_squeeze %dma_wait3A_677 : memref<1x8x32x8x128xf32, #tpu.memory_space<hbm>> -> memref<8x32x8x128xf32, #tpu.memory_space<hbm>>
        %dma_wait3A_679 = arith.constant 0 : i32
        %dma_wait3A_680 = arith.constant 0 : i32
        %dma_wait3A_681 = arith.constant 0 : i32
        %dma_wait3A_682 = tpu.memref_slice %dma_wait3A_678[%sub3A_661, %dma_wait3A_679, %dma_wait3A_680, %dma_wait3A_681] : memref<8x32x8x128xf32, #tpu.memory_space<hbm>> -> memref<1x16x8x128xf32, #tpu.memory_space<hbm>>
        %dma_wait3A_683 = tpu.memref_squeeze %dma_wait3A_682 : memref<1x16x8x128xf32, #tpu.memory_space<hbm>> -> memref<16x8x128xf32, #tpu.memory_space<hbm>>
        tpu.wait_dma2 semaphore(%arg26 : memref<!tpu.dma_semaphore, #tpu.memory_space<semaphore_mem>>) src(%arg22 : memref<16x8x128xf32, #tpu.memory_space<vmem>>) dst(%dma_wait3A_683 : memref<16x8x128xf32, #tpu.memory_space<hbm>>)
      } else {
      }
      %parallel_loop3A_308 = arith.constant 0 : i32
      %parallel_loop3A_309 = arith.constant 128 : i32
      %parallel_loop3A_310 = arith.constant 1 : i32
      %parallel_loop3A_311:8 = scf.for %parallel_loop3A_660 = %parallel_loop3A_308 to %parallel_loop3A_309 step %parallel_loop3A_310 iter_args(%parallel_loop3A_661 = %broadcast_in_dim3A_291, %parallel_loop3A_662 = %broadcast_in_dim3A_293, %parallel_loop3A_663 = %broadcast_in_dim3A_295, %parallel_loop3A_664 = %broadcast_in_dim3A_297, %parallel_loop3A_665 = %broadcast_in_dim3A_299, %parallel_loop3A_666 = %broadcast_in_dim3A_301, %parallel_loop3A_667 = %broadcast_in_dim3A_303, %parallel_loop3A_668 = %broadcast_in_dim3A_305) -> (vector<16xf32>, vector<16xf32>, vector<16xf32>, vector<16xf32>, vector<16xf32>, vector<16xf32>, vector<16xf32>, vector<16xf32>)  : i32 {
        %parallel_loop3A_669 = arith.constant 0 : i32
        %parallel_loop3A_670 = arith.addi %parallel_loop3A_669, %parallel_loop3A_660 : i32
        %parallel_loop3A_671 = arith.constant 8 : i32
        %parallel_loop3A_672 = arith.divsi %parallel_loop3A_670, %parallel_loop3A_671 : i32
        %parallel_loop3A_673 = arith.constant 0 : i32
        %parallel_loop3A_674 = arith.cmpi sgt, %parallel_loop3A_670, %parallel_loop3A_673 : i32
        %parallel_loop3A_675 = arith.extui %parallel_loop3A_674 : i1 to i32
        %parallel_loop3A_676 = arith.constant 0 : i32
        %parallel_loop3A_677 = arith.cmpi slt, %parallel_loop3A_670, %parallel_loop3A_676 : i32
        %parallel_loop3A_678 = arith.extui %parallel_loop3A_677 : i1 to i32
        %parallel_loop3A_679 = arith.subi %parallel_loop3A_675, %parallel_loop3A_678 : i32
        %parallel_loop3A_680 = arith.constant 0 : i32
        %parallel_loop3A_681 = arith.cmpi sgt, %parallel_loop3A_671, %parallel_loop3A_680 : i32
        %parallel_loop3A_682 = arith.extui %parallel_loop3A_681 : i1 to i32
        %parallel_loop3A_683 = arith.constant 0 : i32
        %parallel_loop3A_684 = arith.cmpi slt, %parallel_loop3A_671, %parallel_loop3A_683 : i32
        %parallel_loop3A_685 = arith.extui %parallel_loop3A_684 : i1 to i32
        %parallel_loop3A_686 = arith.subi %parallel_loop3A_682, %parallel_loop3A_685 : i32
        %parallel_loop3A_687 = arith.cmpi ne, %parallel_loop3A_679, %parallel_loop3A_686 : i32
        %parallel_loop3A_688 = arith.remsi %parallel_loop3A_670, %parallel_loop3A_671 : i32
        %parallel_loop3A_689 = arith.constant 0 : i32
        %parallel_loop3A_690 = arith.cmpi ne, %parallel_loop3A_688, %parallel_loop3A_689 : i32
        %parallel_loop3A_691 = arith.andi %parallel_loop3A_687, %parallel_loop3A_690 : i1
        %parallel_loop3A_692 = arith.constant 1 : i32
        %parallel_loop3A_693 = arith.subi %parallel_loop3A_672, %parallel_loop3A_692 : i32
        %parallel_loop3A_694 = arith.select %parallel_loop3A_691, %parallel_loop3A_693, %parallel_loop3A_672 : i32
        %parallel_loop3A_695 = arith.constant 8 : i32
        %parallel_loop3A_696 = arith.constant 0 : i32
        %parallel_loop3A_697 = arith.cmpi eq, %parallel_loop3A_695, %parallel_loop3A_696 : i32
        %parallel_loop3A_698 = arith.constant 1 : i32
        %parallel_loop3A_699 = arith.select %parallel_loop3A_697, %parallel_loop3A_698, %parallel_loop3A_695 : i32
        %parallel_loop3A_700 = arith.remsi %parallel_loop3A_670, %parallel_loop3A_699 : i32
        %parallel_loop3A_701 = arith.constant 0 : i32
        %parallel_loop3A_702 = arith.cmpi ne, %parallel_loop3A_700, %parallel_loop3A_701 : i32
        %parallel_loop3A_703 = arith.constant 0 : i32
        %parallel_loop3A_704 = arith.cmpi slt, %parallel_loop3A_700, %parallel_loop3A_703 : i32
        %parallel_loop3A_705 = arith.constant 0 : i32
        %parallel_loop3A_706 = arith.cmpi slt, %parallel_loop3A_699, %parallel_loop3A_705 : i32
        %parallel_loop3A_707 = arith.xori %parallel_loop3A_704, %parallel_loop3A_706 : i1
        %parallel_loop3A_708 = arith.andi %parallel_loop3A_707, %parallel_loop3A_702 : i1
        %parallel_loop3A_709 = arith.addi %parallel_loop3A_700, %parallel_loop3A_699 : i32
        %parallel_loop3A_710 = arith.select %parallel_loop3A_708, %parallel_loop3A_709, %parallel_loop3A_700 : i32
        %parallel_loop3A_711 = arith.constant 16 : i32
        %parallel_loop3A_712 = arith.muli %parallel_loop3A_710, %parallel_loop3A_711 : i32
        %parallel_loop3A_713 = arith.index_cast %parallel_loop3A_694 : i32 to index
        %parallel_loop3A_714 = arith.index_cast %parallel_loop3A_712 : i32 to index
        %parallel_loop3A_715 = tpu.vector_load %arg12[%parallel_loop3A_713, %parallel_loop3A_714] {strides = array<i32>} : memref<32x128xi32, #tpu.memory_space<vmem>>, vector<16xi32>,
        %parallel_loop3A_716 = arith.index_cast %parallel_loop3A_694 : i32 to index
        %parallel_loop3A_717 = arith.index_cast %parallel_loop3A_712 : i32 to index
        %parallel_loop3A_718 = tpu.vector_load %arg13[%parallel_loop3A_716, %parallel_loop3A_717] {strides = array<i32>} : memref<32x128xf32, #tpu.memory_space<vmem>>, vector<16xf32>,
        %parallel_loop3A_719 = arith.constant 7 : i32
        %parallel_loop3A_720 = vector.broadcast %parallel_loop3A_719 : i32 to vector<16xi32>
        %parallel_loop3A_721 = arith.shrui %parallel_loop3A_715, %parallel_loop3A_720 : vector<16xi32>
        %parallel_loop3A_722 = arith.constant 127 : i32
        %parallel_loop3A_723 = vector.broadcast %parallel_loop3A_722 : i32 to vector<16xi32>
        %parallel_loop3A_724 = arith.andi %parallel_loop3A_715, %parallel_loop3A_723 : vector<16xi32>
        %parallel_loop3A_725 = arith.constant 8 : i32
        %parallel_loop3A_726 = arith.divsi %parallel_loop3A_660, %parallel_loop3A_725 : i32
        %parallel_loop3A_727 = arith.constant 0 : i32
        %parallel_loop3A_728 = arith.cmpi sgt, %parallel_loop3A_660, %parallel_loop3A_727 : i32
        %parallel_loop3A_729 = arith.extui %parallel_loop3A_728 : i1 to i32
        %parallel_loop3A_730 = arith.constant 0 : i32
        %parallel_loop3A_731 = arith.cmpi slt, %parallel_loop3A_660, %parallel_loop3A_730 : i32
        %parallel_loop3A_732 = arith.extui %parallel_loop3A_731 : i1 to i32
        %parallel_loop3A_733 = arith.subi %parallel_loop3A_729, %parallel_loop3A_732 : i32
        %parallel_loop3A_734 = arith.constant 0 : i32
        %parallel_loop3A_735 = arith.cmpi sgt, %parallel_loop3A_725, %parallel_loop3A_734 : i32
        %parallel_loop3A_736 = arith.extui %parallel_loop3A_735 : i1 to i32
        %parallel_loop3A_737 = arith.constant 0 : i32
        %parallel_loop3A_738 = arith.cmpi slt, %parallel_loop3A_725, %parallel_loop3A_737 : i32
        %parallel_loop3A_739 = arith.extui %parallel_loop3A_738 : i1 to i32
        %parallel_loop3A_740 = arith.subi %parallel_loop3A_736, %parallel_loop3A_739 : i32
        %parallel_loop3A_741 = arith.cmpi ne, %parallel_loop3A_733, %parallel_loop3A_740 : i32
        %parallel_loop3A_742 = arith.remsi %parallel_loop3A_660, %parallel_loop3A_725 : i32
        %parallel_loop3A_743 = arith.constant 0 : i32
        %parallel_loop3A_744 = arith.cmpi ne, %parallel_loop3A_742, %parallel_loop3A_743 : i32
        %parallel_loop3A_745 = arith.andi %parallel_loop3A_741, %parallel_loop3A_744 : i1
        %parallel_loop3A_746 = arith.constant 1 : i32
        %parallel_loop3A_747 = arith.subi %parallel_loop3A_726, %parallel_loop3A_746 : i32
        %parallel_loop3A_748 = arith.select %parallel_loop3A_745, %parallel_loop3A_747, %parallel_loop3A_726 : i32
        %parallel_loop3A_749 = arith.constant 8 : i32
        %parallel_loop3A_750 = arith.constant 0 : i32
        %parallel_loop3A_751 = arith.cmpi eq, %parallel_loop3A_749, %parallel_loop3A_750 : i32
        %parallel_loop3A_752 = arith.constant 1 : i32
        %parallel_loop3A_753 = arith.select %parallel_loop3A_751, %parallel_loop3A_752, %parallel_loop3A_749 : i32
        %parallel_loop3A_754 = arith.remsi %parallel_loop3A_660, %parallel_loop3A_753 : i32
        %parallel_loop3A_755 = arith.constant 0 : i32
        %parallel_loop3A_756 = arith.cmpi ne, %parallel_loop3A_754, %parallel_loop3A_755 : i32
        %parallel_loop3A_757 = arith.constant 0 : i32
        %parallel_loop3A_758 = arith.cmpi slt, %parallel_loop3A_754, %parallel_loop3A_757 : i32
        %parallel_loop3A_759 = arith.constant 0 : i32
        %parallel_loop3A_760 = arith.cmpi slt, %parallel_loop3A_753, %parallel_loop3A_759 : i32
        %parallel_loop3A_761 = arith.xori %parallel_loop3A_758, %parallel_loop3A_760 : i1
        %parallel_loop3A_762 = arith.andi %parallel_loop3A_761, %parallel_loop3A_756 : i1
        %parallel_loop3A_763 = arith.addi %parallel_loop3A_754, %parallel_loop3A_753 : i32
        %parallel_loop3A_764 = arith.select %parallel_loop3A_762, %parallel_loop3A_763, %parallel_loop3A_754 : i32
        %parallel_loop3A_765 = arith.constant 16 : i32
        %parallel_loop3A_766 = arith.muli %parallel_loop3A_764, %parallel_loop3A_765 : i32
        %parallel_loop3A_767 = arith.constant 0 : i32
        %parallel_loop3A_768 = vector.broadcast %parallel_loop3A_767 : i32 to vector<16xi32>
        %parallel_loop3A_769 = tpu.vector_load_idx %arg20[%parallel_loop3A_721, %parallel_loop3A_768, %parallel_loop3A_724] : memref<32x8x128xf32, #tpu.memory_space<vmem>>[vector<16xi32>, vector<16xi32>, vector<16xi32>], vector<16xf32>,
        %parallel_loop3A_770 = arith.constant 0 : i32
        %parallel_loop3A_771 = arith.index_cast %parallel_loop3A_748 : i32 to index
        %parallel_loop3A_772 = arith.index_cast %parallel_loop3A_770 : i32 to index
        %parallel_loop3A_773 = arith.index_cast %parallel_loop3A_766 : i32 to index
        %parallel_loop3A_774 = tpu.vector_load %arg22[%parallel_loop3A_771, %parallel_loop3A_772, %parallel_loop3A_773] {strides = array<i32>} : memref<16x8x128xf32, #tpu.memory_space<vmem>>, vector<16xf32>,
        tpu.vector_store %arg22[%parallel_loop3A_771, %parallel_loop3A_772, %parallel_loop3A_773], %parallel_loop3A_769 {strides = array<i32>} : memref<16x8x128xf32, #tpu.memory_space<vmem>>, vector<16xf32>,
        %parallel_loop3A_775 = arith.mulf %parallel_loop3A_718, %parallel_loop3A_769 : vector<16xf32>
        %parallel_loop3A_776 = arith.addf %parallel_loop3A_661, %parallel_loop3A_775 : vector<16xf32>
        %parallel_loop3A_777 = arith.constant 1 : i32
        %parallel_loop3A_778 = vector.broadcast %parallel_loop3A_777 : i32 to vector<16xi32>
        %parallel_loop3A_779 = tpu.vector_load_idx %arg20[%parallel_loop3A_721, %parallel_loop3A_778, %parallel_loop3A_724] : memref<32x8x128xf32, #tpu.memory_space<vmem>>[vector<16xi32>, vector<16xi32>, vector<16xi32>], vector<16xf32>,
        %parallel_loop3A_780 = arith.constant 1 : i32
        %parallel_loop3A_781 = arith.index_cast %parallel_loop3A_748 : i32 to index
        %parallel_loop3A_782 = arith.index_cast %parallel_loop3A_780 : i32 to index
        %parallel_loop3A_783 = arith.index_cast %parallel_loop3A_766 : i32 to index
        %parallel_loop3A_784 = tpu.vector_load %arg22[%parallel_loop3A_781, %parallel_loop3A_782, %parallel_loop3A_783] {strides = array<i32>} : memref<16x8x128xf32, #tpu.memory_space<vmem>>, vector<16xf32>,
        tpu.vector_store %arg22[%parallel_loop3A_781, %parallel_loop3A_782, %parallel_loop3A_783], %parallel_loop3A_779 {strides = array<i32>} : memref<16x8x128xf32, #tpu.memory_space<vmem>>, vector<16xf32>,
        %parallel_loop3A_785 = arith.mulf %parallel_loop3A_718, %parallel_loop3A_779 : vector<16xf32>
        %parallel_loop3A_786 = arith.addf %parallel_loop3A_662, %parallel_loop3A_785 : vector<16xf32>
        %parallel_loop3A_787 = arith.constant 2 : i32
        %parallel_loop3A_788 = vector.broadcast %parallel_loop3A_787 : i32 to vector<16xi32>
        %parallel_loop3A_789 = tpu.vector_load_idx %arg20[%parallel_loop3A_721, %parallel_loop3A_788, %parallel_loop3A_724] : memref<32x8x128xf32, #tpu.memory_space<vmem>>[vector<16xi32>, vector<16xi32>, vector<16xi32>], vector<16xf32>,
        %parallel_loop3A_790 = arith.constant 2 : i32
        %parallel_loop3A_791 = arith.index_cast %parallel_loop3A_748 : i32 to index
        %parallel_loop3A_792 = arith.index_cast %parallel_loop3A_790 : i32 to index
        %parallel_loop3A_793 = arith.index_cast %parallel_loop3A_766 : i32 to index
        %parallel_loop3A_794 = tpu.vector_load %arg22[%parallel_loop3A_791, %parallel_loop3A_792, %parallel_loop3A_793] {strides = array<i32>} : memref<16x8x128xf32, #tpu.memory_space<vmem>>, vector<16xf32>,
        tpu.vector_store %arg22[%parallel_loop3A_791, %parallel_loop3A_792, %parallel_loop3A_793], %parallel_loop3A_789 {strides = array<i32>} : memref<16x8x128xf32, #tpu.memory_space<vmem>>, vector<16xf32>,
        %parallel_loop3A_795 = arith.mulf %parallel_loop3A_718, %parallel_loop3A_789 : vector<16xf32>
        %parallel_loop3A_796 = arith.addf %parallel_loop3A_663, %parallel_loop3A_795 : vector<16xf32>
        %parallel_loop3A_797 = arith.constant 3 : i32
        %parallel_loop3A_798 = vector.broadcast %parallel_loop3A_797 : i32 to vector<16xi32>
        %parallel_loop3A_799 = tpu.vector_load_idx %arg20[%parallel_loop3A_721, %parallel_loop3A_798, %parallel_loop3A_724] : memref<32x8x128xf32, #tpu.memory_space<vmem>>[vector<16xi32>, vector<16xi32>, vector<16xi32>], vector<16xf32>,
        %parallel_loop3A_800 = arith.constant 3 : i32
        %parallel_loop3A_801 = arith.index_cast %parallel_loop3A_748 : i32 to index
        %parallel_loop3A_802 = arith.index_cast %parallel_loop3A_800 : i32 to index
        %parallel_loop3A_803 = arith.index_cast %parallel_loop3A_766 : i32 to index
        %parallel_loop3A_804 = tpu.vector_load %arg22[%parallel_loop3A_801, %parallel_loop3A_802, %parallel_loop3A_803] {strides = array<i32>} : memref<16x8x128xf32, #tpu.memory_space<vmem>>, vector<16xf32>,
        tpu.vector_store %arg22[%parallel_loop3A_801, %parallel_loop3A_802, %parallel_loop3A_803], %parallel_loop3A_799 {strides = array<i32>} : memref<16x8x128xf32, #tpu.memory_space<vmem>>, vector<16xf32>,
        %parallel_loop3A_805 = arith.mulf %parallel_loop3A_718, %parallel_loop3A_799 : vector<16xf32>
        %parallel_loop3A_806 = arith.addf %parallel_loop3A_664, %parallel_loop3A_805 : vector<16xf32>
        %parallel_loop3A_807 = arith.constant 4 : i32
        %parallel_loop3A_808 = vector.broadcast %parallel_loop3A_807 : i32 to vector<16xi32>
        %parallel_loop3A_809 = tpu.vector_load_idx %arg20[%parallel_loop3A_721, %parallel_loop3A_808, %parallel_loop3A_724] : memref<32x8x128xf32, #tpu.memory_space<vmem>>[vector<16xi32>, vector<16xi32>, vector<16xi32>], vector<16xf32>,
        %parallel_loop3A_810 = arith.constant 4 : i32
        %parallel_loop3A_811 = arith.index_cast %parallel_loop3A_748 : i32 to index
        %parallel_loop3A_812 = arith.index_cast %parallel_loop3A_810 : i32 to index
        %parallel_loop3A_813 = arith.index_cast %parallel_loop3A_766 : i32 to index
        %parallel_loop3A_814 = tpu.vector_load %arg22[%parallel_loop3A_811, %parallel_loop3A_812, %parallel_loop3A_813] {strides = array<i32>} : memref<16x8x128xf32, #tpu.memory_space<vmem>>, vector<16xf32>,
        tpu.vector_store %arg22[%parallel_loop3A_811, %parallel_loop3A_812, %parallel_loop3A_813], %parallel_loop3A_809 {strides = array<i32>} : memref<16x8x128xf32, #tpu.memory_space<vmem>>, vector<16xf32>,
        %parallel_loop3A_815 = arith.mulf %parallel_loop3A_718, %parallel_loop3A_809 : vector<16xf32>
        %parallel_loop3A_816 = arith.addf %parallel_loop3A_665, %parallel_loop3A_815 : vector<16xf32>
        %parallel_loop3A_817 = arith.constant 5 : i32
        %parallel_loop3A_818 = vector.broadcast %parallel_loop3A_817 : i32 to vector<16xi32>
        %parallel_loop3A_819 = tpu.vector_load_idx %arg20[%parallel_loop3A_721, %parallel_loop3A_818, %parallel_loop3A_724] : memref<32x8x128xf32, #tpu.memory_space<vmem>>[vector<16xi32>, vector<16xi32>, vector<16xi32>], vector<16xf32>,
        %parallel_loop3A_820 = arith.constant 5 : i32
        %parallel_loop3A_821 = arith.index_cast %parallel_loop3A_748 : i32 to index
        %parallel_loop3A_822 = arith.index_cast %parallel_loop3A_820 : i32 to index
        %parallel_loop3A_823 = arith.index_cast %parallel_loop3A_766 : i32 to index
        %parallel_loop3A_824 = tpu.vector_load %arg22[%parallel_loop3A_821, %parallel_loop3A_822, %parallel_loop3A_823] {strides = array<i32>} : memref<16x8x128xf32, #tpu.memory_space<vmem>>, vector<16xf32>,
        tpu.vector_store %arg22[%parallel_loop3A_821, %parallel_loop3A_822, %parallel_loop3A_823], %parallel_loop3A_819 {strides = array<i32>} : memref<16x8x128xf32, #tpu.memory_space<vmem>>, vector<16xf32>,
        %parallel_loop3A_825 = arith.mulf %parallel_loop3A_718, %parallel_loop3A_819 : vector<16xf32>
        %parallel_loop3A_826 = arith.addf %parallel_loop3A_666, %parallel_loop3A_825 : vector<16xf32>
        %parallel_loop3A_827 = arith.constant 6 : i32
        %parallel_loop3A_828 = vector.broadcast %parallel_loop3A_827 : i32 to vector<16xi32>
        %parallel_loop3A_829 = tpu.vector_load_idx %arg20[%parallel_loop3A_721, %parallel_loop3A_828, %parallel_loop3A_724] : memref<32x8x128xf32, #tpu.memory_space<vmem>>[vector<16xi32>, vector<16xi32>, vector<16xi32>], vector<16xf32>,
        %parallel_loop3A_830 = arith.constant 6 : i32
        %parallel_loop3A_831 = arith.index_cast %parallel_loop3A_748 : i32 to index
        %parallel_loop3A_832 = arith.index_cast %parallel_loop3A_830 : i32 to index
        %parallel_loop3A_833 = arith.index_cast %parallel_loop3A_766 : i32 to index
        %parallel_loop3A_834 = tpu.vector_load %arg22[%parallel_loop3A_831, %parallel_loop3A_832, %parallel_loop3A_833] {strides = array<i32>} : memref<16x8x128xf32, #tpu.memory_space<vmem>>, vector<16xf32>,
        tpu.vector_store %arg22[%parallel_loop3A_831, %parallel_loop3A_832, %parallel_loop3A_833], %parallel_loop3A_829 {strides = array<i32>} : memref<16x8x128xf32, #tpu.memory_space<vmem>>, vector<16xf32>,
        %parallel_loop3A_835 = arith.mulf %parallel_loop3A_718, %parallel_loop3A_829 : vector<16xf32>
        %parallel_loop3A_836 = arith.addf %parallel_loop3A_667, %parallel_loop3A_835 : vector<16xf32>
        %parallel_loop3A_837 = arith.constant 7 : i32
        %parallel_loop3A_838 = vector.broadcast %parallel_loop3A_837 : i32 to vector<16xi32>
        %parallel_loop3A_839 = tpu.vector_load_idx %arg20[%parallel_loop3A_721, %parallel_loop3A_838, %parallel_loop3A_724] : memref<32x8x128xf32, #tpu.memory_space<vmem>>[vector<16xi32>, vector<16xi32>, vector<16xi32>], vector<16xf32>,
        %parallel_loop3A_840 = arith.constant 7 : i32
        %parallel_loop3A_841 = arith.index_cast %parallel_loop3A_748 : i32 to index
        %parallel_loop3A_842 = arith.index_cast %parallel_loop3A_840 : i32 to index
        %parallel_loop3A_843 = arith.index_cast %parallel_loop3A_766 : i32 to index
        %parallel_loop3A_844 = tpu.vector_load %arg22[%parallel_loop3A_841, %parallel_loop3A_842, %parallel_loop3A_843] {strides = array<i32>} : memref<16x8x128xf32, #tpu.memory_space<vmem>>, vector<16xf32>,
        tpu.vector_store %arg22[%parallel_loop3A_841, %parallel_loop3A_842, %parallel_loop3A_843], %parallel_loop3A_839 {strides = array<i32>} : memref<16x8x128xf32, #tpu.memory_space<vmem>>, vector<16xf32>,
        %parallel_loop3A_845 = arith.mulf %parallel_loop3A_718, %parallel_loop3A_839 : vector<16xf32>
        %parallel_loop3A_846 = arith.addf %parallel_loop3A_668, %parallel_loop3A_845 : vector<16xf32>
        scf.yield %parallel_loop3A_776, %parallel_loop3A_786, %parallel_loop3A_796, %parallel_loop3A_806, %parallel_loop3A_816, %parallel_loop3A_826, %parallel_loop3A_836, %parallel_loop3A_846 : vector<16xf32>, vector<16xf32>, vector<16xf32>, vector<16xf32>, vector<16xf32>, vector<16xf32>, vector<16xf32>, vector<16xf32>
      } {sc.loop_unroll_factor = 2 : i64, sc.parallel_access}
      %dma_start3A_312 = arith.constant 0 : i32
      %dma_start3A_313 = arith.constant 0 : i32
      %dma_start3A_314 = arith.constant 0 : i32
      %dma_start3A_315 = arith.constant 0 : i32
      %dma_start3A_316 = tpu.memref_slice %arg8[%add3A, %dma_start3A_312, %dma_start3A_313, %dma_start3A_314, %dma_start3A_315] : memref<32x8x32x8x128xf32, #tpu.memory_space<hbm>> -> memref<1x8x32x8x128xf32, #tpu.memory_space<hbm>>
      %dma_start3A_317 = tpu.memref_squeeze %dma_start3A_316 : memref<1x8x32x8x128xf32, #tpu.memory_space<hbm>> -> memref<8x32x8x128xf32, #tpu.memory_space<hbm>>
      %dma_start3A_318 = arith.constant 0 : i32
      %dma_start3A_319 = arith.constant 0 : i32
      %dma_start3A_320 = arith.constant 0 : i32
      %dma_start3A_321 = tpu.memref_slice %dma_start3A_317[%add3A_267, %dma_start3A_318, %dma_start3A_319, %dma_start3A_320] : memref<8x32x8x128xf32, #tpu.memory_space<hbm>> -> memref<1x16x8x128xf32, #tpu.memory_space<hbm>>
      %dma_start3A_322 = tpu.memref_squeeze %dma_start3A_321 : memref<1x16x8x128xf32, #tpu.memory_space<hbm>> -> memref<16x8x128xf32, #tpu.memory_space<hbm>>
      %dma_start3A_323 = arith.constant 0 : i32
      %dma_start3A_324 = arith.constant 0 : i32
      %dma_start3A_325 = arith.constant 0 : i32
      %dma_start3A_326 = arith.constant 0 : i32
      %dma_start3A_327 = tpu.memref_slice %arg8[%add3A, %dma_start3A_323, %dma_start3A_324, %dma_start3A_325, %dma_start3A_326] : memref<32x8x32x8x128xf32, #tpu.memory_space<hbm>> -> memref<1x8x32x8x128xf32, #tpu.memory_space<hbm>>
      %dma_start3A_328 = tpu.memref_squeeze %dma_start3A_327 : memref<1x8x32x8x128xf32, #tpu.memory_space<hbm>> -> memref<8x32x8x128xf32, #tpu.memory_space<hbm>>
      %dma_start3A_329 = arith.constant 0 : i32
      %dma_start3A_330 = arith.constant 0 : i32
      %dma_start3A_331 = arith.constant 0 : i32
      %dma_start3A_332 = tpu.memref_slice %dma_start3A_328[%add3A_267, %dma_start3A_329, %dma_start3A_330, %dma_start3A_331] : memref<8x32x8x128xf32, #tpu.memory_space<hbm>> -> memref<1x16x8x128xf32, #tpu.memory_space<hbm>>
      %dma_start3A_333 = tpu.memref_squeeze %dma_start3A_332 : memref<1x16x8x128xf32, #tpu.memory_space<hbm>> -> memref<16x8x128xf32, #tpu.memory_space<hbm>>
      tpu.enqueue_dma source(%arg22 : memref<16x8x128xf32, #tpu.memory_space<vmem>>) target(%dma_start3A_333 : memref<16x8x128xf32, #tpu.memory_space<hbm>>) target_semaphore(%arg26 : memref<!tpu.dma_semaphore, #tpu.memory_space<semaphore_mem>>)
      %gt3A_334 = arith.constant 0 : i32
      %gt3A_335 = arith.cmpi sgt, %add3A_267, %gt3A_334 : i32
      %convert_element_type3A_336 = arith.extui %gt3A_335 : i1 to i32
      %cond3A_337 = arith.constant 0 : i32
      %cond3A_338 = arith.cmpi ne, %convert_element_type3A_336, %cond3A_337 : i32
      scf.if %cond3A_338 {
        %sub3A_660 = arith.constant 1 : i32
        %sub3A_661 = arith.subi %add3A_267, %sub3A_660 : i32
        %dma_wait3A_662 = arith.constant 0 : i32
        %dma_wait3A_663 = arith.constant 0 : i32
        %dma_wait3A_664 = arith.constant 0 : i32
        %dma_wait3A_665 = arith.constant 0 : i32
        %dma_wait3A_666 = tpu.memref_slice %arg8[%add3A, %dma_wait3A_662, %dma_wait3A_663, %dma_wait3A_664, %dma_wait3A_665] : memref<32x8x32x8x128xf32, #tpu.memory_space<hbm>> -> memref<1x8x32x8x128xf32, #tpu.memory_space<hbm>>
        %dma_wait3A_667 = tpu.memref_squeeze %dma_wait3A_666 : memref<1x8x32x8x128xf32, #tpu.memory_space<hbm>> -> memref<8x32x8x128xf32, #tpu.memory_space<hbm>>
        %dma_wait3A_668 = arith.constant 16 : i32
        %dma_wait3A_669 = arith.constant 0 : i32
        %dma_wait3A_670 = arith.constant 0 : i32
        %dma_wait3A_671 = tpu.memref_slice %dma_wait3A_667[%sub3A_661, %dma_wait3A_668, %dma_wait3A_669, %dma_wait3A_670] : memref<8x32x8x128xf32, #tpu.memory_space<hbm>> -> memref<1x16x8x128xf32, #tpu.memory_space<hbm>>
        %dma_wait3A_672 = tpu.memref_squeeze %dma_wait3A_671 : memref<1x16x8x128xf32, #tpu.memory_space<hbm>> -> memref<16x8x128xf32, #tpu.memory_space<hbm>>
        %dma_wait3A_673 = arith.constant 0 : i32
        %dma_wait3A_674 = arith.constant 0 : i32
        %dma_wait3A_675 = arith.constant 0 : i32
        %dma_wait3A_676 = arith.constant 0 : i32
        %dma_wait3A_677 = tpu.memref_slice %arg8[%add3A, %dma_wait3A_673, %dma_wait3A_674, %dma_wait3A_675, %dma_wait3A_676] : memref<32x8x32x8x128xf32, #tpu.memory_space<hbm>> -> memref<1x8x32x8x128xf32, #tpu.memory_space<hbm>>
        %dma_wait3A_678 = tpu.memref_squeeze %dma_wait3A_677 : memref<1x8x32x8x128xf32, #tpu.memory_space<hbm>> -> memref<8x32x8x128xf32, #tpu.memory_space<hbm>>
        %dma_wait3A_679 = arith.constant 16 : i32
        %dma_wait3A_680 = arith.constant 0 : i32
        %dma_wait3A_681 = arith.constant 0 : i32
        %dma_wait3A_682 = tpu.memref_slice %dma_wait3A_678[%sub3A_661, %dma_wait3A_679, %dma_wait3A_680, %dma_wait3A_681] : memref<8x32x8x128xf32, #tpu.memory_space<hbm>> -> memref<1x16x8x128xf32, #tpu.memory_space<hbm>>
        %dma_wait3A_683 = tpu.memref_squeeze %dma_wait3A_682 : memref<1x16x8x128xf32, #tpu.memory_space<hbm>> -> memref<16x8x128xf32, #tpu.memory_space<hbm>>
        tpu.wait_dma2 semaphore(%arg27 : memref<!tpu.dma_semaphore, #tpu.memory_space<semaphore_mem>>) src(%arg23 : memref<16x8x128xf32, #tpu.memory_space<vmem>>) dst(%dma_wait3A_683 : memref<16x8x128xf32, #tpu.memory_space<hbm>>)
      } else {
      }
      %parallel_loop3A_339 = arith.constant 0 : i32
      %parallel_loop3A_340 = arith.constant 128 : i32
      %parallel_loop3A_341 = arith.constant 1 : i32
      %parallel_loop3A_342:8 = scf.for %parallel_loop3A_660 = %parallel_loop3A_339 to %parallel_loop3A_340 step %parallel_loop3A_341 iter_args(%parallel_loop3A_661 = %parallel_loop3A_311#0, %parallel_loop3A_662 = %parallel_loop3A_311#1, %parallel_loop3A_663 = %parallel_loop3A_311#2, %parallel_loop3A_664 = %parallel_loop3A_311#3, %parallel_loop3A_665 = %parallel_loop3A_311#4, %parallel_loop3A_666 = %parallel_loop3A_311#5, %parallel_loop3A_667 = %parallel_loop3A_311#6, %parallel_loop3A_668 = %parallel_loop3A_311#7) -> (vector<16xf32>, vector<16xf32>, vector<16xf32>, vector<16xf32>, vector<16xf32>, vector<16xf32>, vector<16xf32>, vector<16xf32>)  : i32 {
        %parallel_loop3A_669 = arith.constant 128 : i32
        %parallel_loop3A_670 = arith.addi %parallel_loop3A_669, %parallel_loop3A_660 : i32
        %parallel_loop3A_671 = arith.constant 8 : i32
        %parallel_loop3A_672 = arith.divsi %parallel_loop3A_670, %parallel_loop3A_671 : i32
        %parallel_loop3A_673 = arith.constant 0 : i32
        %parallel_loop3A_674 = arith.cmpi sgt, %parallel_loop3A_670, %parallel_loop3A_673 : i32
        %parallel_loop3A_675 = arith.extui %parallel_loop3A_674 : i1 to i32
        %parallel_loop3A_676 = arith.constant 0 : i32
        %parallel_loop3A_677 = arith.cmpi slt, %parallel_loop3A_670, %parallel_loop3A_676 : i32
        %parallel_loop3A_678 = arith.extui %parallel_loop3A_677 : i1 to i32
        %parallel_loop3A_679 = arith.subi %parallel_loop3A_675, %parallel_loop3A_678 : i32
        %parallel_loop3A_680 = arith.constant 0 : i32
        %parallel_loop3A_681 = arith.cmpi sgt, %parallel_loop3A_671, %parallel_loop3A_680 : i32
        %parallel_loop3A_682 = arith.extui %parallel_loop3A_681 : i1 to i32
        %parallel_loop3A_683 = arith.constant 0 : i32
        %parallel_loop3A_684 = arith.cmpi slt, %parallel_loop3A_671, %parallel_loop3A_683 : i32
        %parallel_loop3A_685 = arith.extui %parallel_loop3A_684 : i1 to i32
        %parallel_loop3A_686 = arith.subi %parallel_loop3A_682, %parallel_loop3A_685 : i32
        %parallel_loop3A_687 = arith.cmpi ne, %parallel_loop3A_679, %parallel_loop3A_686 : i32
        %parallel_loop3A_688 = arith.remsi %parallel_loop3A_670, %parallel_loop3A_671 : i32
        %parallel_loop3A_689 = arith.constant 0 : i32
        %parallel_loop3A_690 = arith.cmpi ne, %parallel_loop3A_688, %parallel_loop3A_689 : i32
        %parallel_loop3A_691 = arith.andi %parallel_loop3A_687, %parallel_loop3A_690 : i1
        %parallel_loop3A_692 = arith.constant 1 : i32
        %parallel_loop3A_693 = arith.subi %parallel_loop3A_672, %parallel_loop3A_692 : i32
        %parallel_loop3A_694 = arith.select %parallel_loop3A_691, %parallel_loop3A_693, %parallel_loop3A_672 : i32
        %parallel_loop3A_695 = arith.constant 8 : i32
        %parallel_loop3A_696 = arith.constant 0 : i32
        %parallel_loop3A_697 = arith.cmpi eq, %parallel_loop3A_695, %parallel_loop3A_696 : i32
        %parallel_loop3A_698 = arith.constant 1 : i32
        %parallel_loop3A_699 = arith.select %parallel_loop3A_697, %parallel_loop3A_698, %parallel_loop3A_695 : i32
        %parallel_loop3A_700 = arith.remsi %parallel_loop3A_670, %parallel_loop3A_699 : i32
        %parallel_loop3A_701 = arith.constant 0 : i32
        %parallel_loop3A_702 = arith.cmpi ne, %parallel_loop3A_700, %parallel_loop3A_701 : i32
        %parallel_loop3A_703 = arith.constant 0 : i32
        %parallel_loop3A_704 = arith.cmpi slt, %parallel_loop3A_700, %parallel_loop3A_703 : i32
        %parallel_loop3A_705 = arith.constant 0 : i32
        %parallel_loop3A_706 = arith.cmpi slt, %parallel_loop3A_699, %parallel_loop3A_705 : i32
        %parallel_loop3A_707 = arith.xori %parallel_loop3A_704, %parallel_loop3A_706 : i1
        %parallel_loop3A_708 = arith.andi %parallel_loop3A_707, %parallel_loop3A_702 : i1
        %parallel_loop3A_709 = arith.addi %parallel_loop3A_700, %parallel_loop3A_699 : i32
        %parallel_loop3A_710 = arith.select %parallel_loop3A_708, %parallel_loop3A_709, %parallel_loop3A_700 : i32
        %parallel_loop3A_711 = arith.constant 16 : i32
        %parallel_loop3A_712 = arith.muli %parallel_loop3A_710, %parallel_loop3A_711 : i32
        %parallel_loop3A_713 = arith.index_cast %parallel_loop3A_694 : i32 to index
        %parallel_loop3A_714 = arith.index_cast %parallel_loop3A_712 : i32 to index
        %parallel_loop3A_715 = tpu.vector_load %arg12[%parallel_loop3A_713, %parallel_loop3A_714] {strides = array<i32>} : memref<32x128xi32, #tpu.memory_space<vmem>>, vector<16xi32>,
        %parallel_loop3A_716 = arith.index_cast %parallel_loop3A_694 : i32 to index
        %parallel_loop3A_717 = arith.index_cast %parallel_loop3A_712 : i32 to index
        %parallel_loop3A_718 = tpu.vector_load %arg13[%parallel_loop3A_716, %parallel_loop3A_717] {strides = array<i32>} : memref<32x128xf32, #tpu.memory_space<vmem>>, vector<16xf32>,
        %parallel_loop3A_719 = arith.constant 7 : i32
        %parallel_loop3A_720 = vector.broadcast %parallel_loop3A_719 : i32 to vector<16xi32>
        %parallel_loop3A_721 = arith.shrui %parallel_loop3A_715, %parallel_loop3A_720 : vector<16xi32>
        %parallel_loop3A_722 = arith.constant 127 : i32
        %parallel_loop3A_723 = vector.broadcast %parallel_loop3A_722 : i32 to vector<16xi32>
        %parallel_loop3A_724 = arith.andi %parallel_loop3A_715, %parallel_loop3A_723 : vector<16xi32>
        %parallel_loop3A_725 = arith.constant 8 : i32
        %parallel_loop3A_726 = arith.divsi %parallel_loop3A_660, %parallel_loop3A_725 : i32
        %parallel_loop3A_727 = arith.constant 0 : i32
        %parallel_loop3A_728 = arith.cmpi sgt, %parallel_loop3A_660, %parallel_loop3A_727 : i32
        %parallel_loop3A_729 = arith.extui %parallel_loop3A_728 : i1 to i32
        %parallel_loop3A_730 = arith.constant 0 : i32
        %parallel_loop3A_731 = arith.cmpi slt, %parallel_loop3A_660, %parallel_loop3A_730 : i32
        %parallel_loop3A_732 = arith.extui %parallel_loop3A_731 : i1 to i32
        %parallel_loop3A_733 = arith.subi %parallel_loop3A_729, %parallel_loop3A_732 : i32
        %parallel_loop3A_734 = arith.constant 0 : i32
        %parallel_loop3A_735 = arith.cmpi sgt, %parallel_loop3A_725, %parallel_loop3A_734 : i32
        %parallel_loop3A_736 = arith.extui %parallel_loop3A_735 : i1 to i32
        %parallel_loop3A_737 = arith.constant 0 : i32
        %parallel_loop3A_738 = arith.cmpi slt, %parallel_loop3A_725, %parallel_loop3A_737 : i32
        %parallel_loop3A_739 = arith.extui %parallel_loop3A_738 : i1 to i32
        %parallel_loop3A_740 = arith.subi %parallel_loop3A_736, %parallel_loop3A_739 : i32
        %parallel_loop3A_741 = arith.cmpi ne, %parallel_loop3A_733, %parallel_loop3A_740 : i32
        %parallel_loop3A_742 = arith.remsi %parallel_loop3A_660, %parallel_loop3A_725 : i32
        %parallel_loop3A_743 = arith.constant 0 : i32
        %parallel_loop3A_744 = arith.cmpi ne, %parallel_loop3A_742, %parallel_loop3A_743 : i32
        %parallel_loop3A_745 = arith.andi %parallel_loop3A_741, %parallel_loop3A_744 : i1
        %parallel_loop3A_746 = arith.constant 1 : i32
        %parallel_loop3A_747 = arith.subi %parallel_loop3A_726, %parallel_loop3A_746 : i32
        %parallel_loop3A_748 = arith.select %parallel_loop3A_745, %parallel_loop3A_747, %parallel_loop3A_726 : i32
        %parallel_loop3A_749 = arith.constant 8 : i32
        %parallel_loop3A_750 = arith.constant 0 : i32
        %parallel_loop3A_751 = arith.cmpi eq, %parallel_loop3A_749, %parallel_loop3A_750 : i32
        %parallel_loop3A_752 = arith.constant 1 : i32
        %parallel_loop3A_753 = arith.select %parallel_loop3A_751, %parallel_loop3A_752, %parallel_loop3A_749 : i32
        %parallel_loop3A_754 = arith.remsi %parallel_loop3A_660, %parallel_loop3A_753 : i32
        %parallel_loop3A_755 = arith.constant 0 : i32
        %parallel_loop3A_756 = arith.cmpi ne, %parallel_loop3A_754, %parallel_loop3A_755 : i32
        %parallel_loop3A_757 = arith.constant 0 : i32
        %parallel_loop3A_758 = arith.cmpi slt, %parallel_loop3A_754, %parallel_loop3A_757 : i32
        %parallel_loop3A_759 = arith.constant 0 : i32
        %parallel_loop3A_760 = arith.cmpi slt, %parallel_loop3A_753, %parallel_loop3A_759 : i32
        %parallel_loop3A_761 = arith.xori %parallel_loop3A_758, %parallel_loop3A_760 : i1
        %parallel_loop3A_762 = arith.andi %parallel_loop3A_761, %parallel_loop3A_756 : i1
        %parallel_loop3A_763 = arith.addi %parallel_loop3A_754, %parallel_loop3A_753 : i32
        %parallel_loop3A_764 = arith.select %parallel_loop3A_762, %parallel_loop3A_763, %parallel_loop3A_754 : i32
        %parallel_loop3A_765 = arith.constant 16 : i32
        %parallel_loop3A_766 = arith.muli %parallel_loop3A_764, %parallel_loop3A_765 : i32
        %parallel_loop3A_767 = arith.constant 0 : i32
        %parallel_loop3A_768 = vector.broadcast %parallel_loop3A_767 : i32 to vector<16xi32>
        %parallel_loop3A_769 = tpu.vector_load_idx %arg20[%parallel_loop3A_721, %parallel_loop3A_768, %parallel_loop3A_724] : memref<32x8x128xf32, #tpu.memory_space<vmem>>[vector<16xi32>, vector<16xi32>, vector<16xi32>], vector<16xf32>,
        %parallel_loop3A_770 = arith.constant 0 : i32
        %parallel_loop3A_771 = arith.index_cast %parallel_loop3A_748 : i32 to index
        %parallel_loop3A_772 = arith.index_cast %parallel_loop3A_770 : i32 to index
        %parallel_loop3A_773 = arith.index_cast %parallel_loop3A_766 : i32 to index
        %parallel_loop3A_774 = tpu.vector_load %arg23[%parallel_loop3A_771, %parallel_loop3A_772, %parallel_loop3A_773] {strides = array<i32>} : memref<16x8x128xf32, #tpu.memory_space<vmem>>, vector<16xf32>,
        tpu.vector_store %arg23[%parallel_loop3A_771, %parallel_loop3A_772, %parallel_loop3A_773], %parallel_loop3A_769 {strides = array<i32>} : memref<16x8x128xf32, #tpu.memory_space<vmem>>, vector<16xf32>,
        %parallel_loop3A_775 = arith.mulf %parallel_loop3A_718, %parallel_loop3A_769 : vector<16xf32>
        %parallel_loop3A_776 = arith.addf %parallel_loop3A_661, %parallel_loop3A_775 : vector<16xf32>
        %parallel_loop3A_777 = arith.constant 1 : i32
        %parallel_loop3A_778 = vector.broadcast %parallel_loop3A_777 : i32 to vector<16xi32>
        %parallel_loop3A_779 = tpu.vector_load_idx %arg20[%parallel_loop3A_721, %parallel_loop3A_778, %parallel_loop3A_724] : memref<32x8x128xf32, #tpu.memory_space<vmem>>[vector<16xi32>, vector<16xi32>, vector<16xi32>], vector<16xf32>,
        %parallel_loop3A_780 = arith.constant 1 : i32
        %parallel_loop3A_781 = arith.index_cast %parallel_loop3A_748 : i32 to index
        %parallel_loop3A_782 = arith.index_cast %parallel_loop3A_780 : i32 to index
        %parallel_loop3A_783 = arith.index_cast %parallel_loop3A_766 : i32 to index
        %parallel_loop3A_784 = tpu.vector_load %arg23[%parallel_loop3A_781, %parallel_loop3A_782, %parallel_loop3A_783] {strides = array<i32>} : memref<16x8x128xf32, #tpu.memory_space<vmem>>, vector<16xf32>,
        tpu.vector_store %arg23[%parallel_loop3A_781, %parallel_loop3A_782, %parallel_loop3A_783], %parallel_loop3A_779 {strides = array<i32>} : memref<16x8x128xf32, #tpu.memory_space<vmem>>, vector<16xf32>,
        %parallel_loop3A_785 = arith.mulf %parallel_loop3A_718, %parallel_loop3A_779 : vector<16xf32>
        %parallel_loop3A_786 = arith.addf %parallel_loop3A_662, %parallel_loop3A_785 : vector<16xf32>
        %parallel_loop3A_787 = arith.constant 2 : i32
        %parallel_loop3A_788 = vector.broadcast %parallel_loop3A_787 : i32 to vector<16xi32>
        %parallel_loop3A_789 = tpu.vector_load_idx %arg20[%parallel_loop3A_721, %parallel_loop3A_788, %parallel_loop3A_724] : memref<32x8x128xf32, #tpu.memory_space<vmem>>[vector<16xi32>, vector<16xi32>, vector<16xi32>], vector<16xf32>,
        %parallel_loop3A_790 = arith.constant 2 : i32
        %parallel_loop3A_791 = arith.index_cast %parallel_loop3A_748 : i32 to index
        %parallel_loop3A_792 = arith.index_cast %parallel_loop3A_790 : i32 to index
        %parallel_loop3A_793 = arith.index_cast %parallel_loop3A_766 : i32 to index
        %parallel_loop3A_794 = tpu.vector_load %arg23[%parallel_loop3A_791, %parallel_loop3A_792, %parallel_loop3A_793] {strides = array<i32>} : memref<16x8x128xf32, #tpu.memory_space<vmem>>, vector<16xf32>,
        tpu.vector_store %arg23[%parallel_loop3A_791, %parallel_loop3A_792, %parallel_loop3A_793], %parallel_loop3A_789 {strides = array<i32>} : memref<16x8x128xf32, #tpu.memory_space<vmem>>, vector<16xf32>,
        %parallel_loop3A_795 = arith.mulf %parallel_loop3A_718, %parallel_loop3A_789 : vector<16xf32>
        %parallel_loop3A_796 = arith.addf %parallel_loop3A_663, %parallel_loop3A_795 : vector<16xf32>
        %parallel_loop3A_797 = arith.constant 3 : i32
        %parallel_loop3A_798 = vector.broadcast %parallel_loop3A_797 : i32 to vector<16xi32>
        %parallel_loop3A_799 = tpu.vector_load_idx %arg20[%parallel_loop3A_721, %parallel_loop3A_798, %parallel_loop3A_724] : memref<32x8x128xf32, #tpu.memory_space<vmem>>[vector<16xi32>, vector<16xi32>, vector<16xi32>], vector<16xf32>,
        %parallel_loop3A_800 = arith.constant 3 : i32
        %parallel_loop3A_801 = arith.index_cast %parallel_loop3A_748 : i32 to index
        %parallel_loop3A_802 = arith.index_cast %parallel_loop3A_800 : i32 to index
        %parallel_loop3A_803 = arith.index_cast %parallel_loop3A_766 : i32 to index
        %parallel_loop3A_804 = tpu.vector_load %arg23[%parallel_loop3A_801, %parallel_loop3A_802, %parallel_loop3A_803] {strides = array<i32>} : memref<16x8x128xf32, #tpu.memory_space<vmem>>, vector<16xf32>,
        tpu.vector_store %arg23[%parallel_loop3A_801, %parallel_loop3A_802, %parallel_loop3A_803], %parallel_loop3A_799 {strides = array<i32>} : memref<16x8x128xf32, #tpu.memory_space<vmem>>, vector<16xf32>,
        %parallel_loop3A_805 = arith.mulf %parallel_loop3A_718, %parallel_loop3A_799 : vector<16xf32>
        %parallel_loop3A_806 = arith.addf %parallel_loop3A_664, %parallel_loop3A_805 : vector<16xf32>
        %parallel_loop3A_807 = arith.constant 4 : i32
        %parallel_loop3A_808 = vector.broadcast %parallel_loop3A_807 : i32 to vector<16xi32>
        %parallel_loop3A_809 = tpu.vector_load_idx %arg20[%parallel_loop3A_721, %parallel_loop3A_808, %parallel_loop3A_724] : memref<32x8x128xf32, #tpu.memory_space<vmem>>[vector<16xi32>, vector<16xi32>, vector<16xi32>], vector<16xf32>,
        %parallel_loop3A_810 = arith.constant 4 : i32
        %parallel_loop3A_811 = arith.index_cast %parallel_loop3A_748 : i32 to index
        %parallel_loop3A_812 = arith.index_cast %parallel_loop3A_810 : i32 to index
        %parallel_loop3A_813 = arith.index_cast %parallel_loop3A_766 : i32 to index
        %parallel_loop3A_814 = tpu.vector_load %arg23[%parallel_loop3A_811, %parallel_loop3A_812, %parallel_loop3A_813] {strides = array<i32>} : memref<16x8x128xf32, #tpu.memory_space<vmem>>, vector<16xf32>,
        tpu.vector_store %arg23[%parallel_loop3A_811, %parallel_loop3A_812, %parallel_loop3A_813], %parallel_loop3A_809 {strides = array<i32>} : memref<16x8x128xf32, #tpu.memory_space<vmem>>, vector<16xf32>,
        %parallel_loop3A_815 = arith.mulf %parallel_loop3A_718, %parallel_loop3A_809 : vector<16xf32>
        %parallel_loop3A_816 = arith.addf %parallel_loop3A_665, %parallel_loop3A_815 : vector<16xf32>
        %parallel_loop3A_817 = arith.constant 5 : i32
        %parallel_loop3A_818 = vector.broadcast %parallel_loop3A_817 : i32 to vector<16xi32>
        %parallel_loop3A_819 = tpu.vector_load_idx %arg20[%parallel_loop3A_721, %parallel_loop3A_818, %parallel_loop3A_724] : memref<32x8x128xf32, #tpu.memory_space<vmem>>[vector<16xi32>, vector<16xi32>, vector<16xi32>], vector<16xf32>,
        %parallel_loop3A_820 = arith.constant 5 : i32
        %parallel_loop3A_821 = arith.index_cast %parallel_loop3A_748 : i32 to index
        %parallel_loop3A_822 = arith.index_cast %parallel_loop3A_820 : i32 to index
        %parallel_loop3A_823 = arith.index_cast %parallel_loop3A_766 : i32 to index
        %parallel_loop3A_824 = tpu.vector_load %arg23[%parallel_loop3A_821, %parallel_loop3A_822, %parallel_loop3A_823] {strides = array<i32>} : memref<16x8x128xf32, #tpu.memory_space<vmem>>, vector<16xf32>,
        tpu.vector_store %arg23[%parallel_loop3A_821, %parallel_loop3A_822, %parallel_loop3A_823], %parallel_loop3A_819 {strides = array<i32>} : memref<16x8x128xf32, #tpu.memory_space<vmem>>, vector<16xf32>,
        %parallel_loop3A_825 = arith.mulf %parallel_loop3A_718, %parallel_loop3A_819 : vector<16xf32>
        %parallel_loop3A_826 = arith.addf %parallel_loop3A_666, %parallel_loop3A_825 : vector<16xf32>
        %parallel_loop3A_827 = arith.constant 6 : i32
        %parallel_loop3A_828 = vector.broadcast %parallel_loop3A_827 : i32 to vector<16xi32>
        %parallel_loop3A_829 = tpu.vector_load_idx %arg20[%parallel_loop3A_721, %parallel_loop3A_828, %parallel_loop3A_724] : memref<32x8x128xf32, #tpu.memory_space<vmem>>[vector<16xi32>, vector<16xi32>, vector<16xi32>], vector<16xf32>,
        %parallel_loop3A_830 = arith.constant 6 : i32
        %parallel_loop3A_831 = arith.index_cast %parallel_loop3A_748 : i32 to index
        %parallel_loop3A_832 = arith.index_cast %parallel_loop3A_830 : i32 to index
        %parallel_loop3A_833 = arith.index_cast %parallel_loop3A_766 : i32 to index
        %parallel_loop3A_834 = tpu.vector_load %arg23[%parallel_loop3A_831, %parallel_loop3A_832, %parallel_loop3A_833] {strides = array<i32>} : memref<16x8x128xf32, #tpu.memory_space<vmem>>, vector<16xf32>,
        tpu.vector_store %arg23[%parallel_loop3A_831, %parallel_loop3A_832, %parallel_loop3A_833], %parallel_loop3A_829 {strides = array<i32>} : memref<16x8x128xf32, #tpu.memory_space<vmem>>, vector<16xf32>,
        %parallel_loop3A_835 = arith.mulf %parallel_loop3A_718, %parallel_loop3A_829 : vector<16xf32>
        %parallel_loop3A_836 = arith.addf %parallel_loop3A_667, %parallel_loop3A_835 : vector<16xf32>
        %parallel_loop3A_837 = arith.constant 7 : i32
        %parallel_loop3A_838 = vector.broadcast %parallel_loop3A_837 : i32 to vector<16xi32>
        %parallel_loop3A_839 = tpu.vector_load_idx %arg20[%parallel_loop3A_721, %parallel_loop3A_838, %parallel_loop3A_724] : memref<32x8x128xf32, #tpu.memory_space<vmem>>[vector<16xi32>, vector<16xi32>, vector<16xi32>], vector<16xf32>,
        %parallel_loop3A_840 = arith.constant 7 : i32
        %parallel_loop3A_841 = arith.index_cast %parallel_loop3A_748 : i32 to index
        %parallel_loop3A_842 = arith.index_cast %parallel_loop3A_840 : i32 to index
        %parallel_loop3A_843 = arith.index_cast %parallel_loop3A_766 : i32 to index
        %parallel_loop3A_844 = tpu.vector_load %arg23[%parallel_loop3A_841, %parallel_loop3A_842, %parallel_loop3A_843] {strides = array<i32>} : memref<16x8x128xf32, #tpu.memory_space<vmem>>, vector<16xf32>,
        tpu.vector_store %arg23[%parallel_loop3A_841, %parallel_loop3A_842, %parallel_loop3A_843], %parallel_loop3A_839 {strides = array<i32>} : memref<16x8x128xf32, #tpu.memory_space<vmem>>, vector<16xf32>,
        %parallel_loop3A_845 = arith.mulf %parallel_loop3A_718, %parallel_loop3A_839 : vector<16xf32>
        %parallel_loop3A_846 = arith.addf %parallel_loop3A_668, %parallel_loop3A_845 : vector<16xf32>
        scf.yield %parallel_loop3A_776, %parallel_loop3A_786, %parallel_loop3A_796, %parallel_loop3A_806, %parallel_loop3A_816, %parallel_loop3A_826, %parallel_loop3A_836, %parallel_loop3A_846 : vector<16xf32>, vector<16xf32>, vector<16xf32>, vector<16xf32>, vector<16xf32>, vector<16xf32>, vector<16xf32>, vector<16xf32>
      } {sc.loop_unroll_factor = 2 : i64, sc.parallel_access}
      %dma_start3A_343 = arith.constant 0 : i32
      %dma_start3A_344 = arith.constant 0 : i32
      %dma_start3A_345 = arith.constant 0 : i32
      %dma_start3A_346 = arith.constant 0 : i32
      %dma_start3A_347 = tpu.memref_slice %arg8[%add3A, %dma_start3A_343, %dma_start3A_344, %dma_start3A_345, %dma_start3A_346] : memref<32x8x32x8x128xf32, #tpu.memory_space<hbm>> -> memref<1x8x32x8x128xf32, #tpu.memory_space<hbm>>
      %dma_start3A_348 = tpu.memref_squeeze %dma_start3A_347 : memref<1x8x32x8x128xf32, #tpu.memory_space<hbm>> -> memref<8x32x8x128xf32, #tpu.memory_space<hbm>>
      %dma_start3A_349 = arith.constant 16 : i32
      %dma_start3A_350 = arith.constant 0 : i32
      %dma_start3A_351 = arith.constant 0 : i32
      %dma_start3A_352 = tpu.memref_slice %dma_start3A_348[%add3A_267, %dma_start3A_349, %dma_start3A_350, %dma_start3A_351] : memref<8x32x8x128xf32, #tpu.memory_space<hbm>> -> memref<1x16x8x128xf32, #tpu.memory_space<hbm>>
      %dma_start3A_353 = tpu.memref_squeeze %dma_start3A_352 : memref<1x16x8x128xf32, #tpu.memory_space<hbm>> -> memref<16x8x128xf32, #tpu.memory_space<hbm>>
      %dma_start3A_354 = arith.constant 0 : i32
      %dma_start3A_355 = arith.constant 0 : i32
      %dma_start3A_356 = arith.constant 0 : i32
      %dma_start3A_357 = arith.constant 0 : i32
      %dma_start3A_358 = tpu.memref_slice %arg8[%add3A, %dma_start3A_354, %dma_start3A_355, %dma_start3A_356, %dma_start3A_357] : memref<32x8x32x8x128xf32, #tpu.memory_space<hbm>> -> memref<1x8x32x8x128xf32, #tpu.memory_space<hbm>>
      %dma_start3A_359 = tpu.memref_squeeze %dma_start3A_358 : memref<1x8x32x8x128xf32, #tpu.memory_space<hbm>> -> memref<8x32x8x128xf32, #tpu.memory_space<hbm>>
      %dma_start3A_360 = arith.constant 16 : i32
      %dma_start3A_361 = arith.constant 0 : i32
      %dma_start3A_362 = arith.constant 0 : i32
      %dma_start3A_363 = tpu.memref_slice %dma_start3A_359[%add3A_267, %dma_start3A_360, %dma_start3A_361, %dma_start3A_362] : memref<8x32x8x128xf32, #tpu.memory_space<hbm>> -> memref<1x16x8x128xf32, #tpu.memory_space<hbm>>
      %dma_start3A_364 = tpu.memref_squeeze %dma_start3A_363 : memref<1x16x8x128xf32, #tpu.memory_space<hbm>> -> memref<16x8x128xf32, #tpu.memory_space<hbm>>
      tpu.enqueue_dma source(%arg23 : memref<16x8x128xf32, #tpu.memory_space<vmem>>) target(%dma_start3A_364 : memref<16x8x128xf32, #tpu.memory_space<hbm>>) target_semaphore(%arg27 : memref<!tpu.dma_semaphore, #tpu.memory_space<semaphore_mem>>)
      %add3A_365 = arith.constant 2 : i32
      %add3A_366 = arith.addi %add3A_267, %add3A_365 : i32
      %lt3A_367 = arith.constant 8 : i32
      %lt3A_368 = arith.cmpi slt, %add3A_366, %lt3A_367 : i32
      %convert_element_type3A_369 = arith.extui %lt3A_368 : i1 to i32
      %cond3A_370 = arith.constant 0 : i32
      %cond3A_371 = arith.cmpi ne, %convert_element_type3A_369, %cond3A_370 : i32
      scf.if %cond3A_371 {
        %add3A_660 = arith.constant 2 : i32
        %add3A_661 = arith.addi %add3A_267, %add3A_660 : i32
        %dma_start3A_662 = arith.constant 0 : i32
        %dma_start3A_663 = arith.constant 0 : i32
        %dma_start3A_664 = arith.constant 0 : i32
        %dma_start3A_665 = arith.constant 0 : i32
        %dma_start3A_666 = tpu.memref_slice %arg2[%add3A, %dma_start3A_662, %dma_start3A_663, %dma_start3A_664, %dma_start3A_665] : memref<32x8x32x8x128xf32, #tpu.memory_space<hbm>> -> memref<1x8x32x8x128xf32, #tpu.memory_space<hbm>>
        %dma_start3A_667 = tpu.memref_squeeze %dma_start3A_666 : memref<1x8x32x8x128xf32, #tpu.memory_space<hbm>> -> memref<8x32x8x128xf32, #tpu.memory_space<hbm>>
        %dma_start3A_668 = arith.constant 0 : i32
        %dma_start3A_669 = arith.constant 0 : i32
        %dma_start3A_670 = arith.constant 0 : i32
        %dma_start3A_671 = tpu.memref_slice %dma_start3A_667[%add3A_661, %dma_start3A_668, %dma_start3A_669, %dma_start3A_670] : memref<8x32x8x128xf32, #tpu.memory_space<hbm>> -> memref<1x32x8x128xf32, #tpu.memory_space<hbm>>
        %dma_start3A_672 = tpu.memref_squeeze %dma_start3A_671 : memref<1x32x8x128xf32, #tpu.memory_space<hbm>> -> memref<32x8x128xf32, #tpu.memory_space<hbm>>
        %dma_start3A_673 = arith.constant 0 : i32
        %dma_start3A_674 = arith.constant 0 : i32
        %dma_start3A_675 = arith.constant 0 : i32
        %dma_start3A_676 = arith.constant 0 : i32
        %dma_start3A_677 = tpu.memref_slice %arg2[%add3A, %dma_start3A_673, %dma_start3A_674, %dma_start3A_675, %dma_start3A_676] : memref<32x8x32x8x128xf32, #tpu.memory_space<hbm>> -> memref<1x8x32x8x128xf32, #tpu.memory_space<hbm>>
        %dma_start3A_678 = tpu.memref_squeeze %dma_start3A_677 : memref<1x8x32x8x128xf32, #tpu.memory_space<hbm>> -> memref<8x32x8x128xf32, #tpu.memory_space<hbm>>
        %dma_start3A_679 = arith.constant 0 : i32
        %dma_start3A_680 = arith.constant 0 : i32
        %dma_start3A_681 = arith.constant 0 : i32
        %dma_start3A_682 = tpu.memref_slice %dma_start3A_678[%add3A_661, %dma_start3A_679, %dma_start3A_680, %dma_start3A_681] : memref<8x32x8x128xf32, #tpu.memory_space<hbm>> -> memref<1x32x8x128xf32, #tpu.memory_space<hbm>>
        %dma_start3A_683 = tpu.memref_squeeze %dma_start3A_682 : memref<1x32x8x128xf32, #tpu.memory_space<hbm>> -> memref<32x8x128xf32, #tpu.memory_space<hbm>>
        tpu.enqueue_dma source(%dma_start3A_683 : memref<32x8x128xf32, #tpu.memory_space<hbm>>) target(%arg20 : memref<32x8x128xf32, #tpu.memory_space<vmem>>) target_semaphore(%arg24 : memref<!tpu.dma_semaphore, #tpu.memory_space<semaphore_mem>>)
      } else {
      }
      %reduce_sum3A_372 = arith.constant true
      %reduce_sum3A_373 = vector.broadcast %reduce_sum3A_372 : i1 to vector<16xi1>
      %reduce_sum3A_374 = tpu.scan <sum>, %parallel_loop3A_342#0 masked %reduce_sum3A_373 : vector<16xf32>, vector<16xi1> -> vector<16xf32>
      %reduce_sum3A_375 = vector.extract %reduce_sum3A_374[15] : f32 from vector<16xf32>
      %broadcast_in_dim3A_376 = vector.broadcast %reduce_sum3A_375 : f32 to vector<16xf32>
      %mul3A_377 = arith.mulf %broadcast_in_dim3A_376, %div3A_158 : vector<16xf32>
      %mul3A_378 = arith.constant 8 : i32
      %mul3A_379 = arith.muli %add3A_267, %mul3A_378 : i32
      %add3A_380 = arith.constant 0 : i32
      %add3A_381 = arith.addi %mul3A_379, %add3A_380 : i32
      %broadcast_in_dim3A_382 = vector.broadcast %add3A_381 : i32 to vector<16xi32>
      tpu.vector_store_idx %arg19[%broadcast_in_dim3A_382], %mul3A_377 masked %eq3A_185 : memref<64xf32, #tpu.memory_space<vmem>>[vector<16xi32>], vector<16xf32>, vector<16xi1>
      %reduce_sum3A_383 = arith.constant true
      %reduce_sum3A_384 = vector.broadcast %reduce_sum3A_383 : i1 to vector<16xi1>
      %reduce_sum3A_385 = tpu.scan <sum>, %parallel_loop3A_342#1 masked %reduce_sum3A_384 : vector<16xf32>, vector<16xi1> -> vector<16xf32>
      %reduce_sum3A_386 = vector.extract %reduce_sum3A_385[15] : f32 from vector<16xf32>
      %broadcast_in_dim3A_387 = vector.broadcast %reduce_sum3A_386 : f32 to vector<16xf32>
      %mul3A_388 = arith.mulf %broadcast_in_dim3A_387, %div3A_158 : vector<16xf32>
      %mul3A_389 = arith.constant 8 : i32
      %mul3A_390 = arith.muli %add3A_267, %mul3A_389 : i32
      %add3A_391 = arith.constant 1 : i32
      %add3A_392 = arith.addi %mul3A_390, %add3A_391 : i32
      %broadcast_in_dim3A_393 = vector.broadcast %add3A_392 : i32 to vector<16xi32>
      tpu.vector_store_idx %arg19[%broadcast_in_dim3A_393], %mul3A_388 masked %eq3A_185 : memref<64xf32, #tpu.memory_space<vmem>>[vector<16xi32>], vector<16xf32>, vector<16xi1>
      %reduce_sum3A_394 = arith.constant true
      %reduce_sum3A_395 = vector.broadcast %reduce_sum3A_394 : i1 to vector<16xi1>
      %reduce_sum3A_396 = tpu.scan <sum>, %parallel_loop3A_342#2 masked %reduce_sum3A_395 : vector<16xf32>, vector<16xi1> -> vector<16xf32>
      %reduce_sum3A_397 = vector.extract %reduce_sum3A_396[15] : f32 from vector<16xf32>
      %broadcast_in_dim3A_398 = vector.broadcast %reduce_sum3A_397 : f32 to vector<16xf32>
      %mul3A_399 = arith.mulf %broadcast_in_dim3A_398, %div3A_158 : vector<16xf32>
      %mul3A_400 = arith.constant 8 : i32
      %mul3A_401 = arith.muli %add3A_267, %mul3A_400 : i32
      %add3A_402 = arith.constant 2 : i32
      %add3A_403 = arith.addi %mul3A_401, %add3A_402 : i32
      %broadcast_in_dim3A_404 = vector.broadcast %add3A_403 : i32 to vector<16xi32>
      tpu.vector_store_idx %arg19[%broadcast_in_dim3A_404], %mul3A_399 masked %eq3A_185 : memref<64xf32, #tpu.memory_space<vmem>>[vector<16xi32>], vector<16xf32>, vector<16xi1>
      %reduce_sum3A_405 = arith.constant true
      %reduce_sum3A_406 = vector.broadcast %reduce_sum3A_405 : i1 to vector<16xi1>
      %reduce_sum3A_407 = tpu.scan <sum>, %parallel_loop3A_342#3 masked %reduce_sum3A_406 : vector<16xf32>, vector<16xi1> -> vector<16xf32>
      %reduce_sum3A_408 = vector.extract %reduce_sum3A_407[15] : f32 from vector<16xf32>
      %broadcast_in_dim3A_409 = vector.broadcast %reduce_sum3A_408 : f32 to vector<16xf32>
      %mul3A_410 = arith.mulf %broadcast_in_dim3A_409, %div3A_158 : vector<16xf32>
      %mul3A_411 = arith.constant 8 : i32
      %mul3A_412 = arith.muli %add3A_267, %mul3A_411 : i32
      %add3A_413 = arith.constant 3 : i32
      %add3A_414 = arith.addi %mul3A_412, %add3A_413 : i32
      %broadcast_in_dim3A_415 = vector.broadcast %add3A_414 : i32 to vector<16xi32>
      tpu.vector_store_idx %arg19[%broadcast_in_dim3A_415], %mul3A_410 masked %eq3A_185 : memref<64xf32, #tpu.memory_space<vmem>>[vector<16xi32>], vector<16xf32>, vector<16xi1>
      %reduce_sum3A_416 = arith.constant true
      %reduce_sum3A_417 = vector.broadcast %reduce_sum3A_416 : i1 to vector<16xi1>
      %reduce_sum3A_418 = tpu.scan <sum>, %parallel_loop3A_342#4 masked %reduce_sum3A_417 : vector<16xf32>, vector<16xi1> -> vector<16xf32>
      %reduce_sum3A_419 = vector.extract %reduce_sum3A_418[15] : f32 from vector<16xf32>
      %broadcast_in_dim3A_420 = vector.broadcast %reduce_sum3A_419 : f32 to vector<16xf32>
      %mul3A_421 = arith.mulf %broadcast_in_dim3A_420, %div3A_158 : vector<16xf32>
      %mul3A_422 = arith.constant 8 : i32
      %mul3A_423 = arith.muli %add3A_267, %mul3A_422 : i32
      %add3A_424 = arith.constant 4 : i32
      %add3A_425 = arith.addi %mul3A_423, %add3A_424 : i32
      %broadcast_in_dim3A_426 = vector.broadcast %add3A_425 : i32 to vector<16xi32>
      tpu.vector_store_idx %arg19[%broadcast_in_dim3A_426], %mul3A_421 masked %eq3A_185 : memref<64xf32, #tpu.memory_space<vmem>>[vector<16xi32>], vector<16xf32>, vector<16xi1>
      %reduce_sum3A_427 = arith.constant true
      %reduce_sum3A_428 = vector.broadcast %reduce_sum3A_427 : i1 to vector<16xi1>
      %reduce_sum3A_429 = tpu.scan <sum>, %parallel_loop3A_342#5 masked %reduce_sum3A_428 : vector<16xf32>, vector<16xi1> -> vector<16xf32>
      %reduce_sum3A_430 = vector.extract %reduce_sum3A_429[15] : f32 from vector<16xf32>
      %broadcast_in_dim3A_431 = vector.broadcast %reduce_sum3A_430 : f32 to vector<16xf32>
      %mul3A_432 = arith.mulf %broadcast_in_dim3A_431, %div3A_158 : vector<16xf32>
      %mul3A_433 = arith.constant 8 : i32
      %mul3A_434 = arith.muli %add3A_267, %mul3A_433 : i32
      %add3A_435 = arith.constant 5 : i32
      %add3A_436 = arith.addi %mul3A_434, %add3A_435 : i32
      %broadcast_in_dim3A_437 = vector.broadcast %add3A_436 : i32 to vector<16xi32>
      tpu.vector_store_idx %arg19[%broadcast_in_dim3A_437], %mul3A_432 masked %eq3A_185 : memref<64xf32, #tpu.memory_space<vmem>>[vector<16xi32>], vector<16xf32>, vector<16xi1>
      %reduce_sum3A_438 = arith.constant true
      %reduce_sum3A_439 = vector.broadcast %reduce_sum3A_438 : i1 to vector<16xi1>
      %reduce_sum3A_440 = tpu.scan <sum>, %parallel_loop3A_342#6 masked %reduce_sum3A_439 : vector<16xf32>, vector<16xi1> -> vector<16xf32>
      %reduce_sum3A_441 = vector.extract %reduce_sum3A_440[15] : f32 from vector<16xf32>
      %broadcast_in_dim3A_442 = vector.broadcast %reduce_sum3A_441 : f32 to vector<16xf32>
      %mul3A_443 = arith.mulf %broadcast_in_dim3A_442, %div3A_158 : vector<16xf32>
      %mul3A_444 = arith.constant 8 : i32
      %mul3A_445 = arith.muli %add3A_267, %mul3A_444 : i32
      %add3A_446 = arith.constant 6 : i32
      %add3A_447 = arith.addi %mul3A_445, %add3A_446 : i32
      %broadcast_in_dim3A_448 = vector.broadcast %add3A_447 : i32 to vector<16xi32>
      tpu.vector_store_idx %arg19[%broadcast_in_dim3A_448], %mul3A_443 masked %eq3A_185 : memref<64xf32, #tpu.memory_space<vmem>>[vector<16xi32>], vector<16xf32>, vector<16xi1>
      %reduce_sum3A_449 = arith.constant true
      %reduce_sum3A_450 = vector.broadcast %reduce_sum3A_449 : i1 to vector<16xi1>
      %reduce_sum3A_451 = tpu.scan <sum>, %parallel_loop3A_342#7 masked %reduce_sum3A_450 : vector<16xf32>, vector<16xi1> -> vector<16xf32>
      %reduce_sum3A_452 = vector.extract %reduce_sum3A_451[15] : f32 from vector<16xf32>
      %broadcast_in_dim3A_453 = vector.broadcast %reduce_sum3A_452 : f32 to vector<16xf32>
      %mul3A_454 = arith.mulf %broadcast_in_dim3A_453, %div3A_158 : vector<16xf32>
      %mul3A_455 = arith.constant 8 : i32
      %mul3A_456 = arith.muli %add3A_267, %mul3A_455 : i32
      %add3A_457 = arith.constant 7 : i32
      %add3A_458 = arith.addi %mul3A_456, %add3A_457 : i32
      %broadcast_in_dim3A_459 = vector.broadcast %add3A_458 : i32 to vector<16xi32>
      tpu.vector_store_idx %arg19[%broadcast_in_dim3A_459], %mul3A_454 masked %eq3A_185 : memref<64xf32, #tpu.memory_space<vmem>>[vector<16xi32>], vector<16xf32>, vector<16xi1>
      %mul3A_460 = arith.constant 2 : i32
      %mul3A_461 = arith.muli %scan3A_262, %mul3A_460 : i32
      %add3A_462 = arith.constant 1 : i32
      %add3A_463 = arith.addi %mul3A_461, %add3A_462 : i32
      %dma_wait3A_464 = arith.constant 0 : i32
      %dma_wait3A_465 = arith.constant 0 : i32
      %dma_wait3A_466 = arith.constant 0 : i32
      %dma_wait3A_467 = arith.constant 0 : i32
      %dma_wait3A_468 = tpu.memref_slice %arg2[%add3A, %dma_wait3A_464, %dma_wait3A_465, %dma_wait3A_466, %dma_wait3A_467] : memref<32x8x32x8x128xf32, #tpu.memory_space<hbm>> -> memref<1x8x32x8x128xf32, #tpu.memory_space<hbm>>
      %dma_wait3A_469 = tpu.memref_squeeze %dma_wait3A_468 : memref<1x8x32x8x128xf32, #tpu.memory_space<hbm>> -> memref<8x32x8x128xf32, #tpu.memory_space<hbm>>
      %dma_wait3A_470 = arith.constant 0 : i32
      %dma_wait3A_471 = arith.constant 0 : i32
      %dma_wait3A_472 = arith.constant 0 : i32
      %dma_wait3A_473 = tpu.memref_slice %dma_wait3A_469[%add3A_463, %dma_wait3A_470, %dma_wait3A_471, %dma_wait3A_472] : memref<8x32x8x128xf32, #tpu.memory_space<hbm>> -> memref<1x32x8x128xf32, #tpu.memory_space<hbm>>
      %dma_wait3A_474 = tpu.memref_squeeze %dma_wait3A_473 : memref<1x32x8x128xf32, #tpu.memory_space<hbm>> -> memref<32x8x128xf32, #tpu.memory_space<hbm>>
      %dma_wait3A_475 = arith.constant 0 : i32
      %dma_wait3A_476 = arith.constant 0 : i32
      %dma_wait3A_477 = arith.constant 0 : i32
      %dma_wait3A_478 = arith.constant 0 : i32
      %dma_wait3A_479 = tpu.memref_slice %arg2[%add3A, %dma_wait3A_475, %dma_wait3A_476, %dma_wait3A_477, %dma_wait3A_478] : memref<32x8x32x8x128xf32, #tpu.memory_space<hbm>> -> memref<1x8x32x8x128xf32, #tpu.memory_space<hbm>>
      %dma_wait3A_480 = tpu.memref_squeeze %dma_wait3A_479 : memref<1x8x32x8x128xf32, #tpu.memory_space<hbm>> -> memref<8x32x8x128xf32, #tpu.memory_space<hbm>>
      %dma_wait3A_481 = arith.constant 0 : i32
      %dma_wait3A_482 = arith.constant 0 : i32
      %dma_wait3A_483 = arith.constant 0 : i32
      %dma_wait3A_484 = tpu.memref_slice %dma_wait3A_480[%add3A_463, %dma_wait3A_481, %dma_wait3A_482, %dma_wait3A_483] : memref<8x32x8x128xf32, #tpu.memory_space<hbm>> -> memref<1x32x8x128xf32, #tpu.memory_space<hbm>>
      %dma_wait3A_485 = tpu.memref_squeeze %dma_wait3A_484 : memref<1x32x8x128xf32, #tpu.memory_space<hbm>> -> memref<32x8x128xf32, #tpu.memory_space<hbm>>
      tpu.wait_dma2 semaphore(%arg25 : memref<!tpu.dma_semaphore, #tpu.memory_space<semaphore_mem>>) src(%dma_wait3A_485 : memref<32x8x128xf32, #tpu.memory_space<hbm>>) dst(%arg21 : memref<32x8x128xf32, #tpu.memory_space<vmem>>)
      %broadcast_in_dim3A_486 = arith.constant 0.000000e+00 : f32
      %broadcast_in_dim3A_487 = vector.broadcast %broadcast_in_dim3A_486 : f32 to vector<16xf32>
      %broadcast_in_dim3A_488 = arith.constant 0.000000e+00 : f32
      %broadcast_in_dim3A_489 = vector.broadcast %broadcast_in_dim3A_488 : f32 to vector<16xf32>
      %broadcast_in_dim3A_490 = arith.constant 0.000000e+00 : f32
      %broadcast_in_dim3A_491 = vector.broadcast %broadcast_in_dim3A_490 : f32 to vector<16xf32>
      %broadcast_in_dim3A_492 = arith.constant 0.000000e+00 : f32
      %broadcast_in_dim3A_493 = vector.broadcast %broadcast_in_dim3A_492 : f32 to vector<16xf32>
      %broadcast_in_dim3A_494 = arith.constant 0.000000e+00 : f32
      %broadcast_in_dim3A_495 = vector.broadcast %broadcast_in_dim3A_494 : f32 to vector<16xf32>
      %broadcast_in_dim3A_496 = arith.constant 0.000000e+00 : f32
      %broadcast_in_dim3A_497 = vector.broadcast %broadcast_in_dim3A_496 : f32 to vector<16xf32>
      %broadcast_in_dim3A_498 = arith.constant 0.000000e+00 : f32
      %broadcast_in_dim3A_499 = vector.broadcast %broadcast_in_dim3A_498 : f32 to vector<16xf32>
      %broadcast_in_dim3A_500 = arith.constant 0.000000e+00 : f32
      %broadcast_in_dim3A_501 = vector.broadcast %broadcast_in_dim3A_500 : f32 to vector<16xf32>
      %gt3A_502 = arith.constant 0 : i32
      %gt3A_503 = arith.cmpi sgt, %add3A_463, %gt3A_502 : i32
      %convert_element_type3A_504 = arith.extui %gt3A_503 : i1 to i32
      %cond3A_505 = arith.constant 0 : i32
      %cond3A_506 = arith.cmpi ne, %convert_element_type3A_504, %cond3A_505 : i32
      scf.if %cond3A_506 {
        %sub3A_660 = arith.constant 1 : i32
        %sub3A_661 = arith.subi %add3A_463, %sub3A_660 : i32
        %dma_wait3A_662 = arith.constant 0 : i32
        %dma_wait3A_663 = arith.constant 0 : i32
        %dma_wait3A_664 = arith.constant 0 : i32
        %dma_wait3A_665 = arith.constant 0 : i32
        %dma_wait3A_666 = tpu.memref_slice %arg8[%add3A, %dma_wait3A_662, %dma_wait3A_663, %dma_wait3A_664, %dma_wait3A_665] : memref<32x8x32x8x128xf32, #tpu.memory_space<hbm>> -> memref<1x8x32x8x128xf32, #tpu.memory_space<hbm>>
        %dma_wait3A_667 = tpu.memref_squeeze %dma_wait3A_666 : memref<1x8x32x8x128xf32, #tpu.memory_space<hbm>> -> memref<8x32x8x128xf32, #tpu.memory_space<hbm>>
        %dma_wait3A_668 = arith.constant 0 : i32
        %dma_wait3A_669 = arith.constant 0 : i32
        %dma_wait3A_670 = arith.constant 0 : i32
        %dma_wait3A_671 = tpu.memref_slice %dma_wait3A_667[%sub3A_661, %dma_wait3A_668, %dma_wait3A_669, %dma_wait3A_670] : memref<8x32x8x128xf32, #tpu.memory_space<hbm>> -> memref<1x16x8x128xf32, #tpu.memory_space<hbm>>
        %dma_wait3A_672 = tpu.memref_squeeze %dma_wait3A_671 : memref<1x16x8x128xf32, #tpu.memory_space<hbm>> -> memref<16x8x128xf32, #tpu.memory_space<hbm>>
        %dma_wait3A_673 = arith.constant 0 : i32
        %dma_wait3A_674 = arith.constant 0 : i32
        %dma_wait3A_675 = arith.constant 0 : i32
        %dma_wait3A_676 = arith.constant 0 : i32
        %dma_wait3A_677 = tpu.memref_slice %arg8[%add3A, %dma_wait3A_673, %dma_wait3A_674, %dma_wait3A_675, %dma_wait3A_676] : memref<32x8x32x8x128xf32, #tpu.memory_space<hbm>> -> memref<1x8x32x8x128xf32, #tpu.memory_space<hbm>>
        %dma_wait3A_678 = tpu.memref_squeeze %dma_wait3A_677 : memref<1x8x32x8x128xf32, #tpu.memory_space<hbm>> -> memref<8x32x8x128xf32, #tpu.memory_space<hbm>>
        %dma_wait3A_679 = arith.constant 0 : i32
        %dma_wait3A_680 = arith.constant 0 : i32
        %dma_wait3A_681 = arith.constant 0 : i32
        %dma_wait3A_682 = tpu.memref_slice %dma_wait3A_678[%sub3A_661, %dma_wait3A_679, %dma_wait3A_680, %dma_wait3A_681] : memref<8x32x8x128xf32, #tpu.memory_space<hbm>> -> memref<1x16x8x128xf32, #tpu.memory_space<hbm>>
        %dma_wait3A_683 = tpu.memref_squeeze %dma_wait3A_682 : memref<1x16x8x128xf32, #tpu.memory_space<hbm>> -> memref<16x8x128xf32, #tpu.memory_space<hbm>>
        tpu.wait_dma2 semaphore(%arg26 : memref<!tpu.dma_semaphore, #tpu.memory_space<semaphore_mem>>) src(%arg22 : memref<16x8x128xf32, #tpu.memory_space<vmem>>) dst(%dma_wait3A_683 : memref<16x8x128xf32, #tpu.memory_space<hbm>>)
      } else {
      }
      %parallel_loop3A_507 = arith.constant 0 : i32
      %parallel_loop3A_508 = arith.constant 128 : i32
      %parallel_loop3A_509 = arith.constant 1 : i32
      %parallel_loop3A_510:8 = scf.for %parallel_loop3A_660 = %parallel_loop3A_507 to %parallel_loop3A_508 step %parallel_loop3A_509 iter_args(%parallel_loop3A_661 = %broadcast_in_dim3A_487, %parallel_loop3A_662 = %broadcast_in_dim3A_489, %parallel_loop3A_663 = %broadcast_in_dim3A_491, %parallel_loop3A_664 = %broadcast_in_dim3A_493, %parallel_loop3A_665 = %broadcast_in_dim3A_495, %parallel_loop3A_666 = %broadcast_in_dim3A_497, %parallel_loop3A_667 = %broadcast_in_dim3A_499, %parallel_loop3A_668 = %broadcast_in_dim3A_501) -> (vector<16xf32>, vector<16xf32>, vector<16xf32>, vector<16xf32>, vector<16xf32>, vector<16xf32>, vector<16xf32>, vector<16xf32>)  : i32 {
        %parallel_loop3A_669 = arith.constant 0 : i32
        %parallel_loop3A_670 = arith.addi %parallel_loop3A_669, %parallel_loop3A_660 : i32
        %parallel_loop3A_671 = arith.constant 8 : i32
        %parallel_loop3A_672 = arith.divsi %parallel_loop3A_670, %parallel_loop3A_671 : i32
        %parallel_loop3A_673 = arith.constant 0 : i32
        %parallel_loop3A_674 = arith.cmpi sgt, %parallel_loop3A_670, %parallel_loop3A_673 : i32
        %parallel_loop3A_675 = arith.extui %parallel_loop3A_674 : i1 to i32
        %parallel_loop3A_676 = arith.constant 0 : i32
        %parallel_loop3A_677 = arith.cmpi slt, %parallel_loop3A_670, %parallel_loop3A_676 : i32
        %parallel_loop3A_678 = arith.extui %parallel_loop3A_677 : i1 to i32
        %parallel_loop3A_679 = arith.subi %parallel_loop3A_675, %parallel_loop3A_678 : i32
        %parallel_loop3A_680 = arith.constant 0 : i32
        %parallel_loop3A_681 = arith.cmpi sgt, %parallel_loop3A_671, %parallel_loop3A_680 : i32
        %parallel_loop3A_682 = arith.extui %parallel_loop3A_681 : i1 to i32
        %parallel_loop3A_683 = arith.constant 0 : i32
        %parallel_loop3A_684 = arith.cmpi slt, %parallel_loop3A_671, %parallel_loop3A_683 : i32
        %parallel_loop3A_685 = arith.extui %parallel_loop3A_684 : i1 to i32
        %parallel_loop3A_686 = arith.subi %parallel_loop3A_682, %parallel_loop3A_685 : i32
        %parallel_loop3A_687 = arith.cmpi ne, %parallel_loop3A_679, %parallel_loop3A_686 : i32
        %parallel_loop3A_688 = arith.remsi %parallel_loop3A_670, %parallel_loop3A_671 : i32
        %parallel_loop3A_689 = arith.constant 0 : i32
        %parallel_loop3A_690 = arith.cmpi ne, %parallel_loop3A_688, %parallel_loop3A_689 : i32
        %parallel_loop3A_691 = arith.andi %parallel_loop3A_687, %parallel_loop3A_690 : i1
        %parallel_loop3A_692 = arith.constant 1 : i32
        %parallel_loop3A_693 = arith.subi %parallel_loop3A_672, %parallel_loop3A_692 : i32
        %parallel_loop3A_694 = arith.select %parallel_loop3A_691, %parallel_loop3A_693, %parallel_loop3A_672 : i32
        %parallel_loop3A_695 = arith.constant 8 : i32
        %parallel_loop3A_696 = arith.constant 0 : i32
        %parallel_loop3A_697 = arith.cmpi eq, %parallel_loop3A_695, %parallel_loop3A_696 : i32
        %parallel_loop3A_698 = arith.constant 1 : i32
        %parallel_loop3A_699 = arith.select %parallel_loop3A_697, %parallel_loop3A_698, %parallel_loop3A_695 : i32
        %parallel_loop3A_700 = arith.remsi %parallel_loop3A_670, %parallel_loop3A_699 : i32
        %parallel_loop3A_701 = arith.constant 0 : i32
        %parallel_loop3A_702 = arith.cmpi ne, %parallel_loop3A_700, %parallel_loop3A_701 : i32
        %parallel_loop3A_703 = arith.constant 0 : i32
        %parallel_loop3A_704 = arith.cmpi slt, %parallel_loop3A_700, %parallel_loop3A_703 : i32
        %parallel_loop3A_705 = arith.constant 0 : i32
        %parallel_loop3A_706 = arith.cmpi slt, %parallel_loop3A_699, %parallel_loop3A_705 : i32
        %parallel_loop3A_707 = arith.xori %parallel_loop3A_704, %parallel_loop3A_706 : i1
        %parallel_loop3A_708 = arith.andi %parallel_loop3A_707, %parallel_loop3A_702 : i1
        %parallel_loop3A_709 = arith.addi %parallel_loop3A_700, %parallel_loop3A_699 : i32
        %parallel_loop3A_710 = arith.select %parallel_loop3A_708, %parallel_loop3A_709, %parallel_loop3A_700 : i32
        %parallel_loop3A_711 = arith.constant 16 : i32
        %parallel_loop3A_712 = arith.muli %parallel_loop3A_710, %parallel_loop3A_711 : i32
        %parallel_loop3A_713 = arith.index_cast %parallel_loop3A_694 : i32 to index
        %parallel_loop3A_714 = arith.index_cast %parallel_loop3A_712 : i32 to index
        %parallel_loop3A_715 = tpu.vector_load %arg12[%parallel_loop3A_713, %parallel_loop3A_714] {strides = array<i32>} : memref<32x128xi32, #tpu.memory_space<vmem>>, vector<16xi32>,
        %parallel_loop3A_716 = arith.index_cast %parallel_loop3A_694 : i32 to index
        %parallel_loop3A_717 = arith.index_cast %parallel_loop3A_712 : i32 to index
        %parallel_loop3A_718 = tpu.vector_load %arg13[%parallel_loop3A_716, %parallel_loop3A_717] {strides = array<i32>} : memref<32x128xf32, #tpu.memory_space<vmem>>, vector<16xf32>,
        %parallel_loop3A_719 = arith.constant 7 : i32
        %parallel_loop3A_720 = vector.broadcast %parallel_loop3A_719 : i32 to vector<16xi32>
        %parallel_loop3A_721 = arith.shrui %parallel_loop3A_715, %parallel_loop3A_720 : vector<16xi32>
        %parallel_loop3A_722 = arith.constant 127 : i32
        %parallel_loop3A_723 = vector.broadcast %parallel_loop3A_722 : i32 to vector<16xi32>
        %parallel_loop3A_724 = arith.andi %parallel_loop3A_715, %parallel_loop3A_723 : vector<16xi32>
        %parallel_loop3A_725 = arith.constant 8 : i32
        %parallel_loop3A_726 = arith.divsi %parallel_loop3A_660, %parallel_loop3A_725 : i32
        %parallel_loop3A_727 = arith.constant 0 : i32
        %parallel_loop3A_728 = arith.cmpi sgt, %parallel_loop3A_660, %parallel_loop3A_727 : i32
        %parallel_loop3A_729 = arith.extui %parallel_loop3A_728 : i1 to i32
        %parallel_loop3A_730 = arith.constant 0 : i32
        %parallel_loop3A_731 = arith.cmpi slt, %parallel_loop3A_660, %parallel_loop3A_730 : i32
        %parallel_loop3A_732 = arith.extui %parallel_loop3A_731 : i1 to i32
        %parallel_loop3A_733 = arith.subi %parallel_loop3A_729, %parallel_loop3A_732 : i32
        %parallel_loop3A_734 = arith.constant 0 : i32
        %parallel_loop3A_735 = arith.cmpi sgt, %parallel_loop3A_725, %parallel_loop3A_734 : i32
        %parallel_loop3A_736 = arith.extui %parallel_loop3A_735 : i1 to i32
        %parallel_loop3A_737 = arith.constant 0 : i32
        %parallel_loop3A_738 = arith.cmpi slt, %parallel_loop3A_725, %parallel_loop3A_737 : i32
        %parallel_loop3A_739 = arith.extui %parallel_loop3A_738 : i1 to i32
        %parallel_loop3A_740 = arith.subi %parallel_loop3A_736, %parallel_loop3A_739 : i32
        %parallel_loop3A_741 = arith.cmpi ne, %parallel_loop3A_733, %parallel_loop3A_740 : i32
        %parallel_loop3A_742 = arith.remsi %parallel_loop3A_660, %parallel_loop3A_725 : i32
        %parallel_loop3A_743 = arith.constant 0 : i32
        %parallel_loop3A_744 = arith.cmpi ne, %parallel_loop3A_742, %parallel_loop3A_743 : i32
        %parallel_loop3A_745 = arith.andi %parallel_loop3A_741, %parallel_loop3A_744 : i1
        %parallel_loop3A_746 = arith.constant 1 : i32
        %parallel_loop3A_747 = arith.subi %parallel_loop3A_726, %parallel_loop3A_746 : i32
        %parallel_loop3A_748 = arith.select %parallel_loop3A_745, %parallel_loop3A_747, %parallel_loop3A_726 : i32
        %parallel_loop3A_749 = arith.constant 8 : i32
        %parallel_loop3A_750 = arith.constant 0 : i32
        %parallel_loop3A_751 = arith.cmpi eq, %parallel_loop3A_749, %parallel_loop3A_750 : i32
        %parallel_loop3A_752 = arith.constant 1 : i32
        %parallel_loop3A_753 = arith.select %parallel_loop3A_751, %parallel_loop3A_752, %parallel_loop3A_749 : i32
        %parallel_loop3A_754 = arith.remsi %parallel_loop3A_660, %parallel_loop3A_753 : i32
        %parallel_loop3A_755 = arith.constant 0 : i32
        %parallel_loop3A_756 = arith.cmpi ne, %parallel_loop3A_754, %parallel_loop3A_755 : i32
        %parallel_loop3A_757 = arith.constant 0 : i32
        %parallel_loop3A_758 = arith.cmpi slt, %parallel_loop3A_754, %parallel_loop3A_757 : i32
        %parallel_loop3A_759 = arith.constant 0 : i32
        %parallel_loop3A_760 = arith.cmpi slt, %parallel_loop3A_753, %parallel_loop3A_759 : i32
        %parallel_loop3A_761 = arith.xori %parallel_loop3A_758, %parallel_loop3A_760 : i1
        %parallel_loop3A_762 = arith.andi %parallel_loop3A_761, %parallel_loop3A_756 : i1
        %parallel_loop3A_763 = arith.addi %parallel_loop3A_754, %parallel_loop3A_753 : i32
        %parallel_loop3A_764 = arith.select %parallel_loop3A_762, %parallel_loop3A_763, %parallel_loop3A_754 : i32
        %parallel_loop3A_765 = arith.constant 16 : i32
        %parallel_loop3A_766 = arith.muli %parallel_loop3A_764, %parallel_loop3A_765 : i32
        %parallel_loop3A_767 = arith.constant 0 : i32
        %parallel_loop3A_768 = vector.broadcast %parallel_loop3A_767 : i32 to vector<16xi32>
        %parallel_loop3A_769 = tpu.vector_load_idx %arg21[%parallel_loop3A_721, %parallel_loop3A_768, %parallel_loop3A_724] : memref<32x8x128xf32, #tpu.memory_space<vmem>>[vector<16xi32>, vector<16xi32>, vector<16xi32>], vector<16xf32>,
        %parallel_loop3A_770 = arith.constant 0 : i32
        %parallel_loop3A_771 = arith.index_cast %parallel_loop3A_748 : i32 to index
        %parallel_loop3A_772 = arith.index_cast %parallel_loop3A_770 : i32 to index
        %parallel_loop3A_773 = arith.index_cast %parallel_loop3A_766 : i32 to index
        %parallel_loop3A_774 = tpu.vector_load %arg22[%parallel_loop3A_771, %parallel_loop3A_772, %parallel_loop3A_773] {strides = array<i32>} : memref<16x8x128xf32, #tpu.memory_space<vmem>>, vector<16xf32>,
        tpu.vector_store %arg22[%parallel_loop3A_771, %parallel_loop3A_772, %parallel_loop3A_773], %parallel_loop3A_769 {strides = array<i32>} : memref<16x8x128xf32, #tpu.memory_space<vmem>>, vector<16xf32>,
        %parallel_loop3A_775 = arith.mulf %parallel_loop3A_718, %parallel_loop3A_769 : vector<16xf32>
        %parallel_loop3A_776 = arith.addf %parallel_loop3A_661, %parallel_loop3A_775 : vector<16xf32>
        %parallel_loop3A_777 = arith.constant 1 : i32
        %parallel_loop3A_778 = vector.broadcast %parallel_loop3A_777 : i32 to vector<16xi32>
        %parallel_loop3A_779 = tpu.vector_load_idx %arg21[%parallel_loop3A_721, %parallel_loop3A_778, %parallel_loop3A_724] : memref<32x8x128xf32, #tpu.memory_space<vmem>>[vector<16xi32>, vector<16xi32>, vector<16xi32>], vector<16xf32>,
        %parallel_loop3A_780 = arith.constant 1 : i32
        %parallel_loop3A_781 = arith.index_cast %parallel_loop3A_748 : i32 to index
        %parallel_loop3A_782 = arith.index_cast %parallel_loop3A_780 : i32 to index
        %parallel_loop3A_783 = arith.index_cast %parallel_loop3A_766 : i32 to index
        %parallel_loop3A_784 = tpu.vector_load %arg22[%parallel_loop3A_781, %parallel_loop3A_782, %parallel_loop3A_783] {strides = array<i32>} : memref<16x8x128xf32, #tpu.memory_space<vmem>>, vector<16xf32>,
        tpu.vector_store %arg22[%parallel_loop3A_781, %parallel_loop3A_782, %parallel_loop3A_783], %parallel_loop3A_779 {strides = array<i32>} : memref<16x8x128xf32, #tpu.memory_space<vmem>>, vector<16xf32>,
        %parallel_loop3A_785 = arith.mulf %parallel_loop3A_718, %parallel_loop3A_779 : vector<16xf32>
        %parallel_loop3A_786 = arith.addf %parallel_loop3A_662, %parallel_loop3A_785 : vector<16xf32>
        %parallel_loop3A_787 = arith.constant 2 : i32
        %parallel_loop3A_788 = vector.broadcast %parallel_loop3A_787 : i32 to vector<16xi32>
        %parallel_loop3A_789 = tpu.vector_load_idx %arg21[%parallel_loop3A_721, %parallel_loop3A_788, %parallel_loop3A_724] : memref<32x8x128xf32, #tpu.memory_space<vmem>>[vector<16xi32>, vector<16xi32>, vector<16xi32>], vector<16xf32>,
        %parallel_loop3A_790 = arith.constant 2 : i32
        %parallel_loop3A_791 = arith.index_cast %parallel_loop3A_748 : i32 to index
        %parallel_loop3A_792 = arith.index_cast %parallel_loop3A_790 : i32 to index
        %parallel_loop3A_793 = arith.index_cast %parallel_loop3A_766 : i32 to index
        %parallel_loop3A_794 = tpu.vector_load %arg22[%parallel_loop3A_791, %parallel_loop3A_792, %parallel_loop3A_793] {strides = array<i32>} : memref<16x8x128xf32, #tpu.memory_space<vmem>>, vector<16xf32>,
        tpu.vector_store %arg22[%parallel_loop3A_791, %parallel_loop3A_792, %parallel_loop3A_793], %parallel_loop3A_789 {strides = array<i32>} : memref<16x8x128xf32, #tpu.memory_space<vmem>>, vector<16xf32>,
        %parallel_loop3A_795 = arith.mulf %parallel_loop3A_718, %parallel_loop3A_789 : vector<16xf32>
        %parallel_loop3A_796 = arith.addf %parallel_loop3A_663, %parallel_loop3A_795 : vector<16xf32>
        %parallel_loop3A_797 = arith.constant 3 : i32
        %parallel_loop3A_798 = vector.broadcast %parallel_loop3A_797 : i32 to vector<16xi32>
        %parallel_loop3A_799 = tpu.vector_load_idx %arg21[%parallel_loop3A_721, %parallel_loop3A_798, %parallel_loop3A_724] : memref<32x8x128xf32, #tpu.memory_space<vmem>>[vector<16xi32>, vector<16xi32>, vector<16xi32>], vector<16xf32>,
        %parallel_loop3A_800 = arith.constant 3 : i32
        %parallel_loop3A_801 = arith.index_cast %parallel_loop3A_748 : i32 to index
        %parallel_loop3A_802 = arith.index_cast %parallel_loop3A_800 : i32 to index
        %parallel_loop3A_803 = arith.index_cast %parallel_loop3A_766 : i32 to index
        %parallel_loop3A_804 = tpu.vector_load %arg22[%parallel_loop3A_801, %parallel_loop3A_802, %parallel_loop3A_803] {strides = array<i32>} : memref<16x8x128xf32, #tpu.memory_space<vmem>>, vector<16xf32>,
        tpu.vector_store %arg22[%parallel_loop3A_801, %parallel_loop3A_802, %parallel_loop3A_803], %parallel_loop3A_799 {strides = array<i32>} : memref<16x8x128xf32, #tpu.memory_space<vmem>>, vector<16xf32>,
        %parallel_loop3A_805 = arith.mulf %parallel_loop3A_718, %parallel_loop3A_799 : vector<16xf32>
        %parallel_loop3A_806 = arith.addf %parallel_loop3A_664, %parallel_loop3A_805 : vector<16xf32>
        %parallel_loop3A_807 = arith.constant 4 : i32
        %parallel_loop3A_808 = vector.broadcast %parallel_loop3A_807 : i32 to vector<16xi32>
        %parallel_loop3A_809 = tpu.vector_load_idx %arg21[%parallel_loop3A_721, %parallel_loop3A_808, %parallel_loop3A_724] : memref<32x8x128xf32, #tpu.memory_space<vmem>>[vector<16xi32>, vector<16xi32>, vector<16xi32>], vector<16xf32>,
        %parallel_loop3A_810 = arith.constant 4 : i32
        %parallel_loop3A_811 = arith.index_cast %parallel_loop3A_748 : i32 to index
        %parallel_loop3A_812 = arith.index_cast %parallel_loop3A_810 : i32 to index
        %parallel_loop3A_813 = arith.index_cast %parallel_loop3A_766 : i32 to index
        %parallel_loop3A_814 = tpu.vector_load %arg22[%parallel_loop3A_811, %parallel_loop3A_812, %parallel_loop3A_813] {strides = array<i32>} : memref<16x8x128xf32, #tpu.memory_space<vmem>>, vector<16xf32>,
        tpu.vector_store %arg22[%parallel_loop3A_811, %parallel_loop3A_812, %parallel_loop3A_813], %parallel_loop3A_809 {strides = array<i32>} : memref<16x8x128xf32, #tpu.memory_space<vmem>>, vector<16xf32>,
        %parallel_loop3A_815 = arith.mulf %parallel_loop3A_718, %parallel_loop3A_809 : vector<16xf32>
        %parallel_loop3A_816 = arith.addf %parallel_loop3A_665, %parallel_loop3A_815 : vector<16xf32>
        %parallel_loop3A_817 = arith.constant 5 : i32
        %parallel_loop3A_818 = vector.broadcast %parallel_loop3A_817 : i32 to vector<16xi32>
        %parallel_loop3A_819 = tpu.vector_load_idx %arg21[%parallel_loop3A_721, %parallel_loop3A_818, %parallel_loop3A_724] : memref<32x8x128xf32, #tpu.memory_space<vmem>>[vector<16xi32>, vector<16xi32>, vector<16xi32>], vector<16xf32>,
        %parallel_loop3A_820 = arith.constant 5 : i32
        %parallel_loop3A_821 = arith.index_cast %parallel_loop3A_748 : i32 to index
        %parallel_loop3A_822 = arith.index_cast %parallel_loop3A_820 : i32 to index
        %parallel_loop3A_823 = arith.index_cast %parallel_loop3A_766 : i32 to index
        %parallel_loop3A_824 = tpu.vector_load %arg22[%parallel_loop3A_821, %parallel_loop3A_822, %parallel_loop3A_823] {strides = array<i32>} : memref<16x8x128xf32, #tpu.memory_space<vmem>>, vector<16xf32>,
        tpu.vector_store %arg22[%parallel_loop3A_821, %parallel_loop3A_822, %parallel_loop3A_823], %parallel_loop3A_819 {strides = array<i32>} : memref<16x8x128xf32, #tpu.memory_space<vmem>>, vector<16xf32>,
        %parallel_loop3A_825 = arith.mulf %parallel_loop3A_718, %parallel_loop3A_819 : vector<16xf32>
        %parallel_loop3A_826 = arith.addf %parallel_loop3A_666, %parallel_loop3A_825 : vector<16xf32>
        %parallel_loop3A_827 = arith.constant 6 : i32
        %parallel_loop3A_828 = vector.broadcast %parallel_loop3A_827 : i32 to vector<16xi32>
        %parallel_loop3A_829 = tpu.vector_load_idx %arg21[%parallel_loop3A_721, %parallel_loop3A_828, %parallel_loop3A_724] : memref<32x8x128xf32, #tpu.memory_space<vmem>>[vector<16xi32>, vector<16xi32>, vector<16xi32>], vector<16xf32>,
        %parallel_loop3A_830 = arith.constant 6 : i32
        %parallel_loop3A_831 = arith.index_cast %parallel_loop3A_748 : i32 to index
        %parallel_loop3A_832 = arith.index_cast %parallel_loop3A_830 : i32 to index
        %parallel_loop3A_833 = arith.index_cast %parallel_loop3A_766 : i32 to index
        %parallel_loop3A_834 = tpu.vector_load %arg22[%parallel_loop3A_831, %parallel_loop3A_832, %parallel_loop3A_833] {strides = array<i32>} : memref<16x8x128xf32, #tpu.memory_space<vmem>>, vector<16xf32>,
        tpu.vector_store %arg22[%parallel_loop3A_831, %parallel_loop3A_832, %parallel_loop3A_833], %parallel_loop3A_829 {strides = array<i32>} : memref<16x8x128xf32, #tpu.memory_space<vmem>>, vector<16xf32>,
        %parallel_loop3A_835 = arith.mulf %parallel_loop3A_718, %parallel_loop3A_829 : vector<16xf32>
        %parallel_loop3A_836 = arith.addf %parallel_loop3A_667, %parallel_loop3A_835 : vector<16xf32>
        %parallel_loop3A_837 = arith.constant 7 : i32
        %parallel_loop3A_838 = vector.broadcast %parallel_loop3A_837 : i32 to vector<16xi32>
        %parallel_loop3A_839 = tpu.vector_load_idx %arg21[%parallel_loop3A_721, %parallel_loop3A_838, %parallel_loop3A_724] : memref<32x8x128xf32, #tpu.memory_space<vmem>>[vector<16xi32>, vector<16xi32>, vector<16xi32>], vector<16xf32>,
        %parallel_loop3A_840 = arith.constant 7 : i32
        %parallel_loop3A_841 = arith.index_cast %parallel_loop3A_748 : i32 to index
        %parallel_loop3A_842 = arith.index_cast %parallel_loop3A_840 : i32 to index
        %parallel_loop3A_843 = arith.index_cast %parallel_loop3A_766 : i32 to index
        %parallel_loop3A_844 = tpu.vector_load %arg22[%parallel_loop3A_841, %parallel_loop3A_842, %parallel_loop3A_843] {strides = array<i32>} : memref<16x8x128xf32, #tpu.memory_space<vmem>>, vector<16xf32>,
        tpu.vector_store %arg22[%parallel_loop3A_841, %parallel_loop3A_842, %parallel_loop3A_843], %parallel_loop3A_839 {strides = array<i32>} : memref<16x8x128xf32, #tpu.memory_space<vmem>>, vector<16xf32>,
        %parallel_loop3A_845 = arith.mulf %parallel_loop3A_718, %parallel_loop3A_839 : vector<16xf32>
        %parallel_loop3A_846 = arith.addf %parallel_loop3A_668, %parallel_loop3A_845 : vector<16xf32>
        scf.yield %parallel_loop3A_776, %parallel_loop3A_786, %parallel_loop3A_796, %parallel_loop3A_806, %parallel_loop3A_816, %parallel_loop3A_826, %parallel_loop3A_836, %parallel_loop3A_846 : vector<16xf32>, vector<16xf32>, vector<16xf32>, vector<16xf32>, vector<16xf32>, vector<16xf32>, vector<16xf32>, vector<16xf32>
      } {sc.loop_unroll_factor = 2 : i64, sc.parallel_access}
      %dma_start3A_511 = arith.constant 0 : i32
      %dma_start3A_512 = arith.constant 0 : i32
      %dma_start3A_513 = arith.constant 0 : i32
      %dma_start3A_514 = arith.constant 0 : i32
      %dma_start3A_515 = tpu.memref_slice %arg8[%add3A, %dma_start3A_511, %dma_start3A_512, %dma_start3A_513, %dma_start3A_514] : memref<32x8x32x8x128xf32, #tpu.memory_space<hbm>> -> memref<1x8x32x8x128xf32, #tpu.memory_space<hbm>>
      %dma_start3A_516 = tpu.memref_squeeze %dma_start3A_515 : memref<1x8x32x8x128xf32, #tpu.memory_space<hbm>> -> memref<8x32x8x128xf32, #tpu.memory_space<hbm>>
      %dma_start3A_517 = arith.constant 0 : i32
      %dma_start3A_518 = arith.constant 0 : i32
      %dma_start3A_519 = arith.constant 0 : i32
      %dma_start3A_520 = tpu.memref_slice %dma_start3A_516[%add3A_463, %dma_start3A_517, %dma_start3A_518, %dma_start3A_519] : memref<8x32x8x128xf32, #tpu.memory_space<hbm>> -> memref<1x16x8x128xf32, #tpu.memory_space<hbm>>
      %dma_start3A_521 = tpu.memref_squeeze %dma_start3A_520 : memref<1x16x8x128xf32, #tpu.memory_space<hbm>> -> memref<16x8x128xf32, #tpu.memory_space<hbm>>
      %dma_start3A_522 = arith.constant 0 : i32
      %dma_start3A_523 = arith.constant 0 : i32
      %dma_start3A_524 = arith.constant 0 : i32
      %dma_start3A_525 = arith.constant 0 : i32
      %dma_start3A_526 = tpu.memref_slice %arg8[%add3A, %dma_start3A_522, %dma_start3A_523, %dma_start3A_524, %dma_start3A_525] : memref<32x8x32x8x128xf32, #tpu.memory_space<hbm>> -> memref<1x8x32x8x128xf32, #tpu.memory_space<hbm>>
      %dma_start3A_527 = tpu.memref_squeeze %dma_start3A_526 : memref<1x8x32x8x128xf32, #tpu.memory_space<hbm>> -> memref<8x32x8x128xf32, #tpu.memory_space<hbm>>
      %dma_start3A_528 = arith.constant 0 : i32
      %dma_start3A_529 = arith.constant 0 : i32
      %dma_start3A_530 = arith.constant 0 : i32
      %dma_start3A_531 = tpu.memref_slice %dma_start3A_527[%add3A_463, %dma_start3A_528, %dma_start3A_529, %dma_start3A_530] : memref<8x32x8x128xf32, #tpu.memory_space<hbm>> -> memref<1x16x8x128xf32, #tpu.memory_space<hbm>>
      %dma_start3A_532 = tpu.memref_squeeze %dma_start3A_531 : memref<1x16x8x128xf32, #tpu.memory_space<hbm>> -> memref<16x8x128xf32, #tpu.memory_space<hbm>>
      tpu.enqueue_dma source(%arg22 : memref<16x8x128xf32, #tpu.memory_space<vmem>>) target(%dma_start3A_532 : memref<16x8x128xf32, #tpu.memory_space<hbm>>) target_semaphore(%arg26 : memref<!tpu.dma_semaphore, #tpu.memory_space<semaphore_mem>>)
      %gt3A_533 = arith.constant 0 : i32
      %gt3A_534 = arith.cmpi sgt, %add3A_463, %gt3A_533 : i32
      %convert_element_type3A_535 = arith.extui %gt3A_534 : i1 to i32
      %cond3A_536 = arith.constant 0 : i32
      %cond3A_537 = arith.cmpi ne, %convert_element_type3A_535, %cond3A_536 : i32
      scf.if %cond3A_537 {
        %sub3A_660 = arith.constant 1 : i32
        %sub3A_661 = arith.subi %add3A_463, %sub3A_660 : i32
        %dma_wait3A_662 = arith.constant 0 : i32
        %dma_wait3A_663 = arith.constant 0 : i32
        %dma_wait3A_664 = arith.constant 0 : i32
        %dma_wait3A_665 = arith.constant 0 : i32
        %dma_wait3A_666 = tpu.memref_slice %arg8[%add3A, %dma_wait3A_662, %dma_wait3A_663, %dma_wait3A_664, %dma_wait3A_665] : memref<32x8x32x8x128xf32, #tpu.memory_space<hbm>> -> memref<1x8x32x8x128xf32, #tpu.memory_space<hbm>>
        %dma_wait3A_667 = tpu.memref_squeeze %dma_wait3A_666 : memref<1x8x32x8x128xf32, #tpu.memory_space<hbm>> -> memref<8x32x8x128xf32, #tpu.memory_space<hbm>>
        %dma_wait3A_668 = arith.constant 16 : i32
        %dma_wait3A_669 = arith.constant 0 : i32
        %dma_wait3A_670 = arith.constant 0 : i32
        %dma_wait3A_671 = tpu.memref_slice %dma_wait3A_667[%sub3A_661, %dma_wait3A_668, %dma_wait3A_669, %dma_wait3A_670] : memref<8x32x8x128xf32, #tpu.memory_space<hbm>> -> memref<1x16x8x128xf32, #tpu.memory_space<hbm>>
        %dma_wait3A_672 = tpu.memref_squeeze %dma_wait3A_671 : memref<1x16x8x128xf32, #tpu.memory_space<hbm>> -> memref<16x8x128xf32, #tpu.memory_space<hbm>>
        %dma_wait3A_673 = arith.constant 0 : i32
        %dma_wait3A_674 = arith.constant 0 : i32
        %dma_wait3A_675 = arith.constant 0 : i32
        %dma_wait3A_676 = arith.constant 0 : i32
        %dma_wait3A_677 = tpu.memref_slice %arg8[%add3A, %dma_wait3A_673, %dma_wait3A_674, %dma_wait3A_675, %dma_wait3A_676] : memref<32x8x32x8x128xf32, #tpu.memory_space<hbm>> -> memref<1x8x32x8x128xf32, #tpu.memory_space<hbm>>
        %dma_wait3A_678 = tpu.memref_squeeze %dma_wait3A_677 : memref<1x8x32x8x128xf32, #tpu.memory_space<hbm>> -> memref<8x32x8x128xf32, #tpu.memory_space<hbm>>
        %dma_wait3A_679 = arith.constant 16 : i32
        %dma_wait3A_680 = arith.constant 0 : i32
        %dma_wait3A_681 = arith.constant 0 : i32
        %dma_wait3A_682 = tpu.memref_slice %dma_wait3A_678[%sub3A_661, %dma_wait3A_679, %dma_wait3A_680, %dma_wait3A_681] : memref<8x32x8x128xf32, #tpu.memory_space<hbm>> -> memref<1x16x8x128xf32, #tpu.memory_space<hbm>>
        %dma_wait3A_683 = tpu.memref_squeeze %dma_wait3A_682 : memref<1x16x8x128xf32, #tpu.memory_space<hbm>> -> memref<16x8x128xf32, #tpu.memory_space<hbm>>
        tpu.wait_dma2 semaphore(%arg27 : memref<!tpu.dma_semaphore, #tpu.memory_space<semaphore_mem>>) src(%arg23 : memref<16x8x128xf32, #tpu.memory_space<vmem>>) dst(%dma_wait3A_683 : memref<16x8x128xf32, #tpu.memory_space<hbm>>)
      } else {
      }
      %parallel_loop3A_538 = arith.constant 0 : i32
      %parallel_loop3A_539 = arith.constant 128 : i32
      %parallel_loop3A_540 = arith.constant 1 : i32
      %parallel_loop3A_541:8 = scf.for %parallel_loop3A_660 = %parallel_loop3A_538 to %parallel_loop3A_539 step %parallel_loop3A_540 iter_args(%parallel_loop3A_661 = %parallel_loop3A_510#0, %parallel_loop3A_662 = %parallel_loop3A_510#1, %parallel_loop3A_663 = %parallel_loop3A_510#2, %parallel_loop3A_664 = %parallel_loop3A_510#3, %parallel_loop3A_665 = %parallel_loop3A_510#4, %parallel_loop3A_666 = %parallel_loop3A_510#5, %parallel_loop3A_667 = %parallel_loop3A_510#6, %parallel_loop3A_668 = %parallel_loop3A_510#7) -> (vector<16xf32>, vector<16xf32>, vector<16xf32>, vector<16xf32>, vector<16xf32>, vector<16xf32>, vector<16xf32>, vector<16xf32>)  : i32 {
        %parallel_loop3A_669 = arith.constant 128 : i32
        %parallel_loop3A_670 = arith.addi %parallel_loop3A_669, %parallel_loop3A_660 : i32
        %parallel_loop3A_671 = arith.constant 8 : i32
        %parallel_loop3A_672 = arith.divsi %parallel_loop3A_670, %parallel_loop3A_671 : i32
        %parallel_loop3A_673 = arith.constant 0 : i32
        %parallel_loop3A_674 = arith.cmpi sgt, %parallel_loop3A_670, %parallel_loop3A_673 : i32
        %parallel_loop3A_675 = arith.extui %parallel_loop3A_674 : i1 to i32
        %parallel_loop3A_676 = arith.constant 0 : i32
        %parallel_loop3A_677 = arith.cmpi slt, %parallel_loop3A_670, %parallel_loop3A_676 : i32
        %parallel_loop3A_678 = arith.extui %parallel_loop3A_677 : i1 to i32
        %parallel_loop3A_679 = arith.subi %parallel_loop3A_675, %parallel_loop3A_678 : i32
        %parallel_loop3A_680 = arith.constant 0 : i32
        %parallel_loop3A_681 = arith.cmpi sgt, %parallel_loop3A_671, %parallel_loop3A_680 : i32
        %parallel_loop3A_682 = arith.extui %parallel_loop3A_681 : i1 to i32
        %parallel_loop3A_683 = arith.constant 0 : i32
        %parallel_loop3A_684 = arith.cmpi slt, %parallel_loop3A_671, %parallel_loop3A_683 : i32
        %parallel_loop3A_685 = arith.extui %parallel_loop3A_684 : i1 to i32
        %parallel_loop3A_686 = arith.subi %parallel_loop3A_682, %parallel_loop3A_685 : i32
        %parallel_loop3A_687 = arith.cmpi ne, %parallel_loop3A_679, %parallel_loop3A_686 : i32
        %parallel_loop3A_688 = arith.remsi %parallel_loop3A_670, %parallel_loop3A_671 : i32
        %parallel_loop3A_689 = arith.constant 0 : i32
        %parallel_loop3A_690 = arith.cmpi ne, %parallel_loop3A_688, %parallel_loop3A_689 : i32
        %parallel_loop3A_691 = arith.andi %parallel_loop3A_687, %parallel_loop3A_690 : i1
        %parallel_loop3A_692 = arith.constant 1 : i32
        %parallel_loop3A_693 = arith.subi %parallel_loop3A_672, %parallel_loop3A_692 : i32
        %parallel_loop3A_694 = arith.select %parallel_loop3A_691, %parallel_loop3A_693, %parallel_loop3A_672 : i32
        %parallel_loop3A_695 = arith.constant 8 : i32
        %parallel_loop3A_696 = arith.constant 0 : i32
        %parallel_loop3A_697 = arith.cmpi eq, %parallel_loop3A_695, %parallel_loop3A_696 : i32
        %parallel_loop3A_698 = arith.constant 1 : i32
        %parallel_loop3A_699 = arith.select %parallel_loop3A_697, %parallel_loop3A_698, %parallel_loop3A_695 : i32
        %parallel_loop3A_700 = arith.remsi %parallel_loop3A_670, %parallel_loop3A_699 : i32
        %parallel_loop3A_701 = arith.constant 0 : i32
        %parallel_loop3A_702 = arith.cmpi ne, %parallel_loop3A_700, %parallel_loop3A_701 : i32
        %parallel_loop3A_703 = arith.constant 0 : i32
        %parallel_loop3A_704 = arith.cmpi slt, %parallel_loop3A_700, %parallel_loop3A_703 : i32
        %parallel_loop3A_705 = arith.constant 0 : i32
        %parallel_loop3A_706 = arith.cmpi slt, %parallel_loop3A_699, %parallel_loop3A_705 : i32
        %parallel_loop3A_707 = arith.xori %parallel_loop3A_704, %parallel_loop3A_706 : i1
        %parallel_loop3A_708 = arith.andi %parallel_loop3A_707, %parallel_loop3A_702 : i1
        %parallel_loop3A_709 = arith.addi %parallel_loop3A_700, %parallel_loop3A_699 : i32
        %parallel_loop3A_710 = arith.select %parallel_loop3A_708, %parallel_loop3A_709, %parallel_loop3A_700 : i32
        %parallel_loop3A_711 = arith.constant 16 : i32
        %parallel_loop3A_712 = arith.muli %parallel_loop3A_710, %parallel_loop3A_711 : i32
        %parallel_loop3A_713 = arith.index_cast %parallel_loop3A_694 : i32 to index
        %parallel_loop3A_714 = arith.index_cast %parallel_loop3A_712 : i32 to index
        %parallel_loop3A_715 = tpu.vector_load %arg12[%parallel_loop3A_713, %parallel_loop3A_714] {strides = array<i32>} : memref<32x128xi32, #tpu.memory_space<vmem>>, vector<16xi32>,
        %parallel_loop3A_716 = arith.index_cast %parallel_loop3A_694 : i32 to index
        %parallel_loop3A_717 = arith.index_cast %parallel_loop3A_712 : i32 to index
        %parallel_loop3A_718 = tpu.vector_load %arg13[%parallel_loop3A_716, %parallel_loop3A_717] {strides = array<i32>} : memref<32x128xf32, #tpu.memory_space<vmem>>, vector<16xf32>,
        %parallel_loop3A_719 = arith.constant 7 : i32
        %parallel_loop3A_720 = vector.broadcast %parallel_loop3A_719 : i32 to vector<16xi32>
        %parallel_loop3A_721 = arith.shrui %parallel_loop3A_715, %parallel_loop3A_720 : vector<16xi32>
        %parallel_loop3A_722 = arith.constant 127 : i32
        %parallel_loop3A_723 = vector.broadcast %parallel_loop3A_722 : i32 to vector<16xi32>
        %parallel_loop3A_724 = arith.andi %parallel_loop3A_715, %parallel_loop3A_723 : vector<16xi32>
        %parallel_loop3A_725 = arith.constant 8 : i32
        %parallel_loop3A_726 = arith.divsi %parallel_loop3A_660, %parallel_loop3A_725 : i32
        %parallel_loop3A_727 = arith.constant 0 : i32
        %parallel_loop3A_728 = arith.cmpi sgt, %parallel_loop3A_660, %parallel_loop3A_727 : i32
        %parallel_loop3A_729 = arith.extui %parallel_loop3A_728 : i1 to i32
        %parallel_loop3A_730 = arith.constant 0 : i32
        %parallel_loop3A_731 = arith.cmpi slt, %parallel_loop3A_660, %parallel_loop3A_730 : i32
        %parallel_loop3A_732 = arith.extui %parallel_loop3A_731 : i1 to i32
        %parallel_loop3A_733 = arith.subi %parallel_loop3A_729, %parallel_loop3A_732 : i32
        %parallel_loop3A_734 = arith.constant 0 : i32
        %parallel_loop3A_735 = arith.cmpi sgt, %parallel_loop3A_725, %parallel_loop3A_734 : i32
        %parallel_loop3A_736 = arith.extui %parallel_loop3A_735 : i1 to i32
        %parallel_loop3A_737 = arith.constant 0 : i32
        %parallel_loop3A_738 = arith.cmpi slt, %parallel_loop3A_725, %parallel_loop3A_737 : i32
        %parallel_loop3A_739 = arith.extui %parallel_loop3A_738 : i1 to i32
        %parallel_loop3A_740 = arith.subi %parallel_loop3A_736, %parallel_loop3A_739 : i32
        %parallel_loop3A_741 = arith.cmpi ne, %parallel_loop3A_733, %parallel_loop3A_740 : i32
        %parallel_loop3A_742 = arith.remsi %parallel_loop3A_660, %parallel_loop3A_725 : i32
        %parallel_loop3A_743 = arith.constant 0 : i32
        %parallel_loop3A_744 = arith.cmpi ne, %parallel_loop3A_742, %parallel_loop3A_743 : i32
        %parallel_loop3A_745 = arith.andi %parallel_loop3A_741, %parallel_loop3A_744 : i1
        %parallel_loop3A_746 = arith.constant 1 : i32
        %parallel_loop3A_747 = arith.subi %parallel_loop3A_726, %parallel_loop3A_746 : i32
        %parallel_loop3A_748 = arith.select %parallel_loop3A_745, %parallel_loop3A_747, %parallel_loop3A_726 : i32
        %parallel_loop3A_749 = arith.constant 8 : i32
        %parallel_loop3A_750 = arith.constant 0 : i32
        %parallel_loop3A_751 = arith.cmpi eq, %parallel_loop3A_749, %parallel_loop3A_750 : i32
        %parallel_loop3A_752 = arith.constant 1 : i32
        %parallel_loop3A_753 = arith.select %parallel_loop3A_751, %parallel_loop3A_752, %parallel_loop3A_749 : i32
        %parallel_loop3A_754 = arith.remsi %parallel_loop3A_660, %parallel_loop3A_753 : i32
        %parallel_loop3A_755 = arith.constant 0 : i32
        %parallel_loop3A_756 = arith.cmpi ne, %parallel_loop3A_754, %parallel_loop3A_755 : i32
        %parallel_loop3A_757 = arith.constant 0 : i32
        %parallel_loop3A_758 = arith.cmpi slt, %parallel_loop3A_754, %parallel_loop3A_757 : i32
        %parallel_loop3A_759 = arith.constant 0 : i32
        %parallel_loop3A_760 = arith.cmpi slt, %parallel_loop3A_753, %parallel_loop3A_759 : i32
        %parallel_loop3A_761 = arith.xori %parallel_loop3A_758, %parallel_loop3A_760 : i1
        %parallel_loop3A_762 = arith.andi %parallel_loop3A_761, %parallel_loop3A_756 : i1
        %parallel_loop3A_763 = arith.addi %parallel_loop3A_754, %parallel_loop3A_753 : i32
        %parallel_loop3A_764 = arith.select %parallel_loop3A_762, %parallel_loop3A_763, %parallel_loop3A_754 : i32
        %parallel_loop3A_765 = arith.constant 16 : i32
        %parallel_loop3A_766 = arith.muli %parallel_loop3A_764, %parallel_loop3A_765 : i32
        %parallel_loop3A_767 = arith.constant 0 : i32
        %parallel_loop3A_768 = vector.broadcast %parallel_loop3A_767 : i32 to vector<16xi32>
        %parallel_loop3A_769 = tpu.vector_load_idx %arg21[%parallel_loop3A_721, %parallel_loop3A_768, %parallel_loop3A_724] : memref<32x8x128xf32, #tpu.memory_space<vmem>>[vector<16xi32>, vector<16xi32>, vector<16xi32>], vector<16xf32>,
        %parallel_loop3A_770 = arith.constant 0 : i32
        %parallel_loop3A_771 = arith.index_cast %parallel_loop3A_748 : i32 to index
        %parallel_loop3A_772 = arith.index_cast %parallel_loop3A_770 : i32 to index
        %parallel_loop3A_773 = arith.index_cast %parallel_loop3A_766 : i32 to index
        %parallel_loop3A_774 = tpu.vector_load %arg23[%parallel_loop3A_771, %parallel_loop3A_772, %parallel_loop3A_773] {strides = array<i32>} : memref<16x8x128xf32, #tpu.memory_space<vmem>>, vector<16xf32>,
        tpu.vector_store %arg23[%parallel_loop3A_771, %parallel_loop3A_772, %parallel_loop3A_773], %parallel_loop3A_769 {strides = array<i32>} : memref<16x8x128xf32, #tpu.memory_space<vmem>>, vector<16xf32>,
        %parallel_loop3A_775 = arith.mulf %parallel_loop3A_718, %parallel_loop3A_769 : vector<16xf32>
        %parallel_loop3A_776 = arith.addf %parallel_loop3A_661, %parallel_loop3A_775 : vector<16xf32>
        %parallel_loop3A_777 = arith.constant 1 : i32
        %parallel_loop3A_778 = vector.broadcast %parallel_loop3A_777 : i32 to vector<16xi32>
        %parallel_loop3A_779 = tpu.vector_load_idx %arg21[%parallel_loop3A_721, %parallel_loop3A_778, %parallel_loop3A_724] : memref<32x8x128xf32, #tpu.memory_space<vmem>>[vector<16xi32>, vector<16xi32>, vector<16xi32>], vector<16xf32>,
        %parallel_loop3A_780 = arith.constant 1 : i32
        %parallel_loop3A_781 = arith.index_cast %parallel_loop3A_748 : i32 to index
        %parallel_loop3A_782 = arith.index_cast %parallel_loop3A_780 : i32 to index
        %parallel_loop3A_783 = arith.index_cast %parallel_loop3A_766 : i32 to index
        %parallel_loop3A_784 = tpu.vector_load %arg23[%parallel_loop3A_781, %parallel_loop3A_782, %parallel_loop3A_783] {strides = array<i32>} : memref<16x8x128xf32, #tpu.memory_space<vmem>>, vector<16xf32>,
        tpu.vector_store %arg23[%parallel_loop3A_781, %parallel_loop3A_782, %parallel_loop3A_783], %parallel_loop3A_779 {strides = array<i32>} : memref<16x8x128xf32, #tpu.memory_space<vmem>>, vector<16xf32>,
        %parallel_loop3A_785 = arith.mulf %parallel_loop3A_718, %parallel_loop3A_779 : vector<16xf32>
        %parallel_loop3A_786 = arith.addf %parallel_loop3A_662, %parallel_loop3A_785 : vector<16xf32>
        %parallel_loop3A_787 = arith.constant 2 : i32
        %parallel_loop3A_788 = vector.broadcast %parallel_loop3A_787 : i32 to vector<16xi32>
        %parallel_loop3A_789 = tpu.vector_load_idx %arg21[%parallel_loop3A_721, %parallel_loop3A_788, %parallel_loop3A_724] : memref<32x8x128xf32, #tpu.memory_space<vmem>>[vector<16xi32>, vector<16xi32>, vector<16xi32>], vector<16xf32>,
        %parallel_loop3A_790 = arith.constant 2 : i32
        %parallel_loop3A_791 = arith.index_cast %parallel_loop3A_748 : i32 to index
        %parallel_loop3A_792 = arith.index_cast %parallel_loop3A_790 : i32 to index
        %parallel_loop3A_793 = arith.index_cast %parallel_loop3A_766 : i32 to index
        %parallel_loop3A_794 = tpu.vector_load %arg23[%parallel_loop3A_791, %parallel_loop3A_792, %parallel_loop3A_793] {strides = array<i32>} : memref<16x8x128xf32, #tpu.memory_space<vmem>>, vector<16xf32>,
        tpu.vector_store %arg23[%parallel_loop3A_791, %parallel_loop3A_792, %parallel_loop3A_793], %parallel_loop3A_789 {strides = array<i32>} : memref<16x8x128xf32, #tpu.memory_space<vmem>>, vector<16xf32>,
        %parallel_loop3A_795 = arith.mulf %parallel_loop3A_718, %parallel_loop3A_789 : vector<16xf32>
        %parallel_loop3A_796 = arith.addf %parallel_loop3A_663, %parallel_loop3A_795 : vector<16xf32>
        %parallel_loop3A_797 = arith.constant 3 : i32
        %parallel_loop3A_798 = vector.broadcast %parallel_loop3A_797 : i32 to vector<16xi32>
        %parallel_loop3A_799 = tpu.vector_load_idx %arg21[%parallel_loop3A_721, %parallel_loop3A_798, %parallel_loop3A_724] : memref<32x8x128xf32, #tpu.memory_space<vmem>>[vector<16xi32>, vector<16xi32>, vector<16xi32>], vector<16xf32>,
        %parallel_loop3A_800 = arith.constant 3 : i32
        %parallel_loop3A_801 = arith.index_cast %parallel_loop3A_748 : i32 to index
        %parallel_loop3A_802 = arith.index_cast %parallel_loop3A_800 : i32 to index
        %parallel_loop3A_803 = arith.index_cast %parallel_loop3A_766 : i32 to index
        %parallel_loop3A_804 = tpu.vector_load %arg23[%parallel_loop3A_801, %parallel_loop3A_802, %parallel_loop3A_803] {strides = array<i32>} : memref<16x8x128xf32, #tpu.memory_space<vmem>>, vector<16xf32>,
        tpu.vector_store %arg23[%parallel_loop3A_801, %parallel_loop3A_802, %parallel_loop3A_803], %parallel_loop3A_799 {strides = array<i32>} : memref<16x8x128xf32, #tpu.memory_space<vmem>>, vector<16xf32>,
        %parallel_loop3A_805 = arith.mulf %parallel_loop3A_718, %parallel_loop3A_799 : vector<16xf32>
        %parallel_loop3A_806 = arith.addf %parallel_loop3A_664, %parallel_loop3A_805 : vector<16xf32>
        %parallel_loop3A_807 = arith.constant 4 : i32
        %parallel_loop3A_808 = vector.broadcast %parallel_loop3A_807 : i32 to vector<16xi32>
        %parallel_loop3A_809 = tpu.vector_load_idx %arg21[%parallel_loop3A_721, %parallel_loop3A_808, %parallel_loop3A_724] : memref<32x8x128xf32, #tpu.memory_space<vmem>>[vector<16xi32>, vector<16xi32>, vector<16xi32>], vector<16xf32>,
        %parallel_loop3A_810 = arith.constant 4 : i32
        %parallel_loop3A_811 = arith.index_cast %parallel_loop3A_748 : i32 to index
        %parallel_loop3A_812 = arith.index_cast %parallel_loop3A_810 : i32 to index
        %parallel_loop3A_813 = arith.index_cast %parallel_loop3A_766 : i32 to index
        %parallel_loop3A_814 = tpu.vector_load %arg23[%parallel_loop3A_811, %parallel_loop3A_812, %parallel_loop3A_813] {strides = array<i32>} : memref<16x8x128xf32, #tpu.memory_space<vmem>>, vector<16xf32>,
        tpu.vector_store %arg23[%parallel_loop3A_811, %parallel_loop3A_812, %parallel_loop3A_813], %parallel_loop3A_809 {strides = array<i32>} : memref<16x8x128xf32, #tpu.memory_space<vmem>>, vector<16xf32>,
        %parallel_loop3A_815 = arith.mulf %parallel_loop3A_718, %parallel_loop3A_809 : vector<16xf32>
        %parallel_loop3A_816 = arith.addf %parallel_loop3A_665, %parallel_loop3A_815 : vector<16xf32>
        %parallel_loop3A_817 = arith.constant 5 : i32
        %parallel_loop3A_818 = vector.broadcast %parallel_loop3A_817 : i32 to vector<16xi32>
        %parallel_loop3A_819 = tpu.vector_load_idx %arg21[%parallel_loop3A_721, %parallel_loop3A_818, %parallel_loop3A_724] : memref<32x8x128xf32, #tpu.memory_space<vmem>>[vector<16xi32>, vector<16xi32>, vector<16xi32>], vector<16xf32>,
        %parallel_loop3A_820 = arith.constant 5 : i32
        %parallel_loop3A_821 = arith.index_cast %parallel_loop3A_748 : i32 to index
        %parallel_loop3A_822 = arith.index_cast %parallel_loop3A_820 : i32 to index
        %parallel_loop3A_823 = arith.index_cast %parallel_loop3A_766 : i32 to index
        %parallel_loop3A_824 = tpu.vector_load %arg23[%parallel_loop3A_821, %parallel_loop3A_822, %parallel_loop3A_823] {strides = array<i32>} : memref<16x8x128xf32, #tpu.memory_space<vmem>>, vector<16xf32>,
        tpu.vector_store %arg23[%parallel_loop3A_821, %parallel_loop3A_822, %parallel_loop3A_823], %parallel_loop3A_819 {strides = array<i32>} : memref<16x8x128xf32, #tpu.memory_space<vmem>>, vector<16xf32>,
        %parallel_loop3A_825 = arith.mulf %parallel_loop3A_718, %parallel_loop3A_819 : vector<16xf32>
        %parallel_loop3A_826 = arith.addf %parallel_loop3A_666, %parallel_loop3A_825 : vector<16xf32>
        %parallel_loop3A_827 = arith.constant 6 : i32
        %parallel_loop3A_828 = vector.broadcast %parallel_loop3A_827 : i32 to vector<16xi32>
        %parallel_loop3A_829 = tpu.vector_load_idx %arg21[%parallel_loop3A_721, %parallel_loop3A_828, %parallel_loop3A_724] : memref<32x8x128xf32, #tpu.memory_space<vmem>>[vector<16xi32>, vector<16xi32>, vector<16xi32>], vector<16xf32>,
        %parallel_loop3A_830 = arith.constant 6 : i32
        %parallel_loop3A_831 = arith.index_cast %parallel_loop3A_748 : i32 to index
        %parallel_loop3A_832 = arith.index_cast %parallel_loop3A_830 : i32 to index
        %parallel_loop3A_833 = arith.index_cast %parallel_loop3A_766 : i32 to index
        %parallel_loop3A_834 = tpu.vector_load %arg23[%parallel_loop3A_831, %parallel_loop3A_832, %parallel_loop3A_833] {strides = array<i32>} : memref<16x8x128xf32, #tpu.memory_space<vmem>>, vector<16xf32>,
        tpu.vector_store %arg23[%parallel_loop3A_831, %parallel_loop3A_832, %parallel_loop3A_833], %parallel_loop3A_829 {strides = array<i32>} : memref<16x8x128xf32, #tpu.memory_space<vmem>>, vector<16xf32>,
        %parallel_loop3A_835 = arith.mulf %parallel_loop3A_718, %parallel_loop3A_829 : vector<16xf32>
        %parallel_loop3A_836 = arith.addf %parallel_loop3A_667, %parallel_loop3A_835 : vector<16xf32>
        %parallel_loop3A_837 = arith.constant 7 : i32
        %parallel_loop3A_838 = vector.broadcast %parallel_loop3A_837 : i32 to vector<16xi32>
        %parallel_loop3A_839 = tpu.vector_load_idx %arg21[%parallel_loop3A_721, %parallel_loop3A_838, %parallel_loop3A_724] : memref<32x8x128xf32, #tpu.memory_space<vmem>>[vector<16xi32>, vector<16xi32>, vector<16xi32>], vector<16xf32>,
        %parallel_loop3A_840 = arith.constant 7 : i32
        %parallel_loop3A_841 = arith.index_cast %parallel_loop3A_748 : i32 to index
        %parallel_loop3A_842 = arith.index_cast %parallel_loop3A_840 : i32 to index
        %parallel_loop3A_843 = arith.index_cast %parallel_loop3A_766 : i32 to index
        %parallel_loop3A_844 = tpu.vector_load %arg23[%parallel_loop3A_841, %parallel_loop3A_842, %parallel_loop3A_843] {strides = array<i32>} : memref<16x8x128xf32, #tpu.memory_space<vmem>>, vector<16xf32>,
        tpu.vector_store %arg23[%parallel_loop3A_841, %parallel_loop3A_842, %parallel_loop3A_843], %parallel_loop3A_839 {strides = array<i32>} : memref<16x8x128xf32, #tpu.memory_space<vmem>>, vector<16xf32>,
        %parallel_loop3A_845 = arith.mulf %parallel_loop3A_718, %parallel_loop3A_839 : vector<16xf32>
        %parallel_loop3A_846 = arith.addf %parallel_loop3A_668, %parallel_loop3A_845 : vector<16xf32>
        scf.yield %parallel_loop3A_776, %parallel_loop3A_786, %parallel_loop3A_796, %parallel_loop3A_806, %parallel_loop3A_816, %parallel_loop3A_826, %parallel_loop3A_836, %parallel_loop3A_846 : vector<16xf32>, vector<16xf32>, vector<16xf32>, vector<16xf32>, vector<16xf32>, vector<16xf32>, vector<16xf32>, vector<16xf32>
      } {sc.loop_unroll_factor = 2 : i64, sc.parallel_access}
      %dma_start3A_542 = arith.constant 0 : i32
      %dma_start3A_543 = arith.constant 0 : i32
      %dma_start3A_544 = arith.constant 0 : i32
      %dma_start3A_545 = arith.constant 0 : i32
      %dma_start3A_546 = tpu.memref_slice %arg8[%add3A, %dma_start3A_542, %dma_start3A_543, %dma_start3A_544, %dma_start3A_545] : memref<32x8x32x8x128xf32, #tpu.memory_space<hbm>> -> memref<1x8x32x8x128xf32, #tpu.memory_space<hbm>>
      %dma_start3A_547 = tpu.memref_squeeze %dma_start3A_546 : memref<1x8x32x8x128xf32, #tpu.memory_space<hbm>> -> memref<8x32x8x128xf32, #tpu.memory_space<hbm>>
      %dma_start3A_548 = arith.constant 16 : i32
      %dma_start3A_549 = arith.constant 0 : i32
      %dma_start3A_550 = arith.constant 0 : i32
      %dma_start3A_551 = tpu.memref_slice %dma_start3A_547[%add3A_463, %dma_start3A_548, %dma_start3A_549, %dma_start3A_550] : memref<8x32x8x128xf32, #tpu.memory_space<hbm>> -> memref<1x16x8x128xf32, #tpu.memory_space<hbm>>
      %dma_start3A_552 = tpu.memref_squeeze %dma_start3A_551 : memref<1x16x8x128xf32, #tpu.memory_space<hbm>> -> memref<16x8x128xf32, #tpu.memory_space<hbm>>
      %dma_start3A_553 = arith.constant 0 : i32
      %dma_start3A_554 = arith.constant 0 : i32
      %dma_start3A_555 = arith.constant 0 : i32
      %dma_start3A_556 = arith.constant 0 : i32
      %dma_start3A_557 = tpu.memref_slice %arg8[%add3A, %dma_start3A_553, %dma_start3A_554, %dma_start3A_555, %dma_start3A_556] : memref<32x8x32x8x128xf32, #tpu.memory_space<hbm>> -> memref<1x8x32x8x128xf32, #tpu.memory_space<hbm>>
      %dma_start3A_558 = tpu.memref_squeeze %dma_start3A_557 : memref<1x8x32x8x128xf32, #tpu.memory_space<hbm>> -> memref<8x32x8x128xf32, #tpu.memory_space<hbm>>
      %dma_start3A_559 = arith.constant 16 : i32
      %dma_start3A_560 = arith.constant 0 : i32
      %dma_start3A_561 = arith.constant 0 : i32
      %dma_start3A_562 = tpu.memref_slice %dma_start3A_558[%add3A_463, %dma_start3A_559, %dma_start3A_560, %dma_start3A_561] : memref<8x32x8x128xf32, #tpu.memory_space<hbm>> -> memref<1x16x8x128xf32, #tpu.memory_space<hbm>>
      %dma_start3A_563 = tpu.memref_squeeze %dma_start3A_562 : memref<1x16x8x128xf32, #tpu.memory_space<hbm>> -> memref<16x8x128xf32, #tpu.memory_space<hbm>>
      tpu.enqueue_dma source(%arg23 : memref<16x8x128xf32, #tpu.memory_space<vmem>>) target(%dma_start3A_563 : memref<16x8x128xf32, #tpu.memory_space<hbm>>) target_semaphore(%arg27 : memref<!tpu.dma_semaphore, #tpu.memory_space<semaphore_mem>>)
      %add3A_564 = arith.constant 2 : i32
      %add3A_565 = arith.addi %add3A_463, %add3A_564 : i32
      %lt3A_566 = arith.constant 8 : i32
      %lt3A_567 = arith.cmpi slt, %add3A_565, %lt3A_566 : i32
      %convert_element_type3A_568 = arith.extui %lt3A_567 : i1 to i32
      %cond3A_569 = arith.constant 0 : i32
      %cond3A_570 = arith.cmpi ne, %convert_element_type3A_568, %cond3A_569 : i32
      scf.if %cond3A_570 {
        %add3A_660 = arith.constant 2 : i32
        %add3A_661 = arith.addi %add3A_463, %add3A_660 : i32
        %dma_start3A_662 = arith.constant 0 : i32
        %dma_start3A_663 = arith.constant 0 : i32
        %dma_start3A_664 = arith.constant 0 : i32
        %dma_start3A_665 = arith.constant 0 : i32
        %dma_start3A_666 = tpu.memref_slice %arg2[%add3A, %dma_start3A_662, %dma_start3A_663, %dma_start3A_664, %dma_start3A_665] : memref<32x8x32x8x128xf32, #tpu.memory_space<hbm>> -> memref<1x8x32x8x128xf32, #tpu.memory_space<hbm>>
        %dma_start3A_667 = tpu.memref_squeeze %dma_start3A_666 : memref<1x8x32x8x128xf32, #tpu.memory_space<hbm>> -> memref<8x32x8x128xf32, #tpu.memory_space<hbm>>
        %dma_start3A_668 = arith.constant 0 : i32
        %dma_start3A_669 = arith.constant 0 : i32
        %dma_start3A_670 = arith.constant 0 : i32
        %dma_start3A_671 = tpu.memref_slice %dma_start3A_667[%add3A_661, %dma_start3A_668, %dma_start3A_669, %dma_start3A_670] : memref<8x32x8x128xf32, #tpu.memory_space<hbm>> -> memref<1x32x8x128xf32, #tpu.memory_space<hbm>>
        %dma_start3A_672 = tpu.memref_squeeze %dma_start3A_671 : memref<1x32x8x128xf32, #tpu.memory_space<hbm>> -> memref<32x8x128xf32, #tpu.memory_space<hbm>>
        %dma_start3A_673 = arith.constant 0 : i32
        %dma_start3A_674 = arith.constant 0 : i32
        %dma_start3A_675 = arith.constant 0 : i32
        %dma_start3A_676 = arith.constant 0 : i32
        %dma_start3A_677 = tpu.memref_slice %arg2[%add3A, %dma_start3A_673, %dma_start3A_674, %dma_start3A_675, %dma_start3A_676] : memref<32x8x32x8x128xf32, #tpu.memory_space<hbm>> -> memref<1x8x32x8x128xf32, #tpu.memory_space<hbm>>
        %dma_start3A_678 = tpu.memref_squeeze %dma_start3A_677 : memref<1x8x32x8x128xf32, #tpu.memory_space<hbm>> -> memref<8x32x8x128xf32, #tpu.memory_space<hbm>>
        %dma_start3A_679 = arith.constant 0 : i32
        %dma_start3A_680 = arith.constant 0 : i32
        %dma_start3A_681 = arith.constant 0 : i32
        %dma_start3A_682 = tpu.memref_slice %dma_start3A_678[%add3A_661, %dma_start3A_679, %dma_start3A_680, %dma_start3A_681] : memref<8x32x8x128xf32, #tpu.memory_space<hbm>> -> memref<1x32x8x128xf32, #tpu.memory_space<hbm>>
        %dma_start3A_683 = tpu.memref_squeeze %dma_start3A_682 : memref<1x32x8x128xf32, #tpu.memory_space<hbm>> -> memref<32x8x128xf32, #tpu.memory_space<hbm>>
        tpu.enqueue_dma source(%dma_start3A_683 : memref<32x8x128xf32, #tpu.memory_space<hbm>>) target(%arg21 : memref<32x8x128xf32, #tpu.memory_space<vmem>>) target_semaphore(%arg25 : memref<!tpu.dma_semaphore, #tpu.memory_space<semaphore_mem>>)
      } else {
      }
      %reduce_sum3A_571 = arith.constant true
      %reduce_sum3A_572 = vector.broadcast %reduce_sum3A_571 : i1 to vector<16xi1>
      %reduce_sum3A_573 = tpu.scan <sum>, %parallel_loop3A_541#0 masked %reduce_sum3A_572 : vector<16xf32>, vector<16xi1> -> vector<16xf32>
      %reduce_sum3A_574 = vector.extract %reduce_sum3A_573[15] : f32 from vector<16xf32>
      %broadcast_in_dim3A_575 = vector.broadcast %reduce_sum3A_574 : f32 to vector<16xf32>
      %mul3A_576 = arith.mulf %broadcast_in_dim3A_575, %div3A_158 : vector<16xf32>
      %mul3A_577 = arith.constant 8 : i32
      %mul3A_578 = arith.muli %add3A_463, %mul3A_577 : i32
      %add3A_579 = arith.constant 0 : i32
      %add3A_580 = arith.addi %mul3A_578, %add3A_579 : i32
      %broadcast_in_dim3A_581 = vector.broadcast %add3A_580 : i32 to vector<16xi32>
      tpu.vector_store_idx %arg19[%broadcast_in_dim3A_581], %mul3A_576 masked %eq3A_185 : memref<64xf32, #tpu.memory_space<vmem>>[vector<16xi32>], vector<16xf32>, vector<16xi1>
      %reduce_sum3A_582 = arith.constant true
      %reduce_sum3A_583 = vector.broadcast %reduce_sum3A_582 : i1 to vector<16xi1>
      %reduce_sum3A_584 = tpu.scan <sum>, %parallel_loop3A_541#1 masked %reduce_sum3A_583 : vector<16xf32>, vector<16xi1> -> vector<16xf32>
      %reduce_sum3A_585 = vector.extract %reduce_sum3A_584[15] : f32 from vector<16xf32>
      %broadcast_in_dim3A_586 = vector.broadcast %reduce_sum3A_585 : f32 to vector<16xf32>
      %mul3A_587 = arith.mulf %broadcast_in_dim3A_586, %div3A_158 : vector<16xf32>
      %mul3A_588 = arith.constant 8 : i32
      %mul3A_589 = arith.muli %add3A_463, %mul3A_588 : i32
      %add3A_590 = arith.constant 1 : i32
      %add3A_591 = arith.addi %mul3A_589, %add3A_590 : i32
      %broadcast_in_dim3A_592 = vector.broadcast %add3A_591 : i32 to vector<16xi32>
      tpu.vector_store_idx %arg19[%broadcast_in_dim3A_592], %mul3A_587 masked %eq3A_185 : memref<64xf32, #tpu.memory_space<vmem>>[vector<16xi32>], vector<16xf32>, vector<16xi1>
      %reduce_sum3A_593 = arith.constant true
      %reduce_sum3A_594 = vector.broadcast %reduce_sum3A_593 : i1 to vector<16xi1>
      %reduce_sum3A_595 = tpu.scan <sum>, %parallel_loop3A_541#2 masked %reduce_sum3A_594 : vector<16xf32>, vector<16xi1> -> vector<16xf32>
      %reduce_sum3A_596 = vector.extract %reduce_sum3A_595[15] : f32 from vector<16xf32>
      %broadcast_in_dim3A_597 = vector.broadcast %reduce_sum3A_596 : f32 to vector<16xf32>
      %mul3A_598 = arith.mulf %broadcast_in_dim3A_597, %div3A_158 : vector<16xf32>
      %mul3A_599 = arith.constant 8 : i32
      %mul3A_600 = arith.muli %add3A_463, %mul3A_599 : i32
      %add3A_601 = arith.constant 2 : i32
      %add3A_602 = arith.addi %mul3A_600, %add3A_601 : i32
      %broadcast_in_dim3A_603 = vector.broadcast %add3A_602 : i32 to vector<16xi32>
      tpu.vector_store_idx %arg19[%broadcast_in_dim3A_603], %mul3A_598 masked %eq3A_185 : memref<64xf32, #tpu.memory_space<vmem>>[vector<16xi32>], vector<16xf32>, vector<16xi1>
      %reduce_sum3A_604 = arith.constant true
      %reduce_sum3A_605 = vector.broadcast %reduce_sum3A_604 : i1 to vector<16xi1>
      %reduce_sum3A_606 = tpu.scan <sum>, %parallel_loop3A_541#3 masked %reduce_sum3A_605 : vector<16xf32>, vector<16xi1> -> vector<16xf32>
      %reduce_sum3A_607 = vector.extract %reduce_sum3A_606[15] : f32 from vector<16xf32>
      %broadcast_in_dim3A_608 = vector.broadcast %reduce_sum3A_607 : f32 to vector<16xf32>
      %mul3A_609 = arith.mulf %broadcast_in_dim3A_608, %div3A_158 : vector<16xf32>
      %mul3A_610 = arith.constant 8 : i32
      %mul3A_611 = arith.muli %add3A_463, %mul3A_610 : i32
      %add3A_612 = arith.constant 3 : i32
      %add3A_613 = arith.addi %mul3A_611, %add3A_612 : i32
      %broadcast_in_dim3A_614 = vector.broadcast %add3A_613 : i32 to vector<16xi32>
      tpu.vector_store_idx %arg19[%broadcast_in_dim3A_614], %mul3A_609 masked %eq3A_185 : memref<64xf32, #tpu.memory_space<vmem>>[vector<16xi32>], vector<16xf32>, vector<16xi1>
      %reduce_sum3A_615 = arith.constant true
      %reduce_sum3A_616 = vector.broadcast %reduce_sum3A_615 : i1 to vector<16xi1>
      %reduce_sum3A_617 = tpu.scan <sum>, %parallel_loop3A_541#4 masked %reduce_sum3A_616 : vector<16xf32>, vector<16xi1> -> vector<16xf32>
      %reduce_sum3A_618 = vector.extract %reduce_sum3A_617[15] : f32 from vector<16xf32>
      %broadcast_in_dim3A_619 = vector.broadcast %reduce_sum3A_618 : f32 to vector<16xf32>
      %mul3A_620 = arith.mulf %broadcast_in_dim3A_619, %div3A_158 : vector<16xf32>
      %mul3A_621 = arith.constant 8 : i32
      %mul3A_622 = arith.muli %add3A_463, %mul3A_621 : i32
      %add3A_623 = arith.constant 4 : i32
      %add3A_624 = arith.addi %mul3A_622, %add3A_623 : i32
      %broadcast_in_dim3A_625 = vector.broadcast %add3A_624 : i32 to vector<16xi32>
      tpu.vector_store_idx %arg19[%broadcast_in_dim3A_625], %mul3A_620 masked %eq3A_185 : memref<64xf32, #tpu.memory_space<vmem>>[vector<16xi32>], vector<16xf32>, vector<16xi1>
      %reduce_sum3A_626 = arith.constant true
      %reduce_sum3A_627 = vector.broadcast %reduce_sum3A_626 : i1 to vector<16xi1>
      %reduce_sum3A_628 = tpu.scan <sum>, %parallel_loop3A_541#5 masked %reduce_sum3A_627 : vector<16xf32>, vector<16xi1> -> vector<16xf32>
      %reduce_sum3A_629 = vector.extract %reduce_sum3A_628[15] : f32 from vector<16xf32>
      %broadcast_in_dim3A_630 = vector.broadcast %reduce_sum3A_629 : f32 to vector<16xf32>
      %mul3A_631 = arith.mulf %broadcast_in_dim3A_630, %div3A_158 : vector<16xf32>
      %mul3A_632 = arith.constant 8 : i32
      %mul3A_633 = arith.muli %add3A_463, %mul3A_632 : i32
      %add3A_634 = arith.constant 5 : i32
      %add3A_635 = arith.addi %mul3A_633, %add3A_634 : i32
      %broadcast_in_dim3A_636 = vector.broadcast %add3A_635 : i32 to vector<16xi32>
      tpu.vector_store_idx %arg19[%broadcast_in_dim3A_636], %mul3A_631 masked %eq3A_185 : memref<64xf32, #tpu.memory_space<vmem>>[vector<16xi32>], vector<16xf32>, vector<16xi1>
      %reduce_sum3A_637 = arith.constant true
      %reduce_sum3A_638 = vector.broadcast %reduce_sum3A_637 : i1 to vector<16xi1>
      %reduce_sum3A_639 = tpu.scan <sum>, %parallel_loop3A_541#6 masked %reduce_sum3A_638 : vector<16xf32>, vector<16xi1> -> vector<16xf32>
      %reduce_sum3A_640 = vector.extract %reduce_sum3A_639[15] : f32 from vector<16xf32>
      %broadcast_in_dim3A_641 = vector.broadcast %reduce_sum3A_640 : f32 to vector<16xf32>
      %mul3A_642 = arith.mulf %broadcast_in_dim3A_641, %div3A_158 : vector<16xf32>
      %mul3A_643 = arith.constant 8 : i32
      %mul3A_644 = arith.muli %add3A_463, %mul3A_643 : i32
      %add3A_645 = arith.constant 6 : i32
      %add3A_646 = arith.addi %mul3A_644, %add3A_645 : i32
      %broadcast_in_dim3A_647 = vector.broadcast %add3A_646 : i32 to vector<16xi32>
      tpu.vector_store_idx %arg19[%broadcast_in_dim3A_647], %mul3A_642 masked %eq3A_185 : memref<64xf32, #tpu.memory_space<vmem>>[vector<16xi32>], vector<16xf32>, vector<16xi1>
      %reduce_sum3A_648 = arith.constant true
      %reduce_sum3A_649 = vector.broadcast %reduce_sum3A_648 : i1 to vector<16xi1>
      %reduce_sum3A_650 = tpu.scan <sum>, %parallel_loop3A_541#7 masked %reduce_sum3A_649 : vector<16xf32>, vector<16xi1> -> vector<16xf32>
      %reduce_sum3A_651 = vector.extract %reduce_sum3A_650[15] : f32 from vector<16xf32>
      %broadcast_in_dim3A_652 = vector.broadcast %reduce_sum3A_651 : f32 to vector<16xf32>
      %mul3A_653 = arith.mulf %broadcast_in_dim3A_652, %div3A_158 : vector<16xf32>
      %mul3A_654 = arith.constant 8 : i32
      %mul3A_655 = arith.muli %add3A_463, %mul3A_654 : i32
      %add3A_656 = arith.constant 7 : i32
      %add3A_657 = arith.addi %mul3A_655, %add3A_656 : i32
      %broadcast_in_dim3A_658 = vector.broadcast %add3A_657 : i32 to vector<16xi32>
      tpu.vector_store_idx %arg19[%broadcast_in_dim3A_658], %mul3A_653 masked %eq3A_185 : memref<64xf32, #tpu.memory_space<vmem>>[vector<16xi32>], vector<16xf32>, vector<16xi1>
      %scan3A_659 = arith.constant 0 : i32
      scf.yield %scan3A_659 : i32
    }
    %scan3A_191 = arith.constant 4 : i32
    %dma_wait3A_192 = arith.constant 7 : i32
    %dma_wait3A_193 = arith.constant 0 : i32
    %dma_wait3A_194 = arith.constant 0 : i32
    %dma_wait3A_195 = arith.constant 0 : i32
    %dma_wait3A_196 = arith.constant 0 : i32
    %dma_wait3A_197 = tpu.memref_slice %arg8[%add3A, %dma_wait3A_193, %dma_wait3A_194, %dma_wait3A_195, %dma_wait3A_196] : memref<32x8x32x8x128xf32, #tpu.memory_space<hbm>> -> memref<1x8x32x8x128xf32, #tpu.memory_space<hbm>>
    %dma_wait3A_198 = tpu.memref_squeeze %dma_wait3A_197 : memref<1x8x32x8x128xf32, #tpu.memory_space<hbm>> -> memref<8x32x8x128xf32, #tpu.memory_space<hbm>>
    %dma_wait3A_199 = arith.constant 0 : i32
    %dma_wait3A_200 = arith.constant 0 : i32
    %dma_wait3A_201 = arith.constant 0 : i32
    %dma_wait3A_202 = tpu.memref_slice %dma_wait3A_198[%dma_wait3A_192, %dma_wait3A_199, %dma_wait3A_200, %dma_wait3A_201] : memref<8x32x8x128xf32, #tpu.memory_space<hbm>> -> memref<1x16x8x128xf32, #tpu.memory_space<hbm>>
    %dma_wait3A_203 = tpu.memref_squeeze %dma_wait3A_202 : memref<1x16x8x128xf32, #tpu.memory_space<hbm>> -> memref<16x8x128xf32, #tpu.memory_space<hbm>>
    %dma_wait3A_204 = arith.constant 0 : i32
    %dma_wait3A_205 = arith.constant 0 : i32
    %dma_wait3A_206 = arith.constant 0 : i32
    %dma_wait3A_207 = arith.constant 0 : i32
    %dma_wait3A_208 = tpu.memref_slice %arg8[%add3A, %dma_wait3A_204, %dma_wait3A_205, %dma_wait3A_206, %dma_wait3A_207] : memref<32x8x32x8x128xf32, #tpu.memory_space<hbm>> -> memref<1x8x32x8x128xf32, #tpu.memory_space<hbm>>
    %dma_wait3A_209 = tpu.memref_squeeze %dma_wait3A_208 : memref<1x8x32x8x128xf32, #tpu.memory_space<hbm>> -> memref<8x32x8x128xf32, #tpu.memory_space<hbm>>
    %dma_wait3A_210 = arith.constant 0 : i32
    %dma_wait3A_211 = arith.constant 0 : i32
    %dma_wait3A_212 = arith.constant 0 : i32
    %dma_wait3A_213 = tpu.memref_slice %dma_wait3A_209[%dma_wait3A_192, %dma_wait3A_210, %dma_wait3A_211, %dma_wait3A_212] : memref<8x32x8x128xf32, #tpu.memory_space<hbm>> -> memref<1x16x8x128xf32, #tpu.memory_space<hbm>>
    %dma_wait3A_214 = tpu.memref_squeeze %dma_wait3A_213 : memref<1x16x8x128xf32, #tpu.memory_space<hbm>> -> memref<16x8x128xf32, #tpu.memory_space<hbm>>
    tpu.wait_dma2 semaphore(%arg26 : memref<!tpu.dma_semaphore, #tpu.memory_space<semaphore_mem>>) src(%arg22 : memref<16x8x128xf32, #tpu.memory_space<vmem>>) dst(%dma_wait3A_214 : memref<16x8x128xf32, #tpu.memory_space<hbm>>)
    %dma_wait3A_215 = arith.constant 7 : i32
    %dma_wait3A_216 = arith.constant 0 : i32
    %dma_wait3A_217 = arith.constant 0 : i32
    %dma_wait3A_218 = arith.constant 0 : i32
    %dma_wait3A_219 = arith.constant 0 : i32
    %dma_wait3A_220 = tpu.memref_slice %arg8[%add3A, %dma_wait3A_216, %dma_wait3A_217, %dma_wait3A_218, %dma_wait3A_219] : memref<32x8x32x8x128xf32, #tpu.memory_space<hbm>> -> memref<1x8x32x8x128xf32, #tpu.memory_space<hbm>>
    %dma_wait3A_221 = tpu.memref_squeeze %dma_wait3A_220 : memref<1x8x32x8x128xf32, #tpu.memory_space<hbm>> -> memref<8x32x8x128xf32, #tpu.memory_space<hbm>>
    %dma_wait3A_222 = arith.constant 16 : i32
    %dma_wait3A_223 = arith.constant 0 : i32
    %dma_wait3A_224 = arith.constant 0 : i32
    %dma_wait3A_225 = tpu.memref_slice %dma_wait3A_221[%dma_wait3A_215, %dma_wait3A_222, %dma_wait3A_223, %dma_wait3A_224] : memref<8x32x8x128xf32, #tpu.memory_space<hbm>> -> memref<1x16x8x128xf32, #tpu.memory_space<hbm>>
    %dma_wait3A_226 = tpu.memref_squeeze %dma_wait3A_225 : memref<1x16x8x128xf32, #tpu.memory_space<hbm>> -> memref<16x8x128xf32, #tpu.memory_space<hbm>>
    %dma_wait3A_227 = arith.constant 0 : i32
    %dma_wait3A_228 = arith.constant 0 : i32
    %dma_wait3A_229 = arith.constant 0 : i32
    %dma_wait3A_230 = arith.constant 0 : i32
    %dma_wait3A_231 = tpu.memref_slice %arg8[%add3A, %dma_wait3A_227, %dma_wait3A_228, %dma_wait3A_229, %dma_wait3A_230] : memref<32x8x32x8x128xf32, #tpu.memory_space<hbm>> -> memref<1x8x32x8x128xf32, #tpu.memory_space<hbm>>
    %dma_wait3A_232 = tpu.memref_squeeze %dma_wait3A_231 : memref<1x8x32x8x128xf32, #tpu.memory_space<hbm>> -> memref<8x32x8x128xf32, #tpu.memory_space<hbm>>
    %dma_wait3A_233 = arith.constant 16 : i32
    %dma_wait3A_234 = arith.constant 0 : i32
    %dma_wait3A_235 = arith.constant 0 : i32
    %dma_wait3A_236 = tpu.memref_slice %dma_wait3A_232[%dma_wait3A_215, %dma_wait3A_233, %dma_wait3A_234, %dma_wait3A_235] : memref<8x32x8x128xf32, #tpu.memory_space<hbm>> -> memref<1x16x8x128xf32, #tpu.memory_space<hbm>>
    %dma_wait3A_237 = tpu.memref_squeeze %dma_wait3A_236 : memref<1x16x8x128xf32, #tpu.memory_space<hbm>> -> memref<16x8x128xf32, #tpu.memory_space<hbm>>
    tpu.wait_dma2 semaphore(%arg27 : memref<!tpu.dma_semaphore, #tpu.memory_space<semaphore_mem>>) src(%arg23 : memref<16x8x128xf32, #tpu.memory_space<vmem>>) dst(%dma_wait3A_237 : memref<16x8x128xf32, #tpu.memory_space<hbm>>)
    %dma_wait3A_238 = arith.constant 0 : i32
    %dma_wait3A_239 = arith.constant 0 : i32
    %dma_wait3A_240 = tpu.memref_slice %arg9[%select_n3A, %dma_wait3A_238, %select_n3A_30, %dma_wait3A_239] : memref<4x32x8x128xf32, #tpu.memory_space<hbm>> -> memref<1x32x1x128xf32, #tpu.memory_space<hbm>>
    %dma_wait3A_241 = tpu.memref_squeeze %dma_wait3A_240 : memref<1x32x1x128xf32, #tpu.memory_space<hbm>> -> memref<32x128xf32, #tpu.memory_space<hbm>>
    %dma_wait3A_242 = arith.constant 0 : i32
    %dma_wait3A_243 = arith.constant 0 : i32
    %dma_wait3A_244 = tpu.memref_slice %arg9[%select_n3A, %dma_wait3A_242, %select_n3A_30, %dma_wait3A_243] : memref<4x32x8x128xf32, #tpu.memory_space<hbm>> -> memref<1x32x1x128xf32, #tpu.memory_space<hbm>>
    %dma_wait3A_245 = tpu.memref_squeeze %dma_wait3A_244 : memref<1x32x1x128xf32, #tpu.memory_space<hbm>> -> memref<32x128xf32, #tpu.memory_space<hbm>>
    tpu.wait_dma2 semaphore(%arg28 : memref<!tpu.dma_semaphore, #tpu.memory_space<semaphore_mem>>) src(%arg16 : memref<32x128xf32, #tpu.memory_space<vmem>>) dst(%dma_wait3A_245 : memref<32x128xf32, #tpu.memory_space<hbm>>)
    %dma_wait3A_246 = arith.constant 0 : i32
    %dma_wait3A_247 = arith.constant 0 : i32
    %dma_wait3A_248 = tpu.memref_slice %arg10[%select_n3A, %dma_wait3A_246, %select_n3A_30, %dma_wait3A_247] : memref<4x32x8x128xf32, #tpu.memory_space<hbm>> -> memref<1x32x1x128xf32, #tpu.memory_space<hbm>>
    %dma_wait3A_249 = tpu.memref_squeeze %dma_wait3A_248 : memref<1x32x1x128xf32, #tpu.memory_space<hbm>> -> memref<32x128xf32, #tpu.memory_space<hbm>>
    %dma_wait3A_250 = arith.constant 0 : i32
    %dma_wait3A_251 = arith.constant 0 : i32
    %dma_wait3A_252 = tpu.memref_slice %arg10[%select_n3A, %dma_wait3A_250, %select_n3A_30, %dma_wait3A_251] : memref<4x32x8x128xf32, #tpu.memory_space<hbm>> -> memref<1x32x1x128xf32, #tpu.memory_space<hbm>>
    %dma_wait3A_253 = tpu.memref_squeeze %dma_wait3A_252 : memref<1x32x1x128xf32, #tpu.memory_space<hbm>> -> memref<32x128xf32, #tpu.memory_space<hbm>>
    tpu.wait_dma2 semaphore(%arg28 : memref<!tpu.dma_semaphore, #tpu.memory_space<semaphore_mem>>) src(%arg17 : memref<32x128xf32, #tpu.memory_space<vmem>>) dst(%dma_wait3A_253 : memref<32x128xf32, #tpu.memory_space<hbm>>)
    %dma_wait3A_254 = arith.constant 0 : i32
    %dma_wait3A_255 = arith.constant 0 : i32
    %dma_wait3A_256 = tpu.memref_slice %arg11[%select_n3A, %dma_wait3A_254, %select_n3A_30, %dma_wait3A_255] : memref<4x32x8x128xi32, #tpu.memory_space<hbm>> -> memref<1x32x1x128xi32, #tpu.memory_space<hbm>>
    %dma_wait3A_257 = tpu.memref_squeeze %dma_wait3A_256 : memref<1x32x1x128xi32, #tpu.memory_space<hbm>> -> memref<32x128xi32, #tpu.memory_space<hbm>>
    %dma_wait3A_258 = arith.constant 0 : i32
    %dma_wait3A_259 = arith.constant 0 : i32
    %dma_wait3A_260 = tpu.memref_slice %arg11[%select_n3A, %dma_wait3A_258, %select_n3A_30, %dma_wait3A_259] : memref<4x32x8x128xi32, #tpu.memory_space<hbm>> -> memref<1x32x1x128xi32, #tpu.memory_space<hbm>>
    %dma_wait3A_261 = tpu.memref_squeeze %dma_wait3A_260 : memref<1x32x1x128xi32, #tpu.memory_space<hbm>> -> memref<32x128xi32, #tpu.memory_space<hbm>>
    tpu.wait_dma2 semaphore(%arg28 : memref<!tpu.dma_semaphore, #tpu.memory_space<semaphore_mem>>) src(%arg18 : memref<32x128xi32, #tpu.memory_space<vmem>>) dst(%dma_wait3A_261 : memref<32x128xi32, #tpu.memory_space<hbm>>)
    "tpu.region"() ({
      %run_scoped3A = tpu.sem_alloc : memref<!tpu.dma_semaphore, #tpu.memory_space<semaphore_mem>>
      %dma_start3A_262 = arith.constant 0 : i32
      %dma_start3A_263 = tpu.memref_slice %arg7[%add3A, %dma_start3A_262] : memref<32x64xf32, #tpu.memory_space<hbm>> -> memref<1x64xf32, #tpu.memory_space<hbm>>
      %dma_start3A_264 = tpu.memref_squeeze %dma_start3A_263 : memref<1x64xf32, #tpu.memory_space<hbm>> -> memref<64xf32, #tpu.memory_space<hbm>>
      %dma_start3A_265 = arith.constant 0 : i32
      %dma_start3A_266 = tpu.memref_slice %arg7[%add3A, %dma_start3A_265] : memref<32x64xf32, #tpu.memory_space<hbm>> -> memref<1x64xf32, #tpu.memory_space<hbm>>
      %dma_start3A_267 = tpu.memref_squeeze %dma_start3A_266 : memref<1x64xf32, #tpu.memory_space<hbm>> -> memref<64xf32, #tpu.memory_space<hbm>>
      tpu.enqueue_dma source(%arg19 : memref<64xf32, #tpu.memory_space<vmem>>) target(%dma_start3A_267 : memref<64xf32, #tpu.memory_space<hbm>>) target_semaphore(%run_scoped3A : memref<!tpu.dma_semaphore, #tpu.memory_space<semaphore_mem>>)
      %dma_wait3A_268 = arith.constant 0 : i32
      %dma_wait3A_269 = tpu.memref_slice %arg7[%add3A, %dma_wait3A_268] : memref<32x64xf32, #tpu.memory_space<hbm>> -> memref<1x64xf32, #tpu.memory_space<hbm>>
      %dma_wait3A_270 = tpu.memref_squeeze %dma_wait3A_269 : memref<1x64xf32, #tpu.memory_space<hbm>> -> memref<64xf32, #tpu.memory_space<hbm>>
      %dma_wait3A_271 = arith.constant 0 : i32
      %dma_wait3A_272 = tpu.memref_slice %arg7[%add3A, %dma_wait3A_271] : memref<32x64xf32, #tpu.memory_space<hbm>> -> memref<1x64xf32, #tpu.memory_space<hbm>>
      %dma_wait3A_273 = tpu.memref_squeeze %dma_wait3A_272 : memref<1x64xf32, #tpu.memory_space<hbm>> -> memref<64xf32, #tpu.memory_space<hbm>>
      tpu.wait_dma2 semaphore(%run_scoped3A : memref<!tpu.dma_semaphore, #tpu.memory_space<semaphore_mem>>) src(%arg19 : memref<64xf32, #tpu.memory_space<vmem>>) dst(%dma_wait3A_273 : memref<64xf32, #tpu.memory_space<hbm>>)
      tpu.yield
    }) : () -> ()
    return
  }
}

</mosaic_0001>

<sc_bundles>
// kernel: kernel.3.cloned.1.call-start
scs
__scs_entry_jumppad:
0x0: {  	(pc) =	sbr.rel $0x88, $3  }
0x1: {  	(tag) =	ssettag $0x0;
	lr =	simm.s32 $0x1  }
0x2: {  	[smem:$0x3F9C] =	sst lr;
	_ =	strace $0xD0000000  }
0x3: {  	_ = 	snop  }
0x4: {  	_ = 	snop  }
0x5: {  	_ = 	snop  }
0x6: {  	_ = 	snop  }
0x7: {  	_ = 	snop  }
__scs_overlays_trampoline_lowered:
0x8: {  	[smem:$0x3FAB] =	sst s0  }
0x9: {  	[smem:$0x3FAC] =	sst s1  }
0xa: {  	[smem:$0x3FAD] =	sst s2  }
0xb: {  	[smem:$0x3FAE] =	sst s3  }
0xc: {  	[smem:$0x3FAF] =	sst s4  }
0xd: {  	[smem:$0x3FB0] =	sst s5  }
0xe: {  	[smem:$0x3FB1] =	sst s6  }
0xf: {  	[smem:$0x3FB2] =	sst s7  }
0x10: {  	[smem:$0x3FB3] =	sst s8  }
0x11: {  	[smem:$0x3FB4] =	sst s9;
	s0 =	simm.s32 @!p0 $0x0  }
0x12: {  	s1 =	sld [smem:$0x3F9A];
	s0 =	simm.s32 @p0 $0x1  }
0x13: {  	[smem:$0x3FB5] =	sst s0;
	s0 =	simm.s32 @!p1 $0x0  }
0x14: {  	s2 =	sld [smem:$0x3F99];
	s0 =	simm.s32 @p1 $0x1  }
0x15: {  	[smem:$0x3FB6] =	sst s0;
	s0 =	simm.s32 @!p2 $0x0  }
0x16: {  	s3 =	sld [smem:$0x3FDB];
	s0 =	simm.s32 @p2 $0x1  }
0x17: {  	s4 =	simm.s32 $0x1BF5;
	[smem:$0x3FB8] =	sst s0  }
0x18: {  	s0 =	sld [smem:$0x3F9B];
	_ =	swait.ge [sflag:s4], $0x0  }
0x19: {  	s7 =	sld [smem:$0x3F9C]  }
0x1a: {  	s8 =	sadd.s32 $0xFFFFE003, lr  }
0x1b: {  	s9 =	sadd.s32 $0xFFFFFEF7, lr;
	s5 =	simm.s32 $0xFFFFFFFF;
	p2 =	slt.u32 s8, $0xFFFFF086  }
0x1c: {  	p1 =	slt.u32 s9, $0xF7A;
	s5 =	simm.s32 @!p2 $0x0  }
0x1d: {  	s5 =	simm.s32 @p1 $0x1;
	p0 =	seq.s32 s7, s2  }
0x1e: {  	s7 =	smul.u32 @!p0 $0xF7A, s2;
	p2 =	seq.s32 @!p0 s5, $0x0  }
0x1f: {  	s9 =	smul.u32 $0xF7A, s1;
	s8 =	simm.s32 @!p0 $0x1BF5;
	p2 =	por !p2, p0  }
0x20: {  	[sflag:s8] =	ssyncset.s32 @!p0 $0xFFFFF086;
	s6 =	sadd.s32 @!p0 s3, s7;
	s7 =	simm.s32 @!p0 $0x108  }
0x21: {  	s3 =	sadd.s32 s3, s9;
	s6 =	sadd.s32 @!p0 $0x88, s6;
	s7 =	simm.s32 @p2 $0x1082  }
0x22: {  	[simem:s7], [sflag:s8] =	dma.local @!p0 [hbm:s6], $0xF7A  }
0x23: {  	s9 =	sor.u32 $0xD0000000, s2;
	s6 =	simm.s32 $0x108;
	_ =	swait.ge @!p0 [sflag:s8], $0x0  }
0x24: {  	s3 =	sadd.s32 $0x88, s3;
	s6 =	simm.s32 @!p1 $0x1082;
	[sflag:s4] =	ssyncset.s32 $0xFFFFF086  }
0x25: {  	[simem:s6], [sflag:s4] =	dma.local [hbm:s3], $0xF7A  }
0x26: {  	[smem:$0x3F9C] =	sst s1;
	(tag) =	ssettag s2;
	_ =	strace s9  }
0x27: {  	s1 =	sld [smem:$0x3FAC]  }
0x28: {  	s2 =	sld [smem:$0x3FAD]  }
0x29: {  	s4 =	sld [smem:$0x3FAF]  }
0x2a: {  	p0 =	seq.s32 s5, $0x0;
	s5 =	sld [smem:$0x3FB0]  }
0x2b: {  	s6 =	sld [smem:$0x3FB1]  }
0x2c: {  	s7 =	sld [smem:$0x3FB2]  }
0x2d: {  	s3 =	simm.s32 $0x108;
	s8 =	sld [smem:$0x3FB3]  }
0x2e: {  	s3 =	simm.s32 @!p0 $0x1082;
	s9 =	sld [smem:$0x3FB4]  }
0x2f: {  	lr =	sadd.s32 s0, s3;
	s0 =	sld [smem:$0x3FAB]  }
0x30: {  	s3 =	sld [smem:$0x3FAE]  }
0x31: {  	[smem:$0x3FB7] =	sst s10  }
0x32: {  	s10 =	sld [smem:$0x3FB5];
	_ =	sdelay $0x3  }
0x33: {  	p0 =	seq.s32 s10, $0x1;
	s10 =	sld [smem:$0x3FB7];
	_ =	sdelay $0x3  }
0x34: {  	[smem:$0x3FB7] =	sst s10  }
0x35: {  	s10 =	sld [smem:$0x3FB6];
	_ =	sdelay $0x3  }
0x36: {  	p1 =	seq.s32 s10, $0x1;
	s10 =	sld [smem:$0x3FB7];
	_ =	sdelay $0x3  }
0x37: {  	[smem:$0x3FB7] =	sst s10  }
0x38: {  	s10 =	sld [smem:$0x3FB8]  }
0x39: {  	_ = 	snop;
	(pc) =	sbr.ind lr, $3  }
0x3a: {  	_ = 	snop  }
0x3b: {  	_ = 	snop  }
0x3c: {  	p2 =	seq.s32 s10, $0x1;
	s10 =	sld [smem:$0x3FB7]  }
0x3d: {  	_ =	shalt  }
0x3e: {  	_ =	shalt  }
0x3f: {  	_ =	shalt  }
0x40: {  	_ =	shalt  }
0x41: {  	_ =	shalt  }
0x42: {  	_ =	shalt  }
0x43: {  	_ =	shalt  }
0x44: {  	_ =	shalt  }
0x45: {  	_ =	shalt  }
0x46: {  	_ =	shalt  }
0x47: {  	_ =	shalt  }
0x48: {  	_ =	shalt  }
0x49: {  	_ =	shalt  }
0x4a: {  	_ =	shalt  }
0x4b: {  	_ =	shalt  }
0x4c: {  	_ =	shalt  }
0x4d: {  	_ =	shalt  }
0x4e: {  	_ =	shalt  }
0x4f: {  	_ =	shalt  }
0x50: {  	_ =	shalt  }
0x51: {  	_ =	shalt  }
0x52: {  	_ =	shalt  }
0x53: {  	_ =	shalt  }
0x54: {  	_ =	shalt  }
0x55: {  	_ =	shalt  }
0x56: {  	_ =	shalt  }
0x57: {  	_ =	shalt  }
0x58: {  	_ =	shalt  }
0x59: {  	_ =	shalt  }
0x5a: {  	_ =	shalt  }
0x5b: {  	_ =	shalt  }
0x5c: {  	_ =	shalt  }
0x5d: {  	_ =	shalt  }
0x5e: {  	_ =	shalt  }
0x5f: {  	_ =	shalt  }
0x60: {  	_ =	shalt  }
0x61: {  	_ =	shalt  }
0x62: {  	_ =	shalt  }
0x63: {  	_ =	shalt  }
0x64: {  	_ =	shalt  }
0x65: {  	_ =	shalt  }
0x66: {  	_ =	shalt  }
0x67: {  	_ =	shalt  }
0x68: {  	_ =	shalt  }
0x69: {  	_ =	shalt  }
0x6a: {  	_ =	shalt  }
0x6b: {  	_ =	shalt  }
0x6c: {  	_ =	shalt  }
0x6d: {  	_ =	shalt  }
0x6e: {  	_ =	shalt  }
0x6f: {  	_ =	shalt  }
0x70: {  	_ =	shalt  }
0x71: {  	_ =	shalt  }
0x72: {  	_ =	shalt  }
0x73: {  	_ =	shalt  }
0x74: {  	_ =	shalt  }
0x75: {  	_ =	shalt  }
0x76: {  	_ =	shalt  }
0x77: {  	_ =	shalt  }
0x78: {  	_ =	shalt  }
0x79: {  	_ =	shalt  }
0x7a: {  	_ =	shalt  }
0x7b: {  	_ =	shalt  }
0x7c: {  	_ =	shalt  }
0x7d: {  	_ =	shalt  }
0x7e: {  	_ =	shalt  }
0x7f: {  	_ =	shalt  }
0x80: {  	_ =	shalt  }
0x81: {  	_ =	shalt  }
0x82: {  	_ =	shalt  }
0x83: {  	_ =	shalt  }
0x84: {  	_ =	shalt  }
0x85: {  	_ =	shalt  }
0x86: {  	_ =	shalt  }
0x87: {  	_ =	shalt  }
.Lfunc_end0:
.L_simem_size_0:
called_computation_lowered:
.L_overlay_start_0:
0x88: {  	s2 =	sld [smem:$0x3FD9]  }
0x89: {  	s3 =	sld [smem:$0x3FFE];
	_ =	sdelay $0x1  }
0x8a: {  	s1 =	srdreg.scid  }
0x8b: {  	s0 =	sand.u32 $0x1, s1  }
0x8c: {  	s30 =	sshll.u32 s0, $0xA;
	s2 =	sadd.s32 s3, s2  }
0x8d: {  	s2 =	sadd.s32 s2, s30  }
0x8e: {  	[smem:$0x3FC3] =	sst s2  }
0x8f: {  	_ = 	snop  }
0x90: {  	s2 =	sld [smem:$0x3FC9]  }
0x91: {  	s31 =	sld [smem:$0x3FC8]  }
0x92: {  	s4 =	sld [smem:$0x3FD0]  }
0x93: {  	s5 =	sld [smem:$0x3FC7]  }
0x94: {  	s6 =	sld [smem:$0x3FC6]  }
0x95: {  	s8 =	simm.s32 $0xA;
	s9 =	simm.s32 $0x10;
	s7 =	sld [smem:$0x3FC5]  }
0x96: {  	[smem:s9], [sflag:s8] =	dma.local [hbm:s4], $0x1  }
0x97: {  	_ =	swait.eq [sflag:s8], $0x1  }
0x98: {  	s16 =	sld [smem:$0x11]  }
0x99: {  	s17 =	sld [smem:$0x12];
	[sflag:s8] =	ssyncset.done $0x0  }
0x9a: {  	s10 =	sld [smem:$0x13];
	[sflag:s8] =	ssyncadd.s32 $0xFFFFFFFF  }
0x9b: {  	s18 =	sld [smem:$0x14];
	(tm) =	ssettm $0x1  }
0x9c: {  	s11 =	sld [smem:$0x3FFB];
	_ =	sdelay $0x3  }
0x9d: {  	_ =	strace s11  }
0x9e: {  	s11 =	sld [smem:$0x3FFC];
	_ =	sdelay $0x3  }
0x9f: {  	_ =	strace s11  }
0xa0: {  	s11 =	sld [smem:$0x3FFD];
	_ =	sdelay $0x3  }
0xa1: {  	_ =	strace s11  }
0xa2: {  	_ =	strace $0x8FFFFFFF  }
0xa3: {  	s19 =	sld [smem:$0x3FDB];
	_ =	sdelay $0x1  }
0xa4: {  	s12 =	simm.s32 $_scs_section_size  }
0xa5: {  	s13 =	simm.s32 $_size__tile_overlayer_lowered;
	s14 =	simm.s32 $_tile_overlayer_lowered  }
0xa6: {  	s22 =	simm.s32 $0x1BFF;
	s21 =	sshll.u32 s14, $0x1;
	s11 =	sadd.s32 s12, s19  }
0xa7: {  	s15 =	simm.s32 $0x0;
	s20 =	sshll.u32 s13, $0x1;
	s13 =	sadd.s32 s21, s11  }
0xa8: {  	[timem:s15], [sflag:s22] =	dma.local [hbm:s13], s20  }
0xa9: {  	_ =	swait.ge [sflag:s22], s20  }
0xaa: {  	s12 =	ssub.s32 $0x0, s20;
	[sflag:s22] =	ssyncset.done $0x0  }
0xab: {  	[sflag:s22] =	ssyncadd.s32 s12;
	_ =	sdelay $0x1  }
0xac: {  	s23 =	simm.s32 $0x1B8B  }
0xad: {  	_ =	swait.ge [sflag:s23], $0x1  }
0xae: {  	[sflag:s23] =	ssyncset.done $0x0  }
0xaf: {  	s25 =	simm.s32 $0x1B8E;
	s24 =	sld [smem:$0x3FFE];
	[sflag:s23] =	ssyncadd.s32 $0xFFFFFFFF  }
0xb0: {  	s26 =	simm.s32 $execute0_lowered;
	[smem:$0x3FD2] =	sst s25  }
0xb1: {  	s13 =	sshll.u32 s26, $0x1;
	_ =	strace $0x80000046;
	[dreg:$0x1] =	wrdreg $0xFFFFFFFF  }
0xb2: {  	s28 =	simm.s32 $_size_execute0_lowered;
	s11 =	sadd.s32 s11, s13;
	[dreg:$0x0] =	wrdreg $0x0  }
0xb3: {  	s13 =	sshll.u32 s28, $0x1;
	[dreg:$0x2] =	wrdreg s11  }
0xb4: {  	[dreg:$0x3] =	wrdreg s13  }
0xb5: {  	[dreg:$0x4] =	wrdreg $0xC0  }
0xb6: {  	_ =	task [dreg:s15], $0x5FFFF  }
0xb7: {  	[dreg:$0x1] =	wrdreg $0xFFFFFFFF  }
0xb8: {  	[dreg:$0x0] =	wrdreg $0x60  }
0xb9: {  	[dreg:$0x2] =	wrdreg s2  }
0xba: {  	[dreg:$0x3] =	wrdreg s31  }
0xbb: {  	[dreg:$0x4] =	wrdreg s5  }
0xbc: {  	[dreg:$0x5] =	wrdreg s6  }
0xbd: {  	[dreg:$0x6] =	wrdreg s7  }
0xbe: {  	[dreg:$0x7] =	wrdreg s24  }
0xbf: {  	[dreg:$0x8] =	wrdreg s16  }
0xc0: {  	[dreg:$0x9] =	wrdreg s17  }
0xc1: {  	[dreg:$0xa] =	wrdreg s10  }
0xc2: {  	[dreg:$0xb] =	wrdreg s18  }
0xc3: {  	[dreg:$0xc] =	wrdreg $0x9  }
0xc4: {  	_ =	task.clear_ibuf [dreg:s15], $0xDFFFF;
	_ =	strace $0x90000046  }
0xc5: {  	s29 =	simm.s32 $0x9;
	_ =	strace $0x80000048  }
0xc6: {  	_ =	swait.ge [sflag:s29], $0x1  }
0xc7: {  	[sflag:s29] =	ssyncadd.s32 $0xFFFFFFFF  }
0xc8: {  	_ =	strace $0x90000048  }
0xc9: {  	_ =	sfence  }
0xca: {  	s30 =	sld [smem:$0x0];
	_ =	sdelay $0x2  }
0xcb: {  	s31 =	sshll.u32 s1, $0xD;
	s1 =	sshrl.u32 s1, $0x2  }
0xcc: {  	s3 =	sand.u32 $0x4000, s31;
	s1 =	sadd.s32 s1, s30  }
0xcd: {  	s0 =	sor.u32 s3, s0;
	s1 =	sshll.u32 s1, $0x11  }
0xce: {  	s0 =	sor.u32 s1, s0  }
0xcf: {  	s0 =	sadd.s32 $0x8F2B, s0  }
0xd0: {  	[sflag:s0] =	ssyncadd.remote.s32 $0x1  }
0xd1: {  	_ =	sfence.sel $0xFFFF  }
0xd2: {  	[dreg:$0x0] =	wrdreg $0xFFFFFFFF;
	(pc) =	sbr.abs _section_cstart, $3  }
0xd3: {  	[dreg:$0x1] =	wrdreg $0xFFFFFFFF  }
0xd4: {  	_ =	task.clear_ibuf [dreg:s15], $0x2FFFF;
	_ =	strace $0x9FFFFFFF  }
0xd5: {  	(tm) =	ssettm $0x7FFFFFFF  }
tec
execute0_lowered:
.L_overlay_start_1:
0x0: {  	(tag) =	ssettag $0x1  }
0x1: {  	s0 =	rddreg [dreg:$0x0]  }
0x2: {  	s1 =	rddreg [dreg:$0x1]  }
0x3: {  	s3 =	rddreg [dreg:$0x2]  }
0x4: {  	s4 =	rddreg [dreg:$0x3]  }
0x5: {  	s5 =	rddreg [dreg:$0x4]  }
0x6: {  	s6 =	rddreg [dreg:$0x5]  }
0x7: {  	s7 =	rddreg [dreg:$0x6]  }
0x8: {  	s8 =	rddreg [dreg:$0x7]  }
0x9: {  	s9 =	rddreg [dreg:$0x8];
	s2 =	srdreg.scid  }
0xa: {  	s14 =	stileid.u32;
	s10 =	rddreg [dreg:$0x9];
	s29 =	simm.s32 $0x17040  }
0xb: {  	s31 =	simm.s32 $0x1B040;
	s11 =	sand.u32 $0x1, s2;
	s12 =	sshll.u32 s14, $0x1  }
0xc: {  	s2 =	simm.s32 $0x0;
	s16 =	sshll.u32 s14, $0xA;
	s12 =	sor.u32 s11, s12  }
0xd: {  	[smem:$0x7FF] =	sst s2;
	s11 =	ssub.s32 $0x2, s11;
	s13 =	sshll.u32 s12, $0x3  }
0xe: {  	_ =	strace $0x80000047;
	s17 =	sshll.u32 s12, $0x4;
	s12 =	sshll.u32 s12, $0xF  }
0xf: {  	s15 =	sshrl.u32 s11, $0x1;
	s6 =	sadd.s32 s13, s6;
	s18 =	sadd.s32 s0, s12  }
0x10: {  	s13 =	sor.u32 s16, s17;
	s20 =	sadd.s32 $0x1000, s18;
	[dreg:$0xb] =	wrdreg s18  }
0x11: {  	s11 =	ssub.s32 s11, s15;
	s25 =	sadd.s32 $0x2000, s18;
	[dreg:$0xc] =	wrdreg s20  }
0x12: {  	s12 =	sadd.s32 s7, s12;
	s26 =	sadd.s32 $0x3000, s18;
	[dreg:$0x14] =	wrdreg s25  }
0x13: {  	s17 =	simm.s32 $0x7040;
	s28 =	sadd.s32 $0x800, s6;
	[dreg:$0x15] =	wrdreg s26  }
0x14: {  	s19 =	sand.u32 $0x3070, s13;
	s30 =	smax.u32 s11, $0x1;
	[dreg:$0x16] =	wrdreg s28  }
0x15: {  	s18 =	simm.s32 $0xF040;
	s5 =	sadd.s32 s5, s19;
	[dreg:$0x17] =	wrdreg s30  }
0x16: {  	s6 =	simm.s32 $0x0;
	s1 =	sadd.s32 s1, s19;
	[dreg:$0xd] =	wrdreg s5  }
0x17: {  	s21 =	sadd.s32 s3, s19;
	s22 =	sadd.s32 s4, s19;
	[dreg:$0xe] =	wrdreg s1  }
0x18: {  	s23 =	sadd.s32 s8, s19;
	s24 =	sadd.s32 s9, s19;
	[dreg:$0xf] =	wrdreg s21  }
0x19: {  	s0 =	sadd.s32 s10, s19;
	s8 =	simm.s32 $0x80;
	[dreg:$0x10] =	wrdreg s22  }
0x1a: {  	s9 =	simm.s32 $0x400;
	s4 =	simm.s32 $0x5;
	[dreg:$0x11] =	wrdreg s23  }
0x1b: {  	s25 =	simm.s32 $0x3;
	s26 =	simm.s32 $0x4;
	[dreg:$0x12] =	wrdreg s24  }
0x1c: {  	v0 =	vimm.s32 $0x0;
	vm0 =	vcmask $0x300;
	[dreg:$0x13] =	wrdreg s0;
	s21 =	simm.s32 $0x1000;
	s22 =	simm.s32 $0x2000  }
0x1d: {  	v0 =	vsel vm0, $0x3, v0;
	s23 =	simm.s32 $0x3000;
	s1 =	simm.s32 $0x7000;
	s0 =	simm.s32 $0x2  }
.LBB2_1:
0x1e: {  	[dreg:$0x18] =	wrdreg s6  }
0x1f: {  	s3 =	rddreg [dreg:$0xb]  }
0x20: {  	[tilespmem:s17], [sflag:$0x1] =	stream.linear.gather [hbm4b:s3+s2], $0x8000, $0x38;
	[tilespmem:$0x1F040] =	vst v63  }
0x21: {  	s7 =	rddreg [dreg:$0xc]  }
0x22: {  	[tilespmem:s18], [sflag:$0x2] =	stream.linear.gather [hbm4b:s7+s2], $0x8000, $0x38;
	[tilespmem:$0x1F040] =	vst v63  }
0x23: {  	s10 =	rddreg [dreg:$0xd]  }
0x24: {  	[tilespmem:s2], [sflag:$0x5] =	stream.strided.gather [hbm4b:s10+s8], $0x1000, s9, s8, $0x38;
	[tilespmem:$0x1F040] =	vst v63  }
0x25: {  	s11 =	rddreg [dreg:$0xe]  }
0x26: {  	[tilespmem:s21], [sflag:$0x5] =	stream.strided.gather [hbm4b:s11+s8], $0x1000, s9, s8, $0x38;
	[tilespmem:$0x1F040] =	vst v63  }
0x27: {  	s13 =	rddreg [dreg:$0xf]  }
0x28: {  	[tilespmem:s22], [sflag:$0x5] =	stream.strided.gather [hbm4b:s13+s8], $0x1000, s9, s8, $0x38;
	[tilespmem:$0x1F040] =	vst v63  }
0x29: {  	s14 =	rddreg [dreg:$0x10]  }
0x2a: {  	[tilespmem:s23], [sflag:$0x5] =	stream.strided.gather [hbm4b:s14+s8], $0x1000, s9, s8, $0x38;
	[tilespmem:$0x1F040] =	vst v63  }
0x2b: {  	_ =	swait.ge [sflag:s4], $0x1000  }
0x2c: {  	[sflag:s4] =	ssyncset.done $0x0  }
0x2d: {  	[sflag:s4] =	ssyncadd.s32 $0xFFFFF000  }
0x2e: {  	_ =	swait.ge [sflag:s4], $0x1000  }
0x2f: {  	[sflag:s4] =	ssyncset.done $0x0  }
0x30: {  	[sflag:s4] =	ssyncadd.s32 $0xFFFFF000  }
0x31: {  	_ =	swait.ge [sflag:s4], $0x1000  }
0x32: {  	[sflag:s4] =	ssyncset.done $0x0  }
0x33: {  	[sflag:s4] =	ssyncadd.s32 $0xFFFFF000  }
0x34: {  	_ =	swait.ge [sflag:s4], $0x1000  }
0x35: {  	[sflag:s4] =	ssyncset.done $0x0  }
0x36: {  	s15 =	simm.s32 $0x10;
	[sflag:s4] =	ssyncadd.s32 $0xFFFFF000  }
0x37: {  	v5 =	vld [tilespmem:s15+$0xFFFFFFF0]  }
0x38: {  	v8 =	vld [tilespmem:s15+$0x0];
	_ =	sdelay $0x1  }
0x39: {  	s16 =	simm.s32 $0x30  }
0x3a: {  	v7 =	vld [tilespmem:s16+$0xFFFFFFF0]  }
0x3b: {  	s19 =	simm.s32 $0x50;
	v6 =	vld [tilespmem:s16+$0x0]  }
0x3c: {  	v4 =	vld [tilespmem:s19+$0xFFFFFFF0]  }
0x3d: {  	v3 =	vld [tilespmem:s19+$0x0]  }
0x3e: {  	v9 =	vld.idx.msk [tilespmem:v5+s21+$0x0], $0xffff  }
0x3f: {  	s24 =	simm.s32 $0x70;
	v10 =	vld.idx.msk [tilespmem:v8+s21+$0x0], $0xffff  }
0x40: {  	v2 =	vld [tilespmem:s24+$0xFFFFFFF0]  }
0x41: {  	v1 =	vld [tilespmem:s24+$0x0]  }
0x42: {  	s20 =	simm.s32 $0x4010;
	v11 =	vld.idx.msk [tilespmem:v7+s21+$0x0], $0xffff  }
0x43: {  	v13 =	vld.idx.msk [tilespmem:v6+s21+$0x0], $0xffff;
	[tilespmem:s20+$0xFFFFFFF0] =	vst v9  }
0x44: {  	[tilespmem:s20+$0x0] =	vst v10;
	v12 =	vld.idx.msk [tilespmem:v5+s22+$0x0], $0xffff  }
0x45: {  	v14 =	vld.idx.msk [tilespmem:v8+s22+$0x0], $0xffff  }
0x46: {  	s28 =	simm.s32 $0x4030;
	v15 =	vld.idx.msk [tilespmem:v4+s21+$0x0], $0xffff  }
0x47: {  	v16 =	vld.idx.msk [tilespmem:v3+s21+$0x0], $0xffff;
	[tilespmem:s28+$0xFFFFFFF0] =	vst v11  }
0x48: {  	s30 =	simm.s32 $0x5010;
	[tilespmem:s28+$0x0] =	vst v13;
	v17 =	vld.idx.msk [tilespmem:v7+s22+$0x0], $0xffff  }
0x49: {  	v18 =	vld.idx.msk [tilespmem:v6+s22+$0x0], $0xffff;
	[tilespmem:s30+$0xFFFFFFF0] =	vst v12  }
0x4a: {  	[tilespmem:s30+$0x0] =	vst v14;
	v12 =	vimm.f32 $-Inf;
	v14 =	vld.idx.msk [tilespmem:v5+s23+$0x0], $0xffff  }
0x4b: {  	s5 =	simm.s32 $0x90;
	s3 =	simm.s32 $0x4050;
	v5 =	vmax.f32 v12, v9;
	v12 =	vld.idx.msk [tilespmem:v8+s23+$0x0], $0xffff  }
0x4c: {  	[tilespmem:s3+$0xFFFFFFF0] =	vst v15;
	v8 =	vld [tilespmem:s5+$0xFFFFFFF0];
	v5 =	vmax.f32 v5, v10  }
0x4d: {  	s6 =	simm.s32 $0x5030;
	[tilespmem:s3+$0x0] =	vst v16;
	v9 =	vmax.f32 v5, v11;
	v5 =	vld [tilespmem:s5+$0x0]  }
0x4e: {  	[tilespmem:s6+$0xFFFFFFF0] =	vst v17;
	v10 =	vmax.f32 v9, v13;
	v9 =	vld.idx.msk [tilespmem:v2+s21+$0x0], $0xffff  }
0x4f: {  	s4 =	simm.s32 $0x6010;
	[tilespmem:s6+$0x0] =	vst v18;
	v13 =	vld.idx.msk [tilespmem:v4+s22+$0x0], $0xffff;
	v11 =	vmax.f32 v10, v15  }
0x50: {  	s7 =	simm.s32 $0xA;
	v10 =	vld.idx.msk [tilespmem:v1+s21+$0x0], $0xffff;
	v11 =	vmax.f32 v11, v16;
	[tilespmem:s4+$0xFFFFFFF0] =	vst v14  }
.LBB2_2:
0x51: {  	s7 =	sadd.s32 $0x2, s7;
	v14 =	vld.idx.msk [tilespmem:v3+s22+$0x0], $0xffff;
	[tilespmem:s4+$0x0] =	vst v12;
	v15 =	vmov v8  }
0x52: {  	p0 =	slt.u32 s7, $0xFE;
	v16 =	vld.idx.msk [tilespmem:v7+s23+$0x0], $0xffff;
	v7 =	vmovc v4;
	v4 =	vmov v2;
	v2 =	vmov v8;
	v17 =	vmov v5  }
0x53: {  	s5 =	sadd.s32 $0x20, s5;
	s3 =	sadd.s32 $0x20, s3;
	v12 =	vld.idx.msk [tilespmem:v6+s23+$0x0], $0xffff;
	v6 =	vmov v3;
	v3 =	vmov v1;
	v1 =	vmov v5  }
.Ltmp0:
0x54: {  	v8 =	vld [tilespmem:s5+$0xFFFFFFF0];
	[tilespmem:s3+$0xFFFFFFF0] =	vst v9;
	v9 =	vmax.f32 v11, v9;
	(pc) =	sbr.rel @p0 .LBB2_2-.Ltmp0, $4  }
0x55: {  	s6 =	sadd.s32 $0x20, s6;
	v5 =	vld [tilespmem:s5+$0x0];
	[tilespmem:s3+$0x0] =	vst v10;
	v11 =	vmax.f32 v9, v10  }
0x56: {  	v9 =	vld.idx.msk [tilespmem:v15+s21+$0x0], $0xffff;
	[tilespmem:s6+$0xFFFFFFF0] =	vst v13  }
0x57: {  	s4 =	sadd.s32 $0x20, s4;
	v10 =	vld.idx.msk [tilespmem:v17+s21+$0x0], $0xffff;
	[tilespmem:s6+$0x0] =	vst v14  }
0x58: {  	v13 =	vld.idx.msk [tilespmem:v4+s22+$0x0], $0xffff;
	[tilespmem:s4+$0xFFFFFFF0] =	vst v16  }
0x59: {  	_ =	sdelay $0x3  }
0x5a: {  	v14 =	vld.idx.msk [tilespmem:v3+s22+$0x0], $0xffff;
	s5 =	sadd.s32 $0x20, s5  }
0x5b: {  	v15 =	vld [tilespmem:s5+$0xFFFFFFF0]  }
0x5c: {  	v16 =	vld [tilespmem:s5+$0x0]  }
0x5d: {  	[tilespmem:s4+$0x0] =	vst v12;
	v7 =	vld.idx.msk [tilespmem:v7+s23+$0x0], $0xffff;
	s3 =	sadd.s32 $0x20, s3  }
0x5e: {  	v6 =	vld.idx.msk [tilespmem:v6+s23+$0x0], $0xffff;
	[tilespmem:s3+$0xFFFFFFF0] =	vst v9  }
0x5f: {  	s15 =	sadd.s32 $0x20, s6;
	v60 =	vld.idx.msk [tilespmem:v8+s21+$0x0], $0xffff;
	[tilespmem:s3+$0x0] =	vst v10  }
0x60: {  	v61 =	vld.idx.msk [tilespmem:v5+s21+$0x0], $0xffff;
	[tilespmem:s15+$0xFFFFFFF0] =	vst v13  }
0x61: {  	s16 =	sadd.s32 $0x20, s4;
	v62 =	vld.idx.msk [tilespmem:v2+s22+$0x0], $0xffff;
	[tilespmem:s15+$0x0] =	vst v14  }
0x62: {  	[tilespmem:s16+$0xFFFFFFF0] =	vst v7;
	v7 =	vld.idx.msk [tilespmem:v1+s22+$0x0], $0xffff  }
0x63: {  	s3 =	sadd.s32 $0x20, s3;
	[tilespmem:s16+$0x0] =	vst v6;
	v6 =	vld.idx.msk [tilespmem:v15+s21+$0x0], $0xffff  }
0x64: {  	[tilespmem:s3+$0xFFFFFFF0] =	vst v60;
	v17 =	vld.idx.msk [tilespmem:v16+s21+$0x0], $0xffff  }
0x65: {  	s5 =	sadd.s32 $0x20, s15;
	v4 =	vld.idx.msk [tilespmem:v4+s23+$0x0], $0xffff;
	[tilespmem:s3+$0x0] =	vst v61  }
0x66: {  	v3 =	vld.idx.msk [tilespmem:v3+s23+$0x0], $0xffff;
	[tilespmem:s5+$0xFFFFFFF0] =	vst v62  }
0x67: {  	s3 =	sadd.s32 $0x20, s3;
	v63 =	vld.idx.msk [tilespmem:v5+s22+$0x0], $0xffff;
	[tilespmem:s5+$0x0] =	vst v7  }
0x68: {  	v7 =	vld.idx.msk [tilespmem:v8+s22+$0x0], $0xffff;
	[tilespmem:s3+$0xFFFFFFF0] =	vst v6  }
0x69: {  	s4 =	sadd.s32 $0x20, s16;
	[tilespmem:s3+$0x0] =	vst v17;
	v18 =	vld.idx.msk [tilespmem:v15+s22+$0x0], $0xffff  }
0x6a: {  	[tilespmem:s4+$0xFFFFFFF0] =	vst v4;
	v4 =	vld.idx.msk [tilespmem:v16+s22+$0x0], $0xffff  }
0x6b: {  	s19 =	sadd.s32 $0x20, s5;
	v2 =	vld.idx.msk [tilespmem:v2+s23+$0x0], $0xffff;
	[tilespmem:s4+$0x0] =	vst v3  }
0x6c: {  	v3 =	vmax.f32 v11, v9;
	v1 =	vld.idx.msk [tilespmem:v1+s23+$0x0], $0xffff;
	[tilespmem:s19+$0x0] =	vst v63  }
0x6d: {  	v3 =	vmax.f32 v3, v10;
	v5 =	vld.idx.msk [tilespmem:v5+s23+$0x0], $0xffff;
	s3 =	sadd.s32 $0x20, s19;
	[tilespmem:s19+$0xFFFFFFF0] =	vst v7  }
0x6e: {  	v3 =	vmax.f32 v3, v60;
	v7 =	vld.idx.msk [tilespmem:v8+s23+$0x0], $0xffff;
	[tilespmem:s3+$0xFFFFFFF0] =	vst v18  }
0x6f: {  	s4 =	sadd.s32 $0x20, s4;
	v3 =	vmax.f32 v3, v61;
	[tilespmem:s3+$0x0] =	vst v4;
	v4 =	vld.idx.msk [tilespmem:v15+s23+$0x0], $0xffff  }
0x70: {  	[tilespmem:s4+$0xFFFFFFF0] =	vst v2;
	v3 =	vmax.f32 v3, v6;
	v2 =	vld.idx.msk [tilespmem:v16+s23+$0x0], $0xffff  }
0x71: {  	s20 =	sadd.s32 $0x20, s4;
	v3 =	vmax.f32 v3, v17;
	[tilespmem:s4+$0x0] =	vst v1  }
0x72: {  	(xrf0) =	vmax.scan.msk.f32 $0xffff, v3;
	[tilespmem:s20+$0x0] =	vst v5  }
0x73: {  	s3 =	sadd.s32 $0x20, s20;
	[tilespmem:s20+$0xFFFFFFF0] =	vst v7  }
0x74: {  	[tilespmem:s3+$0xFFFFFFF0] =	vst v4  }
0x75: {  	s24 =	simm.s32 $0x4010;
	[tilespmem:s3+$0x0] =	vst v2  }
0x76: {  	v2 =	vld [tilespmem:s24+$0xFFFFFFF0]  }
0x77: {  	v3 =	vld [tilespmem:s24+$0x0]  }
0x78: {  	v1, _, _ =	vpop (xrf0)  }
0x79: {  	v1 =	vbroadcast v1, $0xF;
	_ =	sdelay $0x1  }
0x7a: {  	s28 =	simm.s32 $0x4030;
	v2 =	vsub.f32 v2, v1  }
0x7b: {  	v4 =	vld [tilespmem:s28+$0xFFFFFFF0];
	v3 =	vsub.f32 v3, v1  }
0x7c: {  	v5 =	vld [tilespmem:s28+$0x0];
	v2 =	vmul.f32 $1.442695020e+00, v2  }
0x7d: {  	v3 =	vmul.f32 $1.442695020e+00, v3  }
0x7e: {  	s30 =	simm.s32 $0x4050;
	(erf) = vpow2.f32 v2  }
0x7f: {  	v2 =	vld [tilespmem:s30+$0xFFFFFFF0];
	(erf) = vpow2.f32 v3  }
0x80: {  	v3 =	vsub.f32 v4, v1  }
0x81: {  	v4 =	vsub.f32 v5, v1  }
0x82: {  	v3 =	vmul.f32 $1.442695020e+00, v3  }
0x83: {  	v5 =	vld [tilespmem:s30+$0x0];
	v4 =	vmul.f32 $1.442695020e+00, v4  }
0x84: {  	(erf) = vpow2.f32 v3;
	v3 =	vsub.f32 v2, v1;
	_ =	sdelay $0x1  }
0x85: {  	s4 =	simm.s32 $0x4070;
	(erf) = vpow2.f32 v4  }
0x86: {  	v8 =	vimm.f32 $0.0e+00;
	s3 =	simm.s32 $0x1010;
	v2 =	vld [tilespmem:s4+$0xFFFFFFF0];
	v4 =	vpop (erf)  }
0x87: {  	s5 =	simm.s32 $0x6;
	v7 =	vsub.f32 v5, v1;
	v6 =	vmul.f32 $1.442695020e+00, v3;
	[tilespmem:s3+$0xFFFFFFF0] =	vst v4;
	v5 =	vadd.f32 v4, v8;
	v4 =	vld [tilespmem:s4+$0x0];
	v3 =	vpop (erf)  }
.LBB2_4:
0x88: {  	s5 =	sadd.s32 $0x2, s5  }
0x89: {  	v7 =	vmul.f32 $1.442695020e+00, v7;
	(erf) = vpow2.f32 v6;
	[tilespmem:s3+$0x0] =	vst v3;
	v3 =	vadd.f32 v3, v5;
	s3 =	sadd.s32 $0x20, s3;
	p0 =	slt.u32 s5, $0xFE  }
.Ltmp1:
0x8a: {  	(pc) =	sbr.rel @p0 .LBB2_4-.Ltmp1, $4  }
0x8b: {  	s4 =	sadd.s32 $0x20, s4;
	v5 =	vsub.f32 v2, v1;
	(erf) = vpow2.f32 v7  }
0x8c: {  	v2 =	vld [tilespmem:s4+$0xFFFFFFF0];
	v8 =	vpop (erf)  }
0x8d: {  	v6 =	vmul.f32 $1.442695020e+00, v5;
	v7 =	vsub.f32 v4, v1;
	[tilespmem:s3+$0xFFFFFFF0] =	vst v8;
	v5 =	vadd.f32 v8, v3  }
0x8e: {  	v4 =	vld [tilespmem:s4+$0x0];
	v3 =	vpop (erf)  }
0x8f: {  	_ =	sdelay $0x1  }
0x90: {  	v2 =	vsub.f32 v2, v1  }
0x91: {  	v7 =	vmul.f32 $1.442695020e+00, v7;
	(erf) = vpow2.f32 v6  }
0x92: {  	v2 =	vmul.f32 $1.442695020e+00, v2;
	v1 =	vsub.f32 v4, v1  }
0x93: {  	(erf) = vpow2.f32 v7  }
0x94: {  	v1 =	vmul.f32 $1.442695020e+00, v1  }
0x95: {  	v60 =	vadd.f32 v3, v5;
	(erf) = vpow2.f32 v2  }
0x96: {  	v2 =	vpop (erf)  }
0x97: {  	(erf) = vpow2.f32 v1;
	v4 =	vadd.f32 v2, v60  }
0x98: {  	v1 =	vpop (erf)  }
0x99: {  	v4 =	vadd.f32 v1, v4  }
0x9a: {  	v61 =	vpop (erf)  }
0x9b: {  	v4 =	vadd.f32 v61, v4  }
0x9c: {  	v62 =	vpop (erf)  }
0x9d: {  	v4 =	vadd.f32 v62, v4  }
0x9e: {  	v63 =	vpop (erf)  }
0x9f: {  	v4 =	vadd.f32 v63, v4  }
0xa0: {  	v8 =	vpop (erf)  }
0xa1: {  	v4 =	vadd.f32 v8, v4;
	_ =	sdelay $0x1  }
0xa2: {  	(xrf2) =	vadd.scan.msk.f32 $0xffff, v4;
	_ =	sdelay $0x8  }
0xa3: {  	s19 =	sadd.s32 $0x20, s3  }
0xa4: {  	[tilespmem:s19+$0xFFFFFFF0] =	vst v2;
	v2, _, _ =	vpop (xrf2)  }
0xa5: {  	[tilespmem:s19+$0x0] =	vst v1;
	v1 =	vbroadcast v2, $0xF  }
0xa6: {  	[tilespmem:s3+$0x0] =	vst v3;
	s3 =	sadd.s32 $0x20, s19  }
0xa7: {  	[tilespmem:s3+$0xFFFFFFF0] =	vst v61;
	(erf) = vrcp.f32 v1  }
0xa8: {  	[tilespmem:s3+$0x0] =	vst v62;
	s3 =	sadd.s32 $0x20, s3  }
0xa9: {  	[tilespmem:s3+$0xFFFFFFF0] =	vst v63  }
0xaa: {  	[tilespmem:s3+$0x0] =	vst v8  }
0xab: {  	s4 =	simm.s32 $0x4000;
	s3 =	rddreg [dreg:$0x11]  }
0xac: {  	[hbm4b:s3+s8] =	stream.strided.scatter [tilespmem:s4], [sflag:$0x5], $0x1000, s9, s8, $0x38;
	[tilespmem:$0x1F040] =	vst v63  }
0xad: {  	s24 =	simm.s32 $0x5000;
	s20 =	rddreg [dreg:$0x12]  }
0xae: {  	[hbm4b:s20+s8] =	stream.strided.scatter [tilespmem:s24], [sflag:$0x5], $0x1000, s9, s8, $0x38;
	[tilespmem:$0x1F040] =	vst v63  }
0xaf: {  	s30 =	simm.s32 $0x6000;
	s6 =	simm.s32 $0x0;
	s28 =	rddreg [dreg:$0x13]  }
0xb0: {  	[hbm4b:s28+s8] =	stream.strided.scatter [tilespmem:s30], [sflag:$0x5], $0x1000, s9, s8, $0x38;
	v1 =	vpop (erf);
	[tilespmem:$0x1F040] =	vst v63  }
.LBB2_6:
0xb1: {  	s3 =	simm.s32 $0x1  }
0xb2: {  	_ =	swait.ge [sflag:s3], $0x8000  }
0xb3: {  	p0 =	seq.s32 s6, $0x0;
	[sflag:s3] =	ssyncset.done $0x0  }
0xb4: {  	s4 =	simm.s32 $0x0;
	[sflag:s3] =	ssyncadd.s32 $0xFFFF8000;
	s3 =	simm.s32 @!p0 $0x3  }
0xb5: {  	s5 =	simm.s32 $0x0;
	s4 =	sand.u32 $0x60, s4;
	_ =	swait.ge @!p0 [sflag:s3], $0x4000  }
0xb6: {  	s5 =	sand.u32 $0xFFFFFF80, s5;
	s7 =	sor.u32 $0x10, s4;
	[sflag:s3] =	ssyncset.done @!p0 $0x0  }
0xb7: {  	s11 =	sor.u32 s5, s7;
	[sflag:s3] =	ssyncadd.s32 @!p0 $0xFFFFC000  }
0xb8: {  	s8 =	sor.u32 s4, s5;
	v2 =	vld [tilespmem:s11+$0x0]  }
0xb9: {  	v3 =	vld [tilespmem:s8+$0x0];
	_ =	sdelay $0x3  }
0xba: {  	v4 =	vshll.u32 v2, $0x3  }
0xbb: {  	s14 =	simm.s32 $0x20;
	v2 =	vand.u32 $0x7F, v2;
	v5 =	vshll.u32 v3, $0x3;
	v4 =	vand.u32 $0xFFFFFC00, v4  }
0xbc: {  	s10 =	simm.s32 $0x20;
	s5 =	sand.u32 $0x60, s14;
	v3 =	vand.u32 $0x7F, v3;
	v13 =	vor.u32 v4, v2;
	v2 =	vand.u32 $0xFFFFFC00, v5  }
0xbd: {  	s15 =	sand.u32 $0xFFFFFF80, s10;
	s13 =	sor.u32 $0x10, s5;
	v17 =	vor.u32 v2, v3  }
0xbe: {  	s14 =	sor.u32 s15, s13  }
0xbf: {  	s16 =	sor.u32 s5, s15;
	v7 =	vld [tilespmem:s14+$0x0]  }
0xc0: {  	v8 =	vld [tilespmem:s16+$0x0]  }
0xc1: {  	v2 =	vld.idx.msk [tilespmem:v13+s17+$0x0], $0xffff  }
0xc2: {  	s9 =	simm.s32 $0x0;
	v3 =	vor.u32 $0x80, v13;
	v6 =	vld.idx.msk [tilespmem:v17+s17+$0x0], $0xffff  }
0xc3: {  	s9 =	sand.u32 $0x3FFFFC00, s9;
	v5 =	vor.u32 $0x80, v17  }
0xc4: {  	s9 =	sadd.s32 $0x17040, s9;
	v9 =	vshll.u32 v7, $0x3  }
0xc5: {  	s10 =	sadd.s32 s7, s9;
	v26 =	vld [tilespmem:s8+$0x1000];
	v7 =	vand.u32 $0x7F, v7;
	v12 =	vshll.u32 v8, $0x3;
	v9 =	vand.u32 $0xFFFFFC00, v9  }
0xc6: {  	s8 =	sadd.s32 s4, s9;
	v8 =	vand.u32 $0x7F, v8;
	v4 =	vld [tilespmem:s11+$0x1000];
	v7 =	vor.u32 v9, v7;
	v9 =	vand.u32 $0xFFFFFC00, v12;
	[tilespmem:s10+$0x0] =	vst v2  }
0xc7: {  	s19 =	simm.s32 $0x40;
	v8 =	vor.u32 v9, v8;
	v10 =	vld.idx.msk [tilespmem:v3+s17+$0x0], $0xffff;
	[tilespmem:s8+$0x0] =	vst v6  }
0xc8: {  	s20 =	simm.s32 $0x40;
	s4 =	sand.u32 $0x60, s19;
	v3 =	vor.u32 $0x100, v13;
	v11 =	vld.idx.msk [tilespmem:v5+s17+$0x0], $0xffff  }
0xc9: {  	s30 =	sand.u32 $0xFFFFFF80, s20;
	s11 =	sor.u32 $0x10, s4;
	v5 =	vor.u32 $0x100, v17  }
0xca: {  	s3 =	sor.u32 s30, s11  }
0xcb: {  	v23 =	vld [tilespmem:s3+$0x0]  }
0xcc: {  	v16 =	vld.idx.msk [tilespmem:v8+s17+$0x0], $0xffff;
	[tilespmem:s10+$0x80] =	vst v10  }
0xcd: {  	s24 =	simm.s32 $0x100;
	v21 =	vor.u32 $0x80, v8;
	v12 =	vld.idx.msk [tilespmem:v3+s17+$0x0], $0xffff;
	[tilespmem:s8+$0x80] =	vst v11  }
0xce: {  	s7 =	sand.u32 $0x3FFFFC00, s24;
	v15 =	vld.idx.msk [tilespmem:v5+s17+$0x0], $0xffff;
	v5 =	vor.u32 $0x180, v13  }
0xcf: {  	s15 =	sadd.s32 $0x17040, s7;
	v9 =	vor.u32 $0x180, v17;
	v18 =	vld.idx.msk [tilespmem:v7+s17+$0x0], $0xffff  }
0xd0: {  	s9 =	sadd.s32 s5, s15;
	v3 =	vld [tilespmem:s16+$0x1000];
	s16 =	sor.u32 s4, s30  }
0xd1: {  	v14 =	vor.u32 $0x80, v7;
	[tilespmem:s9+$0x0] =	vst v16;
	v24 =	vld [tilespmem:s16+$0x0]  }
0xd2: {  	v21 =	vld.idx.msk [tilespmem:v21+s17+$0x0], $0xffff;
	[tilespmem:s10+$0x100] =	vst v12  }
0xd3: {  	v19 =	vld.idx.msk [tilespmem:v5+s17+$0x0], $0xffff;
	[tilespmem:s8+$0x100] =	vst v15  }
0xd4: {  	s7 =	sadd.s32 s13, s15;
	v25 =	vor.u32 $0x200, v13;
	v22 =	vor.u32 $0x200, v17;
	v6 =	vmul.f32 v6, v26;
	v20 =	vld.idx.msk [tilespmem:v9+s17+$0x0], $0xffff  }
0xd5: {  	v30 =	vor.u32 $0x100, v8;
	v2 =	vmul.f32 v2, v4;
	v5 =	vld [tilespmem:s14+$0x1000];
	[tilespmem:s7+$0x0] =	vst v18;
	v9 =	vimm.f32 $0.0e+00  }
0xd6: {  	v29 =	vmul.f32 v11, v26;
	v11 =	vshll.u32 v23, $0x3;
	v27 =	vld.idx.msk [tilespmem:v14+s17+$0x0], $0xffff;
	v6 =	vadd.f32 v6, v9  }
0xd7: {  	v28 =	vor.u32 $0x100, v7;
	v11 =	vand.u32 $0xFFFFFC00, v11;
	v14 =	vand.u32 $0x7F, v23  }
0xd8: {  	v31 =	vshll.u32 v24, $0x3;
	v14 =	vor.u32 v11, v14;
	v6 =	vadd.f32 v2, v6;
	v2 =	vld [tilespmem:s16+$0x1000];
	[tilespmem:s10+$0x180] =	vst v19  }
0xd9: {  	v16 =	vmul.f32 v16, v3;
	v24 =	vand.u32 $0x7F, v24;
	v11 =	vand.u32 $0xFFFFFC00, v31;
	[tilespmem:s8+$0x180] =	vst v20;
	v25 =	vld.idx.msk [tilespmem:v25+s17+$0x0], $0xffff  }
0xda: {  	v33 =	vmul.f32 v15, v26;
	[tilespmem:s9+$0x80] =	vst v21;
	v15 =	vor.u32 v11, v24;
	v22 =	vld.idx.msk [tilespmem:v22+s17+$0x0], $0xffff  }
0xdb: {  	v23 =	vor.u32 $0x280, v17;
	v11 =	vmul.f32 v10, v4;
	[tilespmem:s7+$0x80] =	vst v27;
	v10 =	vmul.f32 v20, v26;
	v20 =	vld.idx.msk [tilespmem:v30+s17+$0x0], $0xffff  }
0xdc: {  	v18 =	vmul.f32 v18, v5;
	v6 =	vadd.f32 v16, v6;
	v28 =	vld.idx.msk [tilespmem:v28+s17+$0x0], $0xffff  }
0xdd: {  	v32 =	vor.u32 $0x280, v13;
	v24 =	vor.u32 $0x180, v7;
	s16 =	simm.s32 $0x60;
	v54 =	vld.idx.msk [tilespmem:v14+s17+$0x0], $0xffff  }
0xde: {  	s19 =	simm.s32 $0x60;
	v12 =	vmul.f32 v12, v4;
	v19 =	vmul.f32 v19, v4;
	v18 =	vadd.f32 v18, v6;
	v6 =	vld [tilespmem:s3+$0x1000];
	s3 =	sand.u32 $0x60, s16  }
0xdf: {  	s13 =	sand.u32 $0xFFFFFF80, s19;
	v34 =	vor.u32 $0x180, v8;
	v30 =	vadd.f32 v33, v9;
	v10 =	vadd.f32 v10, v9;
	v36 =	vld.idx.msk [tilespmem:v15+s17+$0x0], $0xffff;
	s28 =	sor.u32 $0x10, s3;
	[tilespmem:s8+$0x200] =	vst v22  }
0xe0: {  	v31 =	vor.u32 $0x300, v17;
	s19 =	sor.u32 s13, s28;
	v22 =	vmul.f32 v22, v26;
	v23 =	vld.idx.msk [tilespmem:v23+s17+$0x0], $0xffff  }
0xe1: {  	v30 =	vadd.f32 v12, v30;
	v12 =	vmul.f32 v21, v3;
	v35 =	vadd.f32 v19, v10;
	v38 =	vld [tilespmem:s19+$0x0];
	[tilespmem:s7+$0x100] =	vst v28  }
0xe2: {  	s15 =	simm.s32 $0x200;
	[tilespmem:s10+$0x200] =	vst v25;
	v21 =	vmul.f32 v25, v4;
	v19 =	vadd.f32 v22, v9;
	v22 =	vld.idx.msk [tilespmem:v24+s17+$0x0], $0xffff;
	v24 =	vor.u32 $0x80, v14  }
0xe3: {  	s5 =	sand.u32 $0x3FFFFC00, s15;
	v57 =	vor.u32 $0x380, v13;
	[tilespmem:s9+$0x100] =	vst v20;
	v20 =	vmul.f32 v20, v3;
	v32 =	vld.idx.msk [tilespmem:v32+s17+$0x0], $0xffff  }
0xe4: {  	s5 =	sadd.s32 $0x17040, s5;
	s20 =	sor.u32 s3, s13;
	v10 =	vmul.f32 v27, v5;
	v34 =	vld.idx.msk [tilespmem:v34+s17+$0x0], $0xffff;
	v40 =	vadd.f32 v21, v19;
	v21 =	vor.u32 $0x80, v15  }
0xe5: {  	s11 =	sadd.s32 s11, s5;
	v27 =	vor.u32 $0x300, v13;
	v20 =	vadd.f32 v20, v30;
	v30 =	vld [tilespmem:s20+$0x0];
	v19 =	vmul.f32 v28, v5;
	[tilespmem:s8+$0x280] =	vst v23  }
0xe6: {  	v41 =	vor.u32 $0x380, v17;
	[tilespmem:s11+$0x0] =	vst v54;
	v23 =	vmul.f32 v23, v26;
	v28 =	vld.idx.msk [tilespmem:v31+s17+$0x0], $0xffff;
	v31 =	vor.u32 $0x200, v8  }
0xe7: {  	s15 =	sadd.s32 s4, s5;
	v60 =	vor.u32 $0x280, v8;
	v17 =	vadd.f32 v19, v20;
	v20 =	vld.idx.msk [tilespmem:v24+s17+$0x0], $0xffff;
	v24 =	vor.u32 $0x200, v7  }
0xe8: {  	v39 =	vmul.f32 v36, v2;
	[tilespmem:s15+$0x0] =	vst v36;
	v37 =	vmul.f32 v32, v4;
	v25 =	vadd.f32 v23, v9  }
0xe9: {  	v29 =	vadd.f32 v29, v9;
	v42 =	vor.u32 $0x100, v15;
	v16 =	vor.u32 $0x300, v8;
	[tilespmem:s10+$0x280] =	vst v32;
	v56 =	vld.idx.msk [tilespmem:v21+s17+$0x0], $0xffff  }
0xea: {  	[tilespmem:s9+$0x180] =	vst v34;
	v21 =	vor.u32 $0x100, v14;
	v19 =	vadd.f32 v37, v25;
	v25 =	vadd.f32 v39, v18;
	v18 =	vld.idx.msk [tilespmem:v27+s17+$0x0], $0xffff  }
0xeb: {  	v13 =	vshll.u32 v38, $0x3;
	v59 =	vand.u32 $0x7F, v38;
	v38 =	vor.u32 $0x180, v14;
	[tilespmem:s7+$0x180] =	vst v22;
	v58 =	vld.idx.msk [tilespmem:v31+s17+$0x0], $0xffff  }
0xec: {  	v34 =	vmul.f32 v34, v3;
	v61 =	vshll.u32 v30, $0x3;
	v30 =	vand.u32 $0x7F, v30;
	[tilespmem:s8+$0x300] =	vst v28;
	v44 =	vld.idx.msk [tilespmem:v24+s17+$0x0], $0xffff  }
0xed: {  	v55 =	vmul.f32 v22, v5;
	v28 =	vmul.f32 v28, v26;
	v31 =	vand.u32 $0xFFFFFC00, v13;
	v13 =	vld [tilespmem:s20+$0x1000];
	[tilespmem:s11+$0x80] =	vst v20  }
0xee: {  	v22 =	vadd.f32 v34, v35;
	v62 =	vand.u32 $0xFFFFFC00, v61;
	v41 =	vld.idx.msk [tilespmem:v41+s17+$0x0], $0xffff;
	v24 =	vor.u32 v31, v59;
	[tilespmem:s15+$0x80] =	vst v56  }
0xef: {  	v37 =	vor.u32 $0x280, v7;
	v28 =	vadd.f32 v28, v9;
	v31 =	vld.idx.msk [tilespmem:v21+s17+$0x0], $0xffff;
	[tilespmem:s10+$0x300] =	vst v18;
	v18 =	vmul.f32 v18, v4  }
0xf0: {  	v30 =	vor.u32 v62, v30;
	v22 =	vadd.f32 v55, v22;
	v27 =	vmul.f32 v54, v6;
	v34 =	vld.idx.msk [tilespmem:v42+s17+$0x0], $0xffff  }
0xf1: {  	s24 =	simm.s32 $0x300;
	v23 =	vor.u32 $0x300, v15;
	v32 =	vld.idx.msk [tilespmem:v57+s17+$0x0], $0xffff;
	[tilespmem:s9+$0x200] =	vst v58;
	v63 =	vmul.f32 v58, v3;
	v21 =	vadd.f32 v18, v28  }
0xf2: {  	s30 =	sand.u32 $0x3FFFFC00, s24;
	v36 =	vor.u32 $0x300, v30;
	v18 =	vmul.f32 v56, v2;
	[tilespmem:s7+$0x200] =	vst v44;
	v48 =	vmul.f32 v44, v5;
	v35 =	vld.idx.msk [tilespmem:v60+s17+$0x0], $0xffff  }
0xf3: {  	s4 =	simm.s32 $0x6;
	v39 =	vor.u32 $0x180, v15;
	s20 =	sadd.s32 $0x17040, s30;
	[tilespmem:s8+$0x380] =	vst v41;
	v43 =	vmul.f32 v41, v26;
	s8 =	sshll.u32 s6, $0x1;
	v26 =	vld.idx.msk [tilespmem:v24+s17+$0x0], $0xffff;
	v47 =	vadd.f32 v63, v40  }
.LBB2_7:
0xf4: {  	s4 =	sadd.s32 $0x2, s4;
	s16 =	sadd.s32 $0x20, s16;
	v25 =	vadd.f32 v27, v25;
	v20 =	vmul.f32 v20, v6;
	v27 =	vld.idx.msk [tilespmem:v37+s17+$0x0], $0xffff;
	v29 =	vadd.f32 v11, v29  }
0xf5: {  	v9 =	vadd.f32 v43, v9;
	v11 =	vmov v10;
	s13 =	sand.u32 $0x60, s16;
	s5 =	sshll.u32 s4, $0x4;
	s14 =	sshll.u32 s4, $0x7;
	v33 =	vld.idx.msk [tilespmem:v30+s17+$0x0], $0xffff;
	[tilespmem:s11+$0x100] =	vst v31;
	v28 =	vadd.f32 v48, v47  }
0xf6: {  	v31 =	vmul.f32 v31, v6;
	s5 =	sand.u32 $0xFFFFFF80, s5;
	s14 =	sand.u32 $0x3FFFFC00, s14;
	s30 =	sor.u32 $0x10, s13;
	v37 =	vld.idx.msk [tilespmem:v38+s17+$0x0], $0xffff;
	[tilespmem:s10+$0x380] =	vst v32;
	v32 =	vmul.f32 v32, v4;
	v10 =	vmov v20  }
0xf7: {  	v20 =	vor.u32 $0x80, v24;
	v38 =	vor.u32 $0x300, v7;
	v4 =	vmovc v5;
	v5 =	vmovc v6;
	s24 =	sor.u32 s13, s5;
	s14 =	sadd.s32 $0x17040, s14;
	[tilespmem:s15+$0x100] =	vst v34;
	v34 =	vmul.f32 v34, v2;
	v6 =	vld [tilespmem:s19+$0x1000];
	s19 =	sor.u32 s5, s30  }
0xf8: {  	v40 =	vmov v3;
	p1 =	slt.u32 s4, $0x7E;
	s10 =	smov.u32 s7;
	s7 =	smov.u32 s11;
	v39 =	vld.idx.msk [tilespmem:v39+s17+$0x0], $0xffff;
	[tilespmem:s9+$0x280] =	vst v35;
	v35 =	vmul.f32 v35, v3;
	v9 =	vadd.f32 v32, v9  }
0xf9: {  	s11 =	sadd.s32 s28, s20;
	s28 =	smov.u32 s30;
	v32 =	vor.u32 $0x80, v30;
	v3 =	vmovc v2;
	v2 =	vmovc v13;
	v17 =	vadd.f32 v34, v17;
	v34 =	vld.idx.msk [tilespmem:v16+s17+$0x0], $0xffff;
	v16 =	vmov v23  }
0xfa: {  	v13 =	vor.u32 $0x200, v15;
	v23 =	vmovc v36;
	v41 =	vld [tilespmem:s24+$0x0];
	[tilespmem:s11+$0x0] =	vst v26;
	v19 =	vadd.f32 v35, v19;
	v35 =	vmul.f32 v27, v4  }
0xfb: {  	v42 =	vmul.f32 v33, v2;
	v36 =	vld [tilespmem:s19+$0x0];
	v17 =	vadd.f32 v31, v17;
	v31 =	vor.u32 $0x380, v8;
	[tilespmem:s10+$0x280] =	vst v27;
	v8 =	vmovc v15  }
0xfc: {  	v44 =	vor.u32 $0x200, v14;
	s5 =	sadd.s32 s3, s20;
	s3 =	smov.u32 s13;
	s20 =	smov.u32 s14;
	v43 =	vmul.f32 v37, v5;
	v20 =	vld.idx.msk [tilespmem:v20+s17+$0x0], $0xffff;
	[tilespmem:s7+$0x180] =	vst v37;
	v19 =	vadd.f32 v35, v19  }
0xfd: {  	v15 =	vmov v30;
	v25 =	vadd.f32 v42, v25;
	v27 =	vmul.f32 v26, v6;
	[tilespmem:s5+$0x0] =	vst v33;
	v26 =	vld.idx.msk [tilespmem:v38+s17+$0x0], $0xffff  }
0xfe: {  	v30 =	vor.u32 $0x100, v24;
	v35 =	vor.u32 $0x380, v7;
	v7 =	vmovc v14;
	v33 =	vld.idx.msk [tilespmem:v32+s17+$0x0], $0xffff;
	[tilespmem:s15+$0x180] =	vst v39;
	v32 =	vmul.f32 v39, v3  }
0xff: {  	v29 =	vadd.f32 v12, v29;
	v37 =	vor.u32 $0x280, v7;
	v39 =	vld.idx.msk [tilespmem:v13+s17+$0x0], $0xffff;
	[tilespmem:s9+$0x300] =	vst v34;
	v34 =	vmul.f32 v34, v40  }
0x100: {  	v12 =	vmovc v18;
	v14 =	vmovc v24;
	v38 =	vor.u32 $0x100, v15;
	v13 =	vshll.u32 v36, $0x3;
	v22 =	vadd.f32 v32, v22;
	v42 =	vld.idx.msk [tilespmem:v31+s17+$0x0], $0xffff  }
0x101: {  	v45 =	vor.u32 $0x280, v8;
	v24 =	vand.u32 $0x7F, v36;
	v18 =	vand.u32 $0xFFFFFC00, v13;
	v44 =	vld.idx.msk [tilespmem:v44+s17+$0x0], $0xffff  }
0x102: {  	v31 =	vshll.u32 v41, $0x3;
	v13 =	vld [tilespmem:s24+$0x1000];
	v24 =	vor.u32 v18, v24;
	[tilespmem:s11+$0x80] =	vst v20;
	v18 =	vadd.f32 v34, v21  }
.Ltmp2:
0x103: {  	v32 =	vand.u32 $0x7F, v41;
	v21 =	vand.u32 $0xFFFFFC00, v31;
	v31 =	vld.idx.msk [tilespmem:v30+s17+$0x0], $0xffff;
	[tilespmem:s10+$0x300] =	vst v26;
	v26 =	vmul.f32 v26, v4;
	(pc) =	sbr.rel @p1 .LBB2_7-.Ltmp2, $4  }
0x104: {  	v22 =	vadd.f32 v43, v22;
	v30 =	vor.u32 v21, v32;
	[tilespmem:s5+$0x80] =	vst v33;
	v32 =	vld.idx.msk [tilespmem:v35+s17+$0x0], $0xffff  }
0x105: {  	v41 =	vmul.f32 v39, v3;
	v34 =	vld.idx.msk [tilespmem:v38+s17+$0x0], $0xffff;
	v38 =	vor.u32 $0x180, v14;
	[tilespmem:s15+$0x200] =	vst v39;
	v21 =	vadd.f32 v26, v18  }
0x106: {  	v36 =	vor.u32 $0x300, v30;
	v18 =	vmul.f32 v33, v2;
	v43 =	vmul.f32 v42, v40;
	v35 =	vld.idx.msk [tilespmem:v45+s17+$0x0], $0xffff;
	[tilespmem:s9+$0x380] =	vst v42;
	s9 =	smov.u32 s15;
	s15 =	smov.u32 s5  }
0x107: {  	v39 =	vor.u32 $0x180, v15;
	v47 =	vadd.f32 v41, v28;
	v48 =	vmul.f32 v44, v5;
	v26 =	vld.idx.msk [tilespmem:v24+s17+$0x0], $0xffff;
	[tilespmem:s7+$0x200] =	vst v44  }
0x108: {  	_ =	sdelay $0x3  }
0x109: {  	v49 =	vld.idx.msk [tilespmem:v30+s17+$0x0], $0xffff  }
0x10a: {  	v33 =	vor.u32 $0x80, v30  }
0x10b: {  	v41 =	vor.u32 $0x80, v24;
	_ =	sdelay $0x1  }
0x10c: {  	s4 =	sadd.s32 s3, s20  }
0x10d: {  	v28 =	vld [tilespmem:s19+$0x1000];
	s5 =	sadd.s32 s28, s20;
	[tilespmem:s4+$0x0] =	vst v49  }
0x10e: {  	[tilespmem:s5+$0x0] =	vst v26;
	v40 =	vld.idx.msk [tilespmem:v33+s17+$0x0], $0xffff  }
0x10f: {  	v55 =	vor.u32 $0x100, v30;
	v33 =	vld.idx.msk [tilespmem:v41+s17+$0x0], $0xffff  }
0x110: {  	v42 =	vor.u32 $0x100, v24;
	_ =	sdelay $0x2  }
0x111: {  	[tilespmem:s4+$0x80] =	vst v40  }
0x112: {  	[tilespmem:s5+$0x80] =	vst v33;
	v46 =	vld.idx.msk [tilespmem:v55+s17+$0x0], $0xffff  }
0x113: {  	v56 =	vor.u32 $0x180, v30;
	v44 =	vld.idx.msk [tilespmem:v42+s17+$0x0], $0xffff  }
0x114: {  	v57 =	vor.u32 $0x180, v24;
	[tilespmem:s11+$0x100] =	vst v31  }
0x115: {  	v51 =	vld.idx.msk [tilespmem:v38+s17+$0x0], $0xffff;
	[tilespmem:s15+$0x100] =	vst v34  }
0x116: {  	v59 =	vor.u32 $0x200, v14;
	v50 =	vld.idx.msk [tilespmem:v39+s17+$0x0], $0xffff  }
0x117: {  	v58 =	vor.u32 $0x200, v15;
	[tilespmem:s4+$0x100] =	vst v46  }
0x118: {  	[tilespmem:s5+$0x100] =	vst v44;
	v45 =	vld.idx.msk [tilespmem:v56+s17+$0x0], $0xffff  }
0x119: {  	v60 =	vor.u32 $0x200, v30;
	v41 =	vld.idx.msk [tilespmem:v57+s17+$0x0], $0xffff  }
0x11a: {  	v52 =	vor.u32 $0x200, v24;
	[tilespmem:s11+$0x180] =	vst v51  }
0x11b: {  	[tilespmem:s15+$0x180] =	vst v50;
	v55 =	vld.idx.msk [tilespmem:v59+s17+$0x0], $0xffff  }
0x11c: {  	v61 =	vor.u32 $0x280, v14;
	v53 =	vld.idx.msk [tilespmem:v58+s17+$0x0], $0xffff  }
0x11d: {  	v54 =	vor.u32 $0x280, v15;
	v57 =	vld.idx.msk [tilespmem:v37+s17+$0x0], $0xffff;
	[tilespmem:s4+$0x180] =	vst v45  }
0x11e: {  	v58 =	vor.u32 $0x300, v7;
	[tilespmem:s5+$0x180] =	vst v41;
	v42 =	vld.idx.msk [tilespmem:v60+s17+$0x0], $0xffff  }
0x11f: {  	v56 =	vor.u32 $0x280, v30;
	v38 =	vld.idx.msk [tilespmem:v52+s17+$0x0], $0xffff  }
0x120: {  	[tilespmem:s11+$0x200] =	vst v55;
	v52 =	vor.u32 $0x280, v24  }
0x121: {  	[tilespmem:s15+$0x200] =	vst v53;
	v59 =	vld.idx.msk [tilespmem:v61+s17+$0x0], $0xffff  }
0x122: {  	v54 =	vld.idx.msk [tilespmem:v54+s17+$0x0], $0xffff;
	[tilespmem:s7+$0x280] =	vst v57;
	v60 =	vor.u32 $0x300, v14  }
0x123: {  	v58 =	vld.idx.msk [tilespmem:v58+s17+$0x0], $0xffff;
	[tilespmem:s4+$0x200] =	vst v42  }
0x124: {  	[tilespmem:s5+$0x200] =	vst v38;
	v39 =	vld.idx.msk [tilespmem:v56+s17+$0x0], $0xffff  }
0x125: {  	[tilespmem:s9+$0x280] =	vst v35;
	v37 =	vld.idx.msk [tilespmem:v52+s17+$0x0], $0xffff  }
0x126: {  	[tilespmem:s11+$0x280] =	vst v59;
	v52 =	vld.idx.msk [tilespmem:v16+s17+$0x0], $0xffff;
	v16 =	vor.u32 $0x300, v24  }
0x127: {  	[tilespmem:s10+$0x380] =	vst v32;
	v7 =	vor.u32 $0x380, v7;
	v60 =	vld.idx.msk [tilespmem:v60+s17+$0x0], $0xffff  }
0x128: {  	[tilespmem:s15+$0x280] =	vst v54;
	v14 =	vor.u32 $0x380, v14  }
0x129: {  	v61 =	vld.idx.msk [tilespmem:v23+s17+$0x0], $0xffff;
	v56 =	vor.u32 $0x380, v8;
	[tilespmem:s4+$0x280] =	vst v39  }
0x12a: {  	v23 =	vor.u32 $0x380, v15;
	[tilespmem:s5+$0x280] =	vst v37;
	v15 =	vld.idx.msk [tilespmem:v36+s17+$0x0], $0xffff  }
0x12b: {  	v30 =	vor.u32 $0x380, v30;
	[tilespmem:s7+$0x300] =	vst v58;
	v8 =	vld.idx.msk [tilespmem:v16+s17+$0x0], $0xffff  }
0x12c: {  	v7 =	vld.idx.msk [tilespmem:v7+s17+$0x0], $0xffff;
	[tilespmem:s11+$0x300] =	vst v60;
	v16 =	vor.u32 $0x380, v24  }
0x12d: {  	[tilespmem:s9+$0x300] =	vst v52;
	v63 =	vld.idx.msk [tilespmem:v14+s17+$0x0], $0xffff  }
0x12e: {  	[tilespmem:s15+$0x300] =	vst v61;
	v62 =	vld.idx.msk [tilespmem:v56+s17+$0x0], $0xffff  }
0x12f: {  	v24 =	vld.idx.msk [tilespmem:v23+s17+$0x0], $0xffff;
	[tilespmem:s4+$0x300] =	vst v15  }
0x130: {  	[tilespmem:s5+$0x300] =	vst v8;
	v23 =	vld.idx.msk [tilespmem:v30+s17+$0x0], $0xffff  }
0x131: {  	[tilespmem:s7+$0x380] =	vst v7;
	v16 =	vld.idx.msk [tilespmem:v16+s17+$0x0], $0xffff  }
0x132: {  	[tilespmem:s11+$0x380] =	vst v63  }
0x133: {  	[tilespmem:s9+$0x380] =	vst v62  }
0x134: {  	[tilespmem:s15+$0x380] =	vst v24  }
0x135: {  	s7 =	sshll.u32 s6, $0xD;
	[tilespmem:s4+$0x380] =	vst v23  }
0x136: {  	s3 =	simm.s32 @!p0 $0x4;
	v11 =	vadd.f32 v11, v29;
	s9 =	sadd.s32 s7, s12;
	[tilespmem:s5+$0x380] =	vst v16  }
0x137: {  	[hbm4b:s9+s2] =	stream.linear.scatter [tilespmem:s29], [sflag:$0x3], $0x4000, $0x38;
	[tilespmem:$0x1F040] =	vst v63  }
0x138: {  	v9 =	vadd.f32 v43, v9;
	v12 =	vadd.f32 v12, v11;
	v29 =	vmul.f32 v35, v3;
	_ =	swait.ge @!p0 [sflag:s3], $0x4000  }
0x139: {  	v4 =	vmul.f32 v32, v4;
	v14 =	vadd.f32 v27, v25;
	v25 =	vmul.f32 v34, v2;
	[sflag:s3] =	ssyncset.done @!p0 $0x0  }
0x13a: {  	s10 =	simm.s32 $0x810;
	v12 =	vadd.f32 v10, v12;
	v19 =	vadd.f32 v29, v19;
	v29 =	vmul.f32 v57, v5;
	[sflag:s3] =	ssyncadd.s32 @!p0 $0xFFFFC000  }
0x13b: {  	v4 =	vadd.f32 v4, v9;
	v17 =	vadd.f32 v25, v17;
	v30 =	vmul.f32 v31, v6;
	v25 =	vld [tilespmem:s10+$0xFFFFFFF0]  }
0x13c: {  	v12 =	vadd.f32 v18, v12;
	v19 =	vadd.f32 v29, v19;
	v31 =	vmul.f32 v49, v13  }
0x13d: {  	v27 =	vadd.f32 v48, v47;
	v9 =	vadd.f32 v30, v17;
	v17 =	vmul.f32 v50, v2  }
0x13e: {  	v29 =	vadd.f32 v31, v14;
	v14 =	vmul.f32 v52, v3;
	v31 =	vmul.f32 v53, v2  }
0x13f: {  	v3 =	vmul.f32 v62, v3;
	v11 =	vadd.f32 v17, v22;
	v17 =	vmul.f32 v51, v6;
	v30 =	vld [tilespmem:s10+$0x0]  }
0x140: {  	v14 =	vadd.f32 v14, v21;
	v21 =	vmul.f32 v58, v5;
	v22 =	vshll.u32 v25, $0x3  }
0x141: {  	v3 =	vadd.f32 v3, v4;
	v25 =	vand.u32 $0x7F, v25;
	v22 =	vand.u32 $0xFFFFFC00, v22  }
0x142: {  	v4 =	vmul.f32 v7, v5;
	v21 =	vadd.f32 v21, v14;
	v14 =	vor.u32 v22, v25  }
0x143: {  	v5 =	vmul.f32 v46, v13;
	v7 =	vmul.f32 v54, v2;
	v17 =	vadd.f32 v17, v11  }
0x144: {  	v11 =	vmul.f32 v26, v28;
	v26 =	vmul.f32 v55, v6;
	v25 =	vshll.u32 v30, $0x3  }
0x145: {  	v22 =	vadd.f32 v31, v27;
	v27 =	vand.u32 $0x7F, v30;
	v25 =	vand.u32 $0xFFFFFC00, v25  }
0x146: {  	v3 =	vadd.f32 v4, v3;
	v29 =	vadd.f32 v11, v29;
	v11 =	vor.u32 v25, v27  }
0x147: {  	v20 =	vmul.f32 v20, v6;
	v4 =	vadd.f32 v5, v9;
	v5 =	vadd.f32 v7, v19;
	v25 =	vld.idx.msk [tilespmem:v14+s17+$0x0], $0xffff  }
0x148: {  	v7 =	vmul.f32 v59, v6;
	v22 =	vadd.f32 v26, v22;
	v26 =	vor.u32 $0x80, v14  }
0x149: {  	s14 =	simm.s32 $0x830;
	v12 =	vadd.f32 v20, v12;
	s11 =	simm.s32 $0x0;
	v19 =	vmul.f32 v45, v13  }
0x14a: {  	v18 =	vmul.f32 v42, v13;
	s5 =	sand.u32 $0x60, s11;
	v5 =	vadd.f32 v7, v5;
	s3 =	sand.u32 $0x3C00, s11;
	v7 =	vld [tilespmem:s14+$0xFFFFFFF0];
	v30 =	vmul.f32 v44, v28  }
0x14b: {  	s13 =	simm.s32 $0x1810;
	v17 =	vadd.f32 v19, v17;
	s3 =	sor.u32 s5, s3;
	v31 =	vmul.f32 v61, v2;
	v2 =	vmul.f32 v24, v2;
	v9 =	vld.idx.msk [tilespmem:v11+s17+$0x0], $0xffff  }
0x14c: {  	v10 =	vld [tilespmem:s13+$0xFFFFFFF0];
	v27 =	vmul.f32 v40, v13;
	v30 =	vadd.f32 v30, v4;
	v40 =	vor.u32 $0x80, v11;
	[tilespmem:s3+$0x1B040] =	vst v25  }
0x14d: {  	v4 =	vmul.f32 v41, v28;
	v21 =	vadd.f32 v31, v21;
	v31 =	vmul.f32 v60, v6;
	v26 =	vld.idx.msk [tilespmem:v26+s17+$0x0], $0xffff  }
0x14e: {  	v43 =	vmul.f32 v39, v13;
	v42 =	vor.u32 $0x100, v14;
	v2 =	vadd.f32 v2, v3  }
0x14f: {  	v17 =	vadd.f32 v4, v17;
	v4 =	vadd.f32 v31, v21;
	v21 =	vld [tilespmem:s14+$0x0];
	v31 =	vshll.u32 v7, $0x3;
	s3 =	sadd.s32 $0x1B040, s3  }
0x150: {  	v19 =	vld [tilespmem:s13+$0x0];
	v3 =	vmul.f32 v63, v6;
	v7 =	vand.u32 $0x7F, v7;
	v31 =	vand.u32 $0xFFFFFC00, v31;
	[tilespmem:s3+$0x10] =	vst v9  }
0x151: {  	v15 =	vmul.f32 v15, v13;
	v8 =	vmul.f32 v8, v28;
	v7 =	vor.u32 v31, v7;
	v24 =	vld.idx.msk [tilespmem:v40+s17+$0x0], $0xffff  }
0x152: {  	v13 =	vmul.f32 v23, v13;
	v20 =	vor.u32 $0x100, v11;
	v3 =	vadd.f32 v3, v2;
	[tilespmem:s3+$0x80] =	vst v26  }
0x153: {  	v45 =	vmul.f32 v37, v28;
	v44 =	vor.u32 $0x180, v14;
	v15 =	vadd.f32 v15, v4;
	v6 =	vld.idx.msk [tilespmem:v42+s17+$0x0], $0xffff  }
0x154: {  	s20 =	simm.s32 $0x850;
	v31 =	vadd.f32 v43, v5;
	v3 =	vadd.f32 v13, v3;
	v5 =	vshll.u32 v21, $0x3  }
0x155: {  	v47 =	vld [tilespmem:s20+$0x0];
	v13 =	vadd.f32 v8, v15;
	v21 =	vand.u32 $0x7F, v21;
	v5 =	vand.u32 $0xFFFFFC00, v5  }
0x156: {  	v8 =	vmul.f32 v25, v10;
	v5 =	vor.u32 v5, v21;
	v23 =	vld.idx.msk [tilespmem:v7+s17+$0x0], $0xffff;
	[tilespmem:s3+$0x90] =	vst v24  }
0x157: {  	v33 =	vmul.f32 v33, v28;
	v18 =	vadd.f32 v18, v22;
	v20 =	vld.idx.msk [tilespmem:v20+s17+$0x0], $0xffff  }
0x158: {  	v21 =	vadd.f32 v45, v31;
	v31 =	vor.u32 $0x180, v11;
	v8 =	vadd.f32 v8, v29;
	v29 =	vld [tilespmem:s20+$0xFFFFFFF0];
	[tilespmem:s3+$0x100] =	vst v6  }
0x159: {  	s15 =	simm.s32 $0x1830;
	v22 =	vmul.f32 v38, v28;
	v12 =	vadd.f32 v27, v12;
	v46 =	vor.u32 $0x80, v7;
	v27 =	vld.idx.msk [tilespmem:v44+s17+$0x0], $0xffff  }
0x15a: {  	s16 =	simm.s32 $0x20;
	s19 =	simm.s32 $0x100;
	v16 =	vmul.f32 v16, v28;
	v28 =	vor.u32 $0x200, v14;
	v4 =	vld [tilespmem:s15+$0xFFFFFFF0]  }
0x15b: {  	s28 =	simm.s32 $0x870;
	s4 =	sand.u32 $0x60, s16;
	s5 =	sand.u32 $0x3C00, s19;
	v18 =	vadd.f32 v22, v18;
	v12 =	vadd.f32 v33, v12;
	v9 =	vmul.f32 v9, v19;
	v15 =	vld.idx.msk [tilespmem:v5+s17+$0x0], $0xffff  }
0x15c: {  	v51 =	vld [tilespmem:s28+$0x0];
	s4 =	sor.u32 s4, s5;
	v22 =	vadd.f32 v16, v3;
	v3 =	vor.u32 $0x80, v5;
	v6 =	vmul.f32 v6, v10;
	[tilespmem:s3+$0x110] =	vst v20  }
0x15d: {  	v8 =	vadd.f32 v9, v8;
	v25 =	vmul.f32 v26, v10;
	v26 =	vor.u32 $0x200, v11;
	[tilespmem:s4+$0x1B040] =	vst v23;
	v16 =	vld.idx.msk [tilespmem:v31+s17+$0x0], $0xffff  }
0x15e: {  	v48 =	vshll.u32 v29, $0x3;
	v6 =	vadd.f32 v6, v30;
	v20 =	vmul.f32 v20, v19;
	v31 =	vld.idx.msk [tilespmem:v46+s17+$0x0], $0xffff;
	[tilespmem:s3+$0x180] =	vst v27  }
0x15f: {  	s10 =	sadd.s32 $0x1B040, s4;
	v12 =	vadd.f32 v25, v12;
	v24 =	vmul.f32 v24, v19;
	v25 =	vld.idx.msk [tilespmem:v28+s17+$0x0], $0xffff;
	v28 =	vor.u32 $0x100, v7  }
0x160: {  	v2 =	vld [tilespmem:s15+$0x0];
	[tilespmem:s10+$0x10] =	vst v15;
	v30 =	vor.u32 $0x280, v14;
	v20 =	vadd.f32 v20, v6;
	v6 =	vmul.f32 v23, v4  }
0x161: {  	s24 =	simm.s32 $0x1850;
	v12 =	vadd.f32 v24, v12;
	v24 =	vld.idx.msk [tilespmem:v3+s17+$0x0], $0xffff;
	v23 =	vor.u32 $0x100, v5;
	v9 =	vmul.f32 v27, v10  }
0x162: {  	v3 =	vld [tilespmem:s24+$0x0];
	v49 =	vadd.f32 v6, v8;
	v6 =	vand.u32 $0xFFFFFC00, v48;
	v8 =	vand.u32 $0x7F, v29;
	[tilespmem:s3+$0x190] =	vst v16  }
0x163: {  	[tilespmem:s10+$0x80] =	vst v31;
	v17 =	vadd.f32 v9, v17;
	v9 =	vor.u32 v6, v8;
	v26 =	vld.idx.msk [tilespmem:v26+s17+$0x0], $0xffff  }
0x164: {  	v32 =	vand.u32 $0x7F, v47;
	v27 =	vor.u32 $0x280, v11;
	v28 =	vld.idx.msk [tilespmem:v28+s17+$0x0], $0xffff;
	[tilespmem:s3+$0x200] =	vst v25  }
0x165: {  	v50 =	vor.u32 $0x300, v14;
	v8 =	vshll.u32 v47, $0x3;
	v29 =	vld.idx.msk [tilespmem:v30+s17+$0x0], $0xffff;
	v30 =	vor.u32 $0x180, v7  }
0x166: {  	[tilespmem:s10+$0x90] =	vst v24;
	v16 =	vmul.f32 v16, v19;
	v6 =	vld [tilespmem:s24+$0xFFFFFFF0];
	v8 =	vand.u32 $0xFFFFFC00, v8;
	v25 =	vmul.f32 v25, v10  }
0x167: {  	v52 =	vor.u32 $0x300, v11;
	v59 =	vor.u32 $0x280, v7;
	v23 =	vld.idx.msk [tilespmem:v23+s17+$0x0], $0xffff;
	v8 =	vor.u32 v8, v32  }
0x168: {  	v17 =	vadd.f32 v16, v17;
	v16 =	vor.u32 $0x180, v5;
	[tilespmem:s3+$0x210] =	vst v26;
	v18 =	vadd.f32 v25, v18;
	v25 =	vld.idx.msk [tilespmem:v9+s17+$0x0], $0xffff  }
0x169: {  	v61 =	vor.u32 $0x280, v5;
	v31 =	vmul.f32 v31, v4;
	v26 =	vmul.f32 v26, v19;
	v27 =	vld.idx.msk [tilespmem:v27+s17+$0x0], $0xffff;
	[tilespmem:s10+$0x100] =	vst v28  }
0x16a: {  	v15 =	vmul.f32 v15, v2;
	v53 =	vor.u32 $0x80, v9;
	v28 =	vmul.f32 v28, v4;
	v30 =	vld.idx.msk [tilespmem:v30+s17+$0x0], $0xffff;
	[tilespmem:s3+$0x280] =	vst v29  }
0x16b: {  	s16 =	simm.s32 $0x200;
	s15 =	simm.s32 $0x40;
	v24 =	vmul.f32 v24, v2;
	v31 =	vadd.f32 v31, v12;
	v54 =	vadd.f32 v26, v18;
	v33 =	vld.idx.msk [tilespmem:v50+s17+$0x0], $0xffff  }
0x16c: {  	s30 =	sand.u32 $0x3C00, s16;
	s29 =	sand.u32 $0x60, s15;
	[tilespmem:s10+$0x110] =	vst v23;
	v26 =	vor.u32 $0x200, v7;
	v29 =	vmul.f32 v29, v10;
	v18 =	vadd.f32 v28, v20;
	v20 =	vld.idx.msk [tilespmem:v8+s17+$0x0], $0xffff  }
0x16d: {  	s5 =	sor.u32 s29, s30;
	v31 =	vadd.f32 v24, v31;
	v24 =	vor.u32 $0x380, v14;
	v23 =	vmul.f32 v23, v2;
	v28 =	vld.idx.msk [tilespmem:v16+s17+$0x0], $0xffff  }
0x16e: {  	v15 =	vadd.f32 v15, v49;
	v55 =	vor.u32 $0x80, v8;
	[tilespmem:s5+$0x1B040] =	vst v25;
	v14 =	vadd.f32 v29, v21;
	v29 =	vld [tilespmem:s28+$0xFFFFFFF0]  }
0x16f: {  	[tilespmem:s3+$0x290] =	vst v27;
	v21 =	vmul.f32 v27, v19;
	v56 =	vld.idx.msk [tilespmem:v53+s17+$0x0], $0xffff;
	v16 =	vadd.f32 v23, v18;
	v18 =	vor.u32 $0x200, v5  }
0x170: {  	v57 =	vor.u32 $0x100, v9;
	v12 =	vor.u32 $0x300, v5;
	v27 =	vld.idx.msk [tilespmem:v52+s17+$0x0], $0xffff;
	v23 =	vmul.f32 v25, v6;
	[tilespmem:s10+$0x180] =	vst v30  }
0x171: {  	s11 =	sadd.s32 $0x1B040, s5;
	v32 =	vand.u32 $0x7F, v51;
	v14 =	vadd.f32 v21, v14;
	v21 =	vor.u32 $0x380, v11;
	v26 =	vld.idx.msk [tilespmem:v26+s17+$0x0], $0xffff;
	[tilespmem:s3+$0x300] =	vst v33  }
0x172: {  	v60 =	vor.u32 $0x100, v8;
	v25 =	vmul.f32 v30, v4;
	v15 =	vadd.f32 v23, v15;
	[tilespmem:s11+$0x10] =	vst v20;
	v58 =	vld.idx.msk [tilespmem:v24+s17+$0x0], $0xffff  }
0x173: {  	v11 =	vor.u32 $0x300, v8;
	v30 =	vmul.f32 v33, v10;
	v20 =	vmul.f32 v20, v3;
	[tilespmem:s10+$0x190] =	vst v28;
	v23 =	vld.idx.msk [tilespmem:v55+s17+$0x0], $0xffff  }
0x174: {  	s4 =	simm.s32 $0x1870;
	v28 =	vmul.f32 v28, v2;
	v17 =	vadd.f32 v25, v17;
	v25 =	vor.u32 $0x180, v9;
	v24 =	vld.idx.msk [tilespmem:v18+s17+$0x0], $0xffff  }
0x175: {  	v30 =	vadd.f32 v30, v13;
	v15 =	vadd.f32 v20, v15;
	[tilespmem:s3+$0x310] =	vst v27;
	v18 =	vmul.f32 v27, v19;
	v13 =	vld [tilespmem:s4+$0x0]  }
0x176: {  	[tilespmem:s11+$0x80] =	vst v56;
	v20 =	vshll.u32 v29, $0x3;
	v17 =	vadd.f32 v28, v17;
	v62 =	vld.idx.msk [tilespmem:v21+s17+$0x0], $0xffff;
	v21 =	vmul.f32 v56, v6  }
0x177: {  	v27 =	vld.idx.msk [tilespmem:v57+s17+$0x0], $0xffff;
	v20 =	vand.u32 $0xFFFFFC00, v20;
	v28 =	vand.u32 $0x7F, v29;
	v18 =	vadd.f32 v18, v30;
	[tilespmem:s10+$0x200] =	vst v26  }
0x178: {  	v20 =	vor.u32 v20, v28;
	v30 =	vmul.f32 v26, v4;
	v26 =	vshll.u32 v51, $0x3;
	v28 =	vld.idx.msk [tilespmem:v59+s17+$0x0], $0xffff;
	[tilespmem:s3+$0x380] =	vst v58  }
0x179: {  	v63 =	vmul.f32 v58, v10;
	v10 =	vld [tilespmem:s4+$0xFFFFFFF0];
	v29 =	vand.u32 $0xFFFFFC00, v26;
	v26 =	vadd.f32 v21, v31;
	[tilespmem:s11+$0x90] =	vst v23  }
0x17a: {  	v31 =	vor.u32 $0x300, v7;
	v21 =	vor.u32 v29, v32;
	v29 =	vld.idx.msk [tilespmem:v60+s17+$0x0], $0xffff;
	[tilespmem:s10+$0x210] =	vst v24;
	v30 =	vadd.f32 v30, v54  }
0x17b: {  	s19 =	simm.s32 $0x6;
	s20 =	simm.s32 $0x890;
	v32 =	vor.u32 $0x180, v8;
	v33 =	vadd.f32 v63, v22;
	v22 =	vld.idx.msk [tilespmem:v61+s17+$0x0], $0xffff;
	[tilespmem:s3+$0x390] =	vst v62;
	v19 =	vmul.f32 v62, v19  }
.LBB2_9:
0x17c: {  	v34 =	vld [tilespmem:s20+$0x0];
	s19 =	sadd.s32 $0x2, s19;
	v35 =	vor.u32 $0x300, v21;
	v23 =	vmul.f32 v23, v3;
	v24 =	vmul.f32 v24, v2;
	v36 =	vmovc v2;
	v2 =	vmovc v3  }
0x17d: {  	v3 =	vmov v13;
	p0 =	slt.u32 s19, $0x7E;
	v37 =	vld.idx.msk [tilespmem:v20+s17+$0x0], $0xffff;
	[tilespmem:s11+$0x100] =	vst v27;
	v27 =	vmul.f32 v27, v6;
	v19 =	vadd.f32 v19, v33  }
0x17e: {  	v13 =	vld.idx.msk [tilespmem:v25+s17+$0x0], $0xffff;
	[tilespmem:s10+$0x280] =	vst v28;
	v25 =	vmul.f32 v28, v4;
	v30 =	vadd.f32 v24, v30  }
0x17f: {  	v24 =	vor.u32 $0x80, v20;
	v26 =	vadd.f32 v23, v26;
	v16 =	vadd.f32 v27, v16;
	v23 =	vld.idx.msk [tilespmem:v31+s17+$0x0], $0xffff  }
0x180: {  	s15 =	sadd.s32 $0x20, s15;
	s16 =	sadd.s32 $0x100, s16;
	v28 =	vor.u32 $0x200, v9;
	v31 =	vor.u32 $0x380, v7;
	v7 =	vmovc v9;
	v27 =	vld.idx.msk [tilespmem:v21+s17+$0x0], $0xffff;
	[tilespmem:s11+$0x110] =	vst v29;
	v29 =	vmul.f32 v29, v2  }
0x181: {  	s3 =	sand.u32 $0x60, s15;
	s5 =	sand.u32 $0x3C00, s16;
	v33 =	vor.u32 $0x80, v21;
	v14 =	vadd.f32 v25, v14;
	v32 =	vld.idx.msk [tilespmem:v32+s17+$0x0], $0xffff;
	[tilespmem:s10+$0x290] =	vst v22;
	v22 =	vmul.f32 v22, v36  }
0x182: {  	s3 =	sor.u32 s3, s5;
	v9 =	vmovc v20;
	v25 =	vor.u32 $0x200, v8;
	v16 =	vadd.f32 v29, v16;
	v29 =	vld.idx.msk [tilespmem:v12+s17+$0x0], $0xffff;
	v12 =	vmovc v11;
	v11 =	vmov v35  }
0x183: {  	v35 =	vmul.f32 v37, v10;
	v20 =	vld [tilespmem:s20+$0xFFFFFFF0];
	[tilespmem:s3+$0x1B040] =	vst v37;
	v14 =	vadd.f32 v22, v14;
	v22 =	vor.u32 $0x380, v5;
	v5 =	vmovc v8  }
0x184: {  	s3 =	sadd.s32 $0x1B040, s3;
	v8 =	vmov v21;
	v37 =	vld.idx.msk [tilespmem:v24+s17+$0x0], $0xffff;
	[tilespmem:s11+$0x180] =	vst v13;
	v13 =	vmul.f32 v13, v6  }
0x185: {  	v15 =	vadd.f32 v35, v15;
	v24 =	vmul.f32 v23, v4;
	v21 =	vld.idx.msk [tilespmem:v28+s17+$0x0], $0xffff;
	[tilespmem:s10+$0x300] =	vst v23  }
0x186: {  	v28 =	vor.u32 $0x100, v9;
	[tilespmem:s3+$0x10] =	vst v27;
	v27 =	vmul.f32 v27, v3;
	v13 =	vadd.f32 v13, v17;
	v31 =	vld.idx.msk [tilespmem:v31+s17+$0x0], $0xffff  }
0x187: {  	v17 =	vmul.f32 v32, v2;
	v18 =	vadd.f32 v24, v18;
	v23 =	vld.idx.msk [tilespmem:v33+s17+$0x0], $0xffff;
	v33 =	vor.u32 $0x280, v7;
	[tilespmem:s11+$0x190] =	vst v32  }
0x188: {  	v32 =	vor.u32 $0x100, v8;
	v15 =	vadd.f32 v27, v15;
	v24 =	vld.idx.msk [tilespmem:v25+s17+$0x0], $0xffff;
	[tilespmem:s10+$0x310] =	vst v29;
	v27 =	vmul.f32 v29, v36  }
0x189: {  	s4 =	sadd.s32 $0x20, s4;
	v35 =	vor.u32 $0x280, v5;
	v25 =	vor.u32 $0x180, v9;
	v17 =	vadd.f32 v17, v13;
	v38 =	vld.idx.msk [tilespmem:v22+s17+$0x0], $0xffff  }
0x18a: {  	v22 =	vshll.u32 v20, $0x3;
	v29 =	vmul.f32 v37, v10;
	v13 =	vld [tilespmem:s4+$0x0];
	[tilespmem:s3+$0x80] =	vst v37;
	v18 =	vadd.f32 v27, v18  }
.Ltmp3:
0x18b: {  	v20 =	vand.u32 $0x7F, v20;
	v22 =	vand.u32 $0xFFFFFC00, v22;
	v37 =	vmul.f32 v21, v6;
	v27 =	vld.idx.msk [tilespmem:v28+s17+$0x0], $0xffff;
	[tilespmem:s11+$0x200] =	vst v21;
	(pc) =	sbr.rel @p0 .LBB2_9-.Ltmp3, $4  }
0x18c: {  	v20 =	vor.u32 v22, v20;
	v21 =	vshll.u32 v34, $0x3;
	v22 =	vmul.f32 v31, v4;
	v28 =	vld.idx.msk [tilespmem:v33+s17+$0x0], $0xffff;
	[tilespmem:s10+$0x380] =	vst v31  }
0x18d: {  	v26 =	vadd.f32 v29, v26;
	v4 =	vmovc v6;
	v6 =	vmovc v10;
	v21 =	vand.u32 $0xFFFFFC00, v21;
	v31 =	vand.u32 $0x7F, v34;
	[tilespmem:s3+$0x90] =	vst v23;
	v10 =	vld [tilespmem:s4+$0xFFFFFFF0]  }
0x18e: {  	v21 =	vor.u32 v21, v31;
	v31 =	vor.u32 $0x300, v7;
	v33 =	vadd.f32 v22, v19;
	v29 =	vld.idx.msk [tilespmem:v32+s17+$0x0], $0xffff;
	[tilespmem:s11+$0x210] =	vst v24  }
0x18f: {  	s20 =	sadd.s32 $0x20, s20;
	v30 =	vadd.f32 v37, v30;
	v32 =	vor.u32 $0x180, v8;
	v19 =	vmul.f32 v38, v36;
	v22 =	vld.idx.msk [tilespmem:v35+s17+$0x0], $0xffff;
	[tilespmem:s10+$0x390] =	vst v38;
	s10 =	smov.u32 s11;
	s11 =	smov.u32 s3  }
0x190: {  	_ =	sdelay $0x3  }
0x191: {  	v34 =	vld.idx.msk [tilespmem:v20+s17+$0x0], $0xffff  }
0x192: {  	v35 =	vor.u32 $0x80, v20  }
0x193: {  	v36 =	vld.idx.msk [tilespmem:v21+s17+$0x0], $0xffff;
	s3 =	sadd.s32 $0x20, s15;
	s4 =	sadd.s32 $0x100, s16  }
0x194: {  	v37 =	vor.u32 $0x80, v21;
	s3 =	sand.u32 $0x60, s3;
	s4 =	sand.u32 $0x3C00, s4  }
0x195: {  	s3 =	sor.u32 s3, s4  }
0x196: {  	[tilespmem:s3+$0x1B040] =	vst v34  }
0x197: {  	s3 =	sadd.s32 $0x1B040, s3;
	v35 =	vld.idx.msk [tilespmem:v35+s17+$0x0], $0xffff  }
0x198: {  	v38 =	vor.u32 $0x100, v20;
	[tilespmem:s3+$0x10] =	vst v36  }
0x199: {  	v37 =	vld.idx.msk [tilespmem:v37+s17+$0x0], $0xffff  }
0x19a: {  	v39 =	vor.u32 $0x100, v21;
	_ =	sdelay $0x1  }
0x19b: {  	[tilespmem:s3+$0x80] =	vst v35  }
0x19c: {  	[tilespmem:s11+$0x100] =	vst v27;
	v38 =	vld.idx.msk [tilespmem:v38+s17+$0x0], $0xffff  }
0x19d: {  	v40 =	vor.u32 $0x180, v20;
	v25 =	vld.idx.msk [tilespmem:v25+s17+$0x0], $0xffff;
	[tilespmem:s3+$0x90] =	vst v37  }
0x19e: {  	v41 =	vor.u32 $0x200, v9;
	[tilespmem:s11+$0x110] =	vst v29;
	v39 =	vld.idx.msk [tilespmem:v39+s17+$0x0], $0xffff  }
0x19f: {  	v42 =	vor.u32 $0x180, v21;
	v32 =	vld.idx.msk [tilespmem:v32+s17+$0x0], $0xffff  }
0x1a0: {  	v43 =	vor.u32 $0x200, v8;
	[tilespmem:s10+$0x280] =	vst v28  }
0x1a1: {  	v31 =	vld.idx.msk [tilespmem:v31+s17+$0x0], $0xffff;
	[tilespmem:s3+$0x100] =	vst v38  }
0x1a2: {  	v7 =	vor.u32 $0x380, v7;
	v24 =	vmul.f32 v24, v2;
	[tilespmem:s11+$0x180] =	vst v25;
	v40 =	vld.idx.msk [tilespmem:v40+s17+$0x0], $0xffff  }
0x1a3: {  	v44 =	vor.u32 $0x200, v20;
	v23 =	vmul.f32 v23, v3;
	v27 =	vmul.f32 v27, v6;
	v41 =	vld.idx.msk [tilespmem:v41+s17+$0x0], $0xffff;
	[tilespmem:s3+$0x110] =	vst v39  }
0x1a4: {  	v45 =	vor.u32 $0x280, v9;
	v28 =	vmul.f32 v28, v4;
	v24 =	vadd.f32 v24, v30;
	[tilespmem:s11+$0x190] =	vst v32;
	v42 =	vld.idx.msk [tilespmem:v42+s17+$0x0], $0xffff  }
0x1a5: {  	v61 =	vor.u32 $0x200, v21;
	v16 =	vadd.f32 v27, v16;
	v27 =	vmul.f32 v29, v3;
	[tilespmem:s10+$0x290] =	vst v22;
	v60 =	vld.idx.msk [tilespmem:v43+s17+$0x0], $0xffff  }
0x1a6: {  	v30 =	vor.u32 $0x280, v8;
	v23 =	vadd.f32 v23, v26;
	v14 =	vadd.f32 v28, v14;
	v12 =	vld.idx.msk [tilespmem:v12+s17+$0x0], $0xffff;
	[tilespmem:s10+$0x300] =	vst v31  }
0x1a7: {  	v22 =	vmul.f32 v22, v2;
	v16 =	vadd.f32 v27, v16;
	v7 =	vld.idx.msk [tilespmem:v7+s17+$0x0], $0xffff;
	[tilespmem:s3+$0x180] =	vst v40  }
0x1a8: {  	v5 =	vor.u32 $0x380, v5;
	v29 =	vmul.f32 v34, v10;
	v25 =	vmul.f32 v25, v6;
	[tilespmem:s11+$0x200] =	vst v41;
	v26 =	vld.idx.msk [tilespmem:v44+s17+$0x0], $0xffff  }
0x1a9: {  	v28 =	vor.u32 $0x280, v20;
	v14 =	vadd.f32 v22, v14;
	v22 =	vmul.f32 v31, v4;
	v27 =	vld.idx.msk [tilespmem:v45+s17+$0x0], $0xffff;
	[tilespmem:s3+$0x190] =	vst v42  }
0x1aa: {  	v62 =	vor.u32 $0x300, v9;
	v15 =	vadd.f32 v29, v15;
	v29 =	vmul.f32 v36, v13;
	[tilespmem:s11+$0x210] =	vst v60;
	v43 =	vld.idx.msk [tilespmem:v61+s17+$0x0], $0xffff  }
0x1ab: {  	v19 =	vadd.f32 v19, v33;
	v31 =	vor.u32 $0x280, v21;
	v17 =	vadd.f32 v25, v17;
	v30 =	vld.idx.msk [tilespmem:v30+s17+$0x0], $0xffff  }
0x1ac: {  	v25 =	vmul.f32 v32, v3;
	v18 =	vadd.f32 v22, v18;
	v15 =	vadd.f32 v29, v15;
	[tilespmem:s10+$0x310] =	vst v12  }
0x1ad: {  	v12 =	vmul.f32 v12, v2;
	v5 =	vld.idx.msk [tilespmem:v5+s17+$0x0], $0xffff;
	v29 =	vmul.f32 v35, v10;
	[tilespmem:s3+$0x200] =	vst v26  }
0x1ae: {  	v9 =	vor.u32 $0x380, v9;
	v17 =	vadd.f32 v25, v17;
	v25 =	vmul.f32 v41, v6;
	[tilespmem:s11+$0x280] =	vst v27;
	v28 =	vld.idx.msk [tilespmem:v28+s17+$0x0], $0xffff  }
0x1af: {  	v36 =	vor.u32 $0x300, v20;
	v12 =	vadd.f32 v12, v18;
	v4 =	vmul.f32 v7, v4;
	v63 =	vld.idx.msk [tilespmem:v62+s17+$0x0], $0xffff;
	[tilespmem:s3+$0x210] =	vst v43  }
0x1b0: {  	v22 =	vor.u32 $0x300, v21;
	v23 =	vadd.f32 v29, v23;
	v24 =	vadd.f32 v25, v24;
	[tilespmem:s11+$0x290] =	vst v30;
	v18 =	vld.idx.msk [tilespmem:v31+s17+$0x0], $0xffff  }
0x1b1: {  	v4 =	vadd.f32 v4, v19;
	v19 =	vmul.f32 v37, v13;
	v25 =	vmul.f32 v60, v3;
	v11 =	vld.idx.msk [tilespmem:v11+s17+$0x0], $0xffff  }
0x1b2: {  	v8 =	vor.u32 $0x380, v8;
	v2 =	vmul.f32 v5, v2  }
0x1b3: {  	v29 =	vmul.f32 v38, v10;
	v24 =	vadd.f32 v25, v24;
	v19 =	vadd.f32 v19, v23;
	[tilespmem:s3+$0x280] =	vst v28  }
0x1b4: {  	v2 =	vadd.f32 v2, v4;
	v4 =	vmul.f32 v27, v6;
	[tilespmem:s11+$0x300] =	vst v63;
	v27 =	vld.idx.msk [tilespmem:v36+s17+$0x0], $0xffff  }
0x1b5: {  	v20 =	vor.u32 $0x380, v20;
	v25 =	vmul.f32 v39, v13;
	v16 =	vadd.f32 v29, v16;
	v9 =	vld.idx.msk [tilespmem:v9+s17+$0x0], $0xffff;
	[tilespmem:s3+$0x290] =	vst v18  }
0x1b6: {  	v4 =	vadd.f32 v4, v14;
	v23 =	vmul.f32 v63, v6;
	[tilespmem:s11+$0x310] =	vst v11;
	v14 =	vld.idx.msk [tilespmem:v22+s17+$0x0], $0xffff  }
0x1b7: {  	v21 =	vor.u32 $0x380, v21;
	(xrf2) =	vadd.scan.msk.f32 $0xffff, v15;
	v16 =	vadd.f32 v25, v16;
	v29 =	vmul.f32 v40, v10;
	v8 =	vld.idx.msk [tilespmem:v8+s17+$0x0], $0xffff  }
0x1b8: {  	(xrf2) =	vadd.scan.msk.f32 $0xffff, v19;
	v12 =	vadd.f32 v23, v12;
	v11 =	vmul.f32 v11, v3;
	v15 =	vmul.f32 v26, v10  }
0x1b9: {  	(xrf2) =	vadd.scan.msk.f32 $0xffff, v16;
	v17 =	vadd.f32 v29, v17;
	v22 =	vmul.f32 v30, v3;
	[tilespmem:s3+$0x300] =	vst v27  }
0x1ba: {  	v11 =	vadd.f32 v11, v12;
	v6 =	vmul.f32 v9, v6;
	v12 =	vadd.f32 v15, v24;
	v20 =	vld.idx.msk [tilespmem:v20+s17+$0x0], $0xffff  }
0x1bb: {  	v15 =	vmul.f32 v28, v10;
	v4 =	vadd.f32 v22, v4;
	v22 =	vmul.f32 v42, v13;
	[tilespmem:s3+$0x310] =	vst v14  }
0x1bc: {  	v2 =	vadd.f32 v6, v2;
	v3 =	vmul.f32 v8, v3;
	v6 =	vld.idx.msk [tilespmem:v21+s17+$0x0], $0xffff  }
0x1bd: {  	v17 =	vadd.f32 v22, v17;
	v4 =	vadd.f32 v15, v4;
	v15 =	vmul.f32 v18, v13  }
0x1be: {  	v19 =	vmul.f32 v43, v13;
	v2 =	vadd.f32 v3, v2;
	v3 =	vmul.f32 v27, v10  }
0x1bf: {  	(xrf2) =	vadd.scan.msk.f32 $0xffff, v17;
	v4 =	vadd.f32 v15, v4;
	v10 =	vmul.f32 v20, v10  }
0x1c0: {  	s15 =	sshll.u32 s6, $0x4;
	v12 =	vadd.f32 v19, v12;
	v3 =	vadd.f32 v3, v11;
	v11 =	vmul.f32 v14, v13  }
0x1c1: {  	[tilespmem:s10+$0x390] =	vst v5;
	v5 =	vmov s15;
	v2 =	vadd.f32 v10, v2;
	v10 =	vmul.f32 v6, v13  }
0x1c2: {  	(xrf2) =	vadd.scan.msk.f32 $0xffff, v12;
	v3 =	vadd.f32 v11, v3  }
0x1c3: {  	(xrf2) =	vadd.scan.msk.f32 $0xffff, v4;
	v4, _, _ =	vpop (xrf2);
	v2 =	vadd.f32 v10, v2  }
0x1c4: {  	[tilespmem:s10+$0x380] =	vst v7;
	(xrf2) =	vadd.scan.msk.f32 $0xffff, v3;
	v3 =	vbroadcast v4, $0xF;
	v4 =	vshrl.u32 v5, $0x3;
	v5, _, _ =	vpop (xrf2)  }
0x1c5: {  	[tilespmem:s11+$0x390] =	vst v8;
	v8, _, _ =	vpop (xrf2);
	(xrf2) =	vadd.scan.msk.f32 $0xffff, v2  }
0x1c6: {  	[tilespmem:s11+$0x380] =	vst v9;
	v8 =	vbroadcast v8, $0xF;
	v2 =	vshll.u32 v4, v0  }
0x1c7: {  	[tilespmem:s3+$0x380] =	vst v20;
	v4 =	vbroadcast v5, $0xF;
	v5 =	vbroadcast v2, $0x0;
	v7 =	vor.u32 $0x1, v2  }
0x1c8: {  	s16 =	sadd.s32 $0x800, s9;
	[tilespmem:s3+$0x390] =	vst v6;
	v3 =	vmul.f32 v3, v1;
	v6 =	vbroadcast v7, $0x0;
	v7 =	vadd.s32 $0x2, v2  }
0x1c9: {  	[hbm4b:s16+s2] =	stream.linear.scatter [tilespmem:s31], [sflag:$0x4], $0x4000, $0x38;
	v8 =	vmul.f32 v8, v1;
	v9, _, _ =	vpop (xrf2);
	v10 =	vadd.s32 $0x3, v2;
	v7 =	vbroadcast v7, $0x0;
	[tilespmem:$0x1F040] =	vst v63  }
0x1ca: {  	p0 =	seq.s32 s6, $0x3;
	s3 =	rddreg [dreg:$0x14];
	v9 =	vbroadcast v9, $0xF;
	v11 =	vadd.s32 $0x4, v2;
	v10 =	vbroadcast v10, $0x0  }
0x1cb: {  	s5 =	simm.s32 @!p0 $0x7040;
	s4 =	simm.s32 @!p0 $0x0;
	s3 =	sadd.s32 @!p0 s7, s3;
	v12 =	vadd.s32 $0x5, v2;
	v4 =	vmul.f32 v4, v1;
	v11 =	vbroadcast v11, $0x0  }
0x1cc: {  	[tilespmem:s5], [sflag:$0x1] =	stream.linear.gather @!p0 [hbm4b:s3+s4], $0x8000, $0x38;
	v13, _, _ =	vpop (xrf2);
	v14 =	vadd.s32 $0x6, v2;
	v12 =	vbroadcast v12, $0x0;
	v9 =	vmul.f32 v9, v1;
	[tilespmem:$0x1F040] =	vst v63  }
0x1cd: {  	v15, _, _ =	vpop (xrf2);
	v2 =	vadd.s32 $0x7, v2;
	[tilespmem:v5+s1+$0x0] =	vst.idx.msk $0x1, v3;
	v3 =	vbroadcast v13, $0xF;
	v5 =	vbroadcast v14, $0x0  }
0x1ce: {  	v2 =	vbroadcast v2, $0x0;
	v13, _, _ =	vpop (xrf2);
	[tilespmem:v6+s1+$0x0] =	vst.idx.msk $0x1, v4;
	v4 =	vbroadcast v15, $0xF  }
0x1cf: {  	v6 =	vbroadcast v13, $0xF;
	[tilespmem:v7+s1+$0x0] =	vst.idx.msk $0x1, v8;
	v3 =	vmul.f32 v3, v1;
	v7, _, _ =	vpop (xrf2)  }
0x1d0: {  	[tilespmem:v10+s1+$0x0] =	vst.idx.msk $0x1, v9;
	v4 =	vmul.f32 v4, v1;
	v7 =	vbroadcast v7, $0xF  }
0x1d1: {  	[tilespmem:v11+s1+$0x0] =	vst.idx.msk $0x1, v3;
	v3 =	vmul.f32 v6, v1  }
0x1d2: {  	[tilespmem:v12+s1+$0x0] =	vst.idx.msk $0x1, v4;
	v4 =	vmul.f32 v7, v1  }
0x1d3: {  	[tilespmem:v5+s1+$0x0] =	vst.idx.msk $0x1, v3  }
0x1d4: {  	[tilespmem:v2+s1+$0x0] =	vst.idx.msk $0x1, v4  }
0x1d5: {  	_ =	swait.ge [sflag:s0], $0x8000  }
0x1d6: {  	[sflag:s0] =	ssyncset.done $0x0  }
0x1d7: {  	s19 =	simm.s32 $0x0;
	[sflag:s0] =	ssyncadd.s32 $0xFFFF8000  }
0x1d8: {  	s24 =	simm.s32 $0x0;
	s20 =	sand.u32 $0x60, s19;
	_ =	swait.ge [sflag:s25], $0x4000  }
0x1d9: {  	s29 =	sor.u32 $0x10, s20;
	s3 =	sand.u32 $0xFFFFFF80, s24;
	[sflag:s25] =	ssyncset.done $0x0  }
0x1da: {  	s30 =	sor.u32 s3, s29;
	[sflag:s25] =	ssyncadd.s32 $0xFFFFC000  }
0x1db: {  	s31 =	sor.u32 s20, s3;
	v2 =	vld [tilespmem:s30+$0x0]  }
0x1dc: {  	v3 =	vld [tilespmem:s31+$0x0];
	_ =	sdelay $0x2  }
0x1dd: {  	s13 =	simm.s32 $0x20  }
0x1de: {  	s3 =	sand.u32 $0x60, s13;
	s13 =	simm.s32 $0x20;
	v4 =	vshll.u32 v2, $0x3  }
0x1df: {  	s15 =	sand.u32 $0xFFFFFF80, s13;
	s13 =	sor.u32 $0x10, s3;
	v2 =	vand.u32 $0x7F, v2;
	v5 =	vshll.u32 v3, $0x3;
	v4 =	vand.u32 $0xFFFFFC00, v4  }
0x1e0: {  	s19 =	sor.u32 s15, s13;
	v3 =	vand.u32 $0x7F, v3;
	v13 =	vor.u32 v4, v2;
	v2 =	vand.u32 $0xFFFFFC00, v5  }
0x1e1: {  	s16 =	sor.u32 s3, s15;
	v7 =	vld [tilespmem:s19+$0x0];
	v17 =	vor.u32 v2, v3  }
0x1e2: {  	v8 =	vld [tilespmem:s16+$0x0];
	_ =	sdelay $0x2  }
0x1e3: {  	v2 =	vld.idx.msk [tilespmem:v13+s18+$0x0], $0xffff  }
0x1e4: {  	s14 =	simm.s32 $0x0;
	v9 =	vshll.u32 v7, $0x3;
	v7 =	vand.u32 $0x7F, v7;
	v3 =	vor.u32 $0x80, v13;
	v6 =	vld.idx.msk [tilespmem:v17+s18+$0x0], $0xffff  }
0x1e5: {  	s11 =	sand.u32 $0x3FFFFC00, s14;
	v12 =	vshll.u32 v8, $0x3;
	v9 =	vand.u32 $0xFFFFFC00, v9;
	v5 =	vor.u32 $0x80, v17  }
0x1e6: {  	s14 =	sadd.s32 $0x17040, s11;
	v8 =	vand.u32 $0x7F, v8;
	v7 =	vor.u32 v9, v7;
	v9 =	vand.u32 $0xFFFFFC00, v12  }
0x1e7: {  	s11 =	sadd.s32 s29, s14;
	v25 =	vld [tilespmem:s31+$0x1000];
	v8 =	vor.u32 v9, v8  }
0x1e8: {  	s4 =	sadd.s32 s20, s14;
	v4 =	vld [tilespmem:s30+$0x1000];
	[tilespmem:s11+$0x0] =	vst v2  }
0x1e9: {  	v10 =	vld.idx.msk [tilespmem:v3+s18+$0x0], $0xffff;
	[tilespmem:s4+$0x0] =	vst v6  }
0x1ea: {  	v3 =	vor.u32 $0x100, v13;
	v11 =	vld.idx.msk [tilespmem:v5+s18+$0x0], $0xffff  }
0x1eb: {  	v5 =	vor.u32 $0x100, v17  }
0x1ec: {  	v16 =	vld.idx.msk [tilespmem:v8+s18+$0x0], $0xffff  }
0x1ed: {  	s29 =	simm.s32 $0x100;
	v21 =	vor.u32 $0x80, v8  }
0x1ee: {  	s9 =	sand.u32 $0x3FFFFC00, s29;
	v18 =	vld.idx.msk [tilespmem:v7+s18+$0x0], $0xffff;
	[tilespmem:s11+$0x80] =	vst v10  }
0x1ef: {  	s31 =	sadd.s32 $0x17040, s9;
	v12 =	vld.idx.msk [tilespmem:v3+s18+$0x0], $0xffff;
	[tilespmem:s4+$0x80] =	vst v11  }
0x1f0: {  	s24 =	simm.s32 $0x40;
	s20 =	simm.s32 $0x40;
	s10 =	sadd.s32 s3, s31;
	v15 =	vld.idx.msk [tilespmem:v5+s18+$0x0], $0xffff;
	v5 =	vor.u32 $0x180, v13  }
0x1f1: {  	s30 =	sand.u32 $0xFFFFFF80, s24;
	v9 =	vor.u32 $0x180, v17;
	v3 =	vld [tilespmem:s16+$0x1000];
	s16 =	sand.u32 $0x60, s20;
	[tilespmem:s10+$0x0] =	vst v16  }
0x1f2: {  	s15 =	sor.u32 $0x10, s16;
	s20 =	sor.u32 s16, s30;
	v21 =	vld.idx.msk [tilespmem:v21+s18+$0x0], $0xffff  }
0x1f3: {  	v14 =	vor.u32 $0x80, v7;
	s5 =	sor.u32 s30, s15;
	v24 =	vld [tilespmem:s20+$0x0]  }
0x1f4: {  	v23 =	vld [tilespmem:s5+$0x0];
	[tilespmem:s11+$0x100] =	vst v12  }
0x1f5: {  	v19 =	vld.idx.msk [tilespmem:v5+s18+$0x0], $0xffff;
	[tilespmem:s4+$0x100] =	vst v15  }
0x1f6: {  	s9 =	sadd.s32 s13, s31;
	v26 =	vor.u32 $0x200, v13;
	v28 =	vor.u32 $0x100, v7;
	v6 =	vmul.f32 v6, v25;
	v20 =	vld.idx.msk [tilespmem:v9+s18+$0x0], $0xffff  }
0x1f7: {  	v22 =	vor.u32 $0x200, v17;
	v30 =	vor.u32 $0x100, v8;
	v5 =	vld [tilespmem:s19+$0x1000];
	[tilespmem:s9+$0x0] =	vst v18;
	v9 =	vimm.f32 $0.0e+00  }
0x1f8: {  	v2 =	vmul.f32 v2, v4;
	v29 =	vmul.f32 v11, v25;
	v27 =	vld.idx.msk [tilespmem:v14+s18+$0x0], $0xffff;
	v6 =	vadd.f32 v6, v9  }
0x1f9: {  	v16 =	vmul.f32 v16, v3;
	v31 =	vshll.u32 v24, $0x3;
	v11 =	vshll.u32 v23, $0x3  }
0x1fa: {  	v14 =	vand.u32 $0x7F, v23;
	v11 =	vand.u32 $0xFFFFFC00, v11;
	v6 =	vadd.f32 v2, v6;
	v2 =	vld [tilespmem:s20+$0x1000];
	[tilespmem:s11+$0x180] =	vst v19  }
0x1fb: {  	s3 =	simm.s32 $0x60;
	v24 =	vand.u32 $0x7F, v24;
	v14 =	vor.u32 v11, v14;
	v11 =	vand.u32 $0xFFFFFC00, v31;
	[tilespmem:s4+$0x180] =	vst v20;
	v26 =	vld.idx.msk [tilespmem:v26+s18+$0x0], $0xffff  }
0x1fc: {  	s28 =	sand.u32 $0x60, s3;
	s24 =	simm.s32 $0x60;
	v43 =	vmul.f32 v15, v25;
	[tilespmem:s10+$0x80] =	vst v21;
	v15 =	vor.u32 v11, v24;
	v22 =	vld.idx.msk [tilespmem:v22+s18+$0x0], $0xffff  }
0x1fd: {  	s30 =	sand.u32 $0xFFFFFF80, s24;
	s19 =	sor.u32 $0x10, s28;
	v23 =	vor.u32 $0x280, v17;
	s20 =	simm.s32 $0x200;
	v11 =	vmul.f32 v10, v4;
	[tilespmem:s9+$0x80] =	vst v27;
	v10 =	vmul.f32 v20, v25;
	v20 =	vld.idx.msk [tilespmem:v30+s18+$0x0], $0xffff  }
0x1fe: {  	v18 =	vmul.f32 v18, v5;
	s29 =	sand.u32 $0x3FFFFC00, s20;
	s20 =	sor.u32 s30, s19;
	v6 =	vadd.f32 v16, v6;
	v28 =	vld.idx.msk [tilespmem:v28+s18+$0x0], $0xffff  }
0x1ff: {  	v42 =	vor.u32 $0x280, v13;
	v24 =	vor.u32 $0x180, v7;
	v50 =	vld [tilespmem:s20+$0x0]  }
0x200: {  	v12 =	vmul.f32 v12, v4;
	v30 =	vadd.f32 v43, v9;
	v18 =	vadd.f32 v18, v6;
	v6 =	vld [tilespmem:s5+$0x1000]  }
0x201: {  	v45 =	vor.u32 $0x180, v8;
	v19 =	vmul.f32 v19, v4;
	v10 =	vadd.f32 v10, v9;
	v44 =	vld.idx.msk [tilespmem:v14+s18+$0x0], $0xffff;
	[tilespmem:s4+$0x200] =	vst v22  }
0x202: {  	v30 =	vadd.f32 v12, v30;
	v22 =	vmul.f32 v22, v25;
	v23 =	vld.idx.msk [tilespmem:v23+s18+$0x0], $0xffff  }
0x203: {  	v31 =	vor.u32 $0x300, v17;
	v12 =	vmul.f32 v21, v3;
	v46 =	vadd.f32 v19, v10;
	v47 =	vld.idx.msk [tilespmem:v15+s18+$0x0], $0xffff;
	[tilespmem:s9+$0x100] =	vst v28  }
0x204: {  	[tilespmem:s11+$0x200] =	vst v26;
	v21 =	vmul.f32 v26, v4;
	v19 =	vadd.f32 v22, v9;
	v22 =	vld.idx.msk [tilespmem:v24+s18+$0x0], $0xffff;
	v24 =	vor.u32 $0x80, v14  }
0x205: {  	v55 =	vor.u32 $0x380, v13;
	[tilespmem:s10+$0x100] =	vst v20;
	v20 =	vmul.f32 v20, v3;
	v32 =	vld.idx.msk [tilespmem:v42+s18+$0x0], $0xffff  }
0x206: {  	s14 =	sor.u32 s28, s30;
	s5 =	sadd.s32 $0x17040, s29;
	v10 =	vmul.f32 v27, v5;
	v34 =	vld.idx.msk [tilespmem:v45+s18+$0x0], $0xffff;
	v48 =	vadd.f32 v21, v19;
	v21 =	vor.u32 $0x80, v15  }
0x207: {  	s15 =	sadd.s32 s15, s5;
	v27 =	vor.u32 $0x300, v13;
	v20 =	vadd.f32 v20, v30;
	v30 =	vld [tilespmem:s14+$0x0];
	v19 =	vmul.f32 v28, v5;
	[tilespmem:s4+$0x280] =	vst v23  }
0x208: {  	v37 =	vor.u32 $0x280, v7;
	[tilespmem:s15+$0x0] =	vst v44;
	v23 =	vmul.f32 v23, v25;
	v28 =	vld.idx.msk [tilespmem:v31+s18+$0x0], $0xffff;
	v31 =	vor.u32 $0x200, v8  }
0x209: {  	v52 =	vor.u32 $0x380, v17;
	s16 =	sadd.s32 s16, s5;
	v17 =	vadd.f32 v19, v20;
	v20 =	vld.idx.msk [tilespmem:v24+s18+$0x0], $0xffff;
	v24 =	vor.u32 $0x200, v7  }
0x20a: {  	v51 =	vmul.f32 v47, v2;
	[tilespmem:s16+$0x0] =	vst v47;
	v49 =	vmul.f32 v32, v4;
	v26 =	vadd.f32 v23, v9  }
0x20b: {  	v59 =	vor.u32 $0x280, v8;
	v29 =	vadd.f32 v29, v9;
	v38 =	vor.u32 $0x180, v14;
	[tilespmem:s11+$0x280] =	vst v32;
	v54 =	vld.idx.msk [tilespmem:v21+s18+$0x0], $0xffff  }
0x20c: {  	[tilespmem:s10+$0x180] =	vst v34;
	v21 =	vor.u32 $0x100, v14;
	v19 =	vadd.f32 v49, v26;
	v26 =	vadd.f32 v51, v18;
	v18 =	vld.idx.msk [tilespmem:v27+s18+$0x0], $0xffff  }
0x20d: {  	v57 =	vor.u32 $0x100, v15;
	v13 =	vshll.u32 v50, $0x3;
	v34 =	vmul.f32 v34, v3;
	[tilespmem:s9+$0x180] =	vst v22;
	v56 =	vld.idx.msk [tilespmem:v31+s18+$0x0], $0xffff  }
0x20e: {  	v58 =	vand.u32 $0x7F, v50;
	v61 =	vshll.u32 v30, $0x3;
	v30 =	vand.u32 $0x7F, v30;
	[tilespmem:s4+$0x300] =	vst v28;
	v60 =	vld.idx.msk [tilespmem:v24+s18+$0x0], $0xffff  }
0x20f: {  	v53 =	vmul.f32 v22, v5;
	v22 =	vadd.f32 v34, v46;
	v31 =	vand.u32 $0xFFFFFC00, v13;
	[tilespmem:s15+$0x80] =	vst v20;
	v41 =	vld.idx.msk [tilespmem:v52+s18+$0x0], $0xffff  }
0x210: {  	v62 =	vand.u32 $0xFFFFFC00, v61;
	v28 =	vmul.f32 v28, v25;
	v13 =	vld [tilespmem:s14+$0x1000];
	v24 =	vor.u32 v31, v58;
	[tilespmem:s16+$0x80] =	vst v54  }
0x211: {  	v16 =	vor.u32 $0x300, v8;
	v30 =	vor.u32 v62, v30;
	v22 =	vadd.f32 v53, v22;
	v31 =	vld.idx.msk [tilespmem:v21+s18+$0x0], $0xffff;
	[tilespmem:s11+$0x300] =	vst v18  }
0x212: {  	v40 =	vor.u32 $0x180, v15;
	v28 =	vadd.f32 v28, v9;
	v18 =	vmul.f32 v18, v4;
	v34 =	vld.idx.msk [tilespmem:v57+s18+$0x0], $0xffff;
	[tilespmem:s10+$0x200] =	vst v56  }
0x213: {  	s31 =	simm.s32 $0x300;
	v23 =	vor.u32 $0x300, v15;
	v27 =	vmul.f32 v44, v6;
	v32 =	vld.idx.msk [tilespmem:v55+s18+$0x0], $0xffff;
	v63 =	vmul.f32 v56, v3;
	[tilespmem:s9+$0x200] =	vst v60  }
0x214: {  	s5 =	sand.u32 $0x3FFFFC00, s31;
	v36 =	vor.u32 $0x300, v30;
	v21 =	vadd.f32 v18, v28;
	v18 =	vmul.f32 v54, v2;
	v35 =	vld.idx.msk [tilespmem:v59+s18+$0x0], $0xffff;
	[tilespmem:s4+$0x380] =	vst v41  }
0x215: {  	s24 =	sadd.s32 $0x17040, s5;
	v43 =	vmul.f32 v41, v25;
	s4 =	simm.s32 $0x6;
	v25 =	vld.idx.msk [tilespmem:v24+s18+$0x0], $0xffff;
	v47 =	vadd.f32 v63, v48;
	v48 =	vmul.f32 v60, v5  }
.LBB2_11:
0x216: {  	s4 =	sadd.s32 $0x2, s4;
	s3 =	sadd.s32 $0x20, s3;
	v26 =	vadd.f32 v27, v26;
	v20 =	vmul.f32 v20, v6;
	v27 =	vld.idx.msk [tilespmem:v37+s18+$0x0], $0xffff;
	v29 =	vadd.f32 v11, v29  }
0x217: {  	v9 =	vadd.f32 v43, v9;
	v11 =	vmov v10;
	s14 =	sand.u32 $0x60, s3;
	s5 =	sshll.u32 s4, $0x4;
	s13 =	sshll.u32 s4, $0x7;
	v33 =	vld.idx.msk [tilespmem:v30+s18+$0x0], $0xffff;
	[tilespmem:s15+$0x100] =	vst v31;
	v28 =	vadd.f32 v48, v47  }
0x218: {  	v31 =	vmul.f32 v31, v6;
	s30 =	sand.u32 $0xFFFFFF80, s5;
	s13 =	sand.u32 $0x3FFFFC00, s13;
	s31 =	sor.u32 $0x10, s14;
	v37 =	vld.idx.msk [tilespmem:v38+s18+$0x0], $0xffff;
	[tilespmem:s11+$0x380] =	vst v32;
	v32 =	vmul.f32 v32, v4;
	v10 =	vmov v20  }
0x219: {  	v20 =	vor.u32 $0x80, v24;
	v38 =	vor.u32 $0x300, v7;
	v4 =	vmovc v5;
	v5 =	vmovc v6;
	s5 =	sor.u32 s14, s30;
	s29 =	sadd.s32 $0x17040, s13;
	[tilespmem:s16+$0x100] =	vst v34;
	v34 =	vmul.f32 v34, v2;
	v6 =	vld [tilespmem:s20+$0x1000];
	s20 =	sor.u32 s30, s31  }
0x21a: {  	p1 =	slt.u32 s4, $0x7E;
	s11 =	smov.u32 s9;
	s9 =	smov.u32 s15;
	v39 =	vld.idx.msk [tilespmem:v40+s18+$0x0], $0xffff;
	[tilespmem:s10+$0x280] =	vst v35;
	v35 =	vmul.f32 v35, v3;
	v9 =	vadd.f32 v32, v9;
	v40 =	vmov v3  }
0x21b: {  	s15 =	sadd.s32 s19, s24;
	s19 =	smov.u32 s31;
	v32 =	vor.u32 $0x80, v30;
	v3 =	vmovc v2;
	v2 =	vmovc v13;
	v17 =	vadd.f32 v34, v17;
	v34 =	vld.idx.msk [tilespmem:v16+s18+$0x0], $0xffff;
	v16 =	vmov v23  }
0x21c: {  	v13 =	vor.u32 $0x200, v15;
	v23 =	vmovc v36;
	v41 =	vld [tilespmem:s5+$0x0];
	[tilespmem:s15+$0x0] =	vst v25;
	v19 =	vadd.f32 v35, v19;
	v35 =	vmul.f32 v27, v4  }
0x21d: {  	v42 =	vmul.f32 v33, v2;
	v36 =	vld [tilespmem:s20+$0x0];
	v17 =	vadd.f32 v31, v17;
	v31 =	vor.u32 $0x380, v8;
	[tilespmem:s11+$0x280] =	vst v27;
	v8 =	vmovc v15  }
0x21e: {  	v44 =	vor.u32 $0x200, v14;
	s13 =	sadd.s32 s28, s24;
	s28 =	smov.u32 s14;
	s24 =	smov.u32 s29;
	v43 =	vmul.f32 v37, v5;
	v20 =	vld.idx.msk [tilespmem:v20+s18+$0x0], $0xffff;
	[tilespmem:s9+$0x180] =	vst v37;
	v19 =	vadd.f32 v35, v19  }
0x21f: {  	v15 =	vmov v30;
	v26 =	vadd.f32 v42, v26;
	v27 =	vmul.f32 v25, v6;
	[tilespmem:s13+$0x0] =	vst v33;
	v25 =	vld.idx.msk [tilespmem:v38+s18+$0x0], $0xffff  }
0x220: {  	v30 =	vor.u32 $0x100, v24;
	v35 =	vor.u32 $0x380, v7;
	v7 =	vmovc v14;
	v33 =	vld.idx.msk [tilespmem:v32+s18+$0x0], $0xffff;
	[tilespmem:s16+$0x180] =	vst v39;
	v32 =	vmul.f32 v39, v3  }
0x221: {  	v29 =	vadd.f32 v12, v29;
	v37 =	vor.u32 $0x280, v7;
	v39 =	vld.idx.msk [tilespmem:v13+s18+$0x0], $0xffff;
	[tilespmem:s10+$0x300] =	vst v34;
	v34 =	vmul.f32 v34, v40  }
0x222: {  	v12 =	vmovc v18;
	v14 =	vmovc v24;
	v38 =	vor.u32 $0x100, v15;
	v13 =	vshll.u32 v36, $0x3;
	v22 =	vadd.f32 v32, v22;
	v42 =	vld.idx.msk [tilespmem:v31+s18+$0x0], $0xffff  }
0x223: {  	v45 =	vor.u32 $0x280, v8;
	v24 =	vand.u32 $0x7F, v36;
	v18 =	vand.u32 $0xFFFFFC00, v13;
	v44 =	vld.idx.msk [tilespmem:v44+s18+$0x0], $0xffff  }
0x224: {  	v31 =	vshll.u32 v41, $0x3;
	v13 =	vld [tilespmem:s5+$0x1000];
	v24 =	vor.u32 v18, v24;
	[tilespmem:s15+$0x80] =	vst v20;
	v18 =	vadd.f32 v34, v21  }
.Ltmp4:
0x225: {  	v32 =	vand.u32 $0x7F, v41;
	v21 =	vand.u32 $0xFFFFFC00, v31;
	v31 =	vld.idx.msk [tilespmem:v30+s18+$0x0], $0xffff;
	[tilespmem:s11+$0x300] =	vst v25;
	v25 =	vmul.f32 v25, v4;
	(pc) =	sbr.rel @p1 .LBB2_11-.Ltmp4, $4  }
0x226: {  	v22 =	vadd.f32 v43, v22;
	v30 =	vor.u32 v21, v32;
	[tilespmem:s13+$0x80] =	vst v33;
	v32 =	vld.idx.msk [tilespmem:v35+s18+$0x0], $0xffff  }
0x227: {  	v34 =	vld.idx.msk [tilespmem:v38+s18+$0x0], $0xffff;
	v38 =	vor.u32 $0x180, v14;
	[tilespmem:s16+$0x200] =	vst v39;
	v39 =	vmul.f32 v39, v3;
	v21 =	vadd.f32 v25, v18  }
0x228: {  	v36 =	vor.u32 $0x300, v30;
	v18 =	vmul.f32 v33, v2;
	v43 =	vmul.f32 v42, v40;
	v35 =	vld.idx.msk [tilespmem:v45+s18+$0x0], $0xffff;
	[tilespmem:s10+$0x380] =	vst v42;
	s10 =	smov.u32 s16;
	s16 =	smov.u32 s13  }
0x229: {  	v40 =	vor.u32 $0x180, v15;
	v48 =	vmul.f32 v44, v5;
	v25 =	vld.idx.msk [tilespmem:v24+s18+$0x0], $0xffff;
	v47 =	vadd.f32 v39, v28;
	[tilespmem:s9+$0x200] =	vst v44  }
0x22a: {  	_ =	sdelay $0x3  }
0x22b: {  	v49 =	vld.idx.msk [tilespmem:v30+s18+$0x0], $0xffff  }
0x22c: {  	v33 =	vor.u32 $0x80, v30  }
0x22d: {  	v41 =	vor.u32 $0x80, v24;
	_ =	sdelay $0x1  }
0x22e: {  	s4 =	sadd.s32 s28, s24  }
0x22f: {  	v28 =	vld [tilespmem:s20+$0x1000];
	s3 =	sadd.s32 s19, s24;
	[tilespmem:s4+$0x0] =	vst v49  }
0x230: {  	[tilespmem:s3+$0x0] =	vst v25;
	v39 =	vld.idx.msk [tilespmem:v33+s18+$0x0], $0xffff  }
0x231: {  	v55 =	vor.u32 $0x100, v30;
	v33 =	vld.idx.msk [tilespmem:v41+s18+$0x0], $0xffff  }
0x232: {  	v42 =	vor.u32 $0x100, v24;
	_ =	sdelay $0x2  }
0x233: {  	[tilespmem:s4+$0x80] =	vst v39  }
0x234: {  	[tilespmem:s3+$0x80] =	vst v33;
	v46 =	vld.idx.msk [tilespmem:v55+s18+$0x0], $0xffff  }
0x235: {  	v56 =	vor.u32 $0x180, v30;
	v44 =	vld.idx.msk [tilespmem:v42+s18+$0x0], $0xffff  }
0x236: {  	v57 =	vor.u32 $0x180, v24;
	[tilespmem:s15+$0x100] =	vst v31  }
0x237: {  	v51 =	vld.idx.msk [tilespmem:v38+s18+$0x0], $0xffff;
	[tilespmem:s16+$0x100] =	vst v34  }
0x238: {  	v59 =	vor.u32 $0x200, v14;
	v50 =	vld.idx.msk [tilespmem:v40+s18+$0x0], $0xffff  }
0x239: {  	v58 =	vor.u32 $0x200, v15;
	[tilespmem:s4+$0x100] =	vst v46  }
0x23a: {  	[tilespmem:s3+$0x100] =	vst v44;
	v45 =	vld.idx.msk [tilespmem:v56+s18+$0x0], $0xffff  }
0x23b: {  	v60 =	vor.u32 $0x200, v30;
	v41 =	vld.idx.msk [tilespmem:v57+s18+$0x0], $0xffff  }
0x23c: {  	v52 =	vor.u32 $0x200, v24;
	[tilespmem:s15+$0x180] =	vst v51  }
0x23d: {  	[tilespmem:s16+$0x180] =	vst v50;
	v55 =	vld.idx.msk [tilespmem:v59+s18+$0x0], $0xffff  }
0x23e: {  	v61 =	vor.u32 $0x280, v14;
	v53 =	vld.idx.msk [tilespmem:v58+s18+$0x0], $0xffff  }
0x23f: {  	v54 =	vor.u32 $0x280, v15;
	v57 =	vld.idx.msk [tilespmem:v37+s18+$0x0], $0xffff;
	[tilespmem:s4+$0x180] =	vst v45  }
0x240: {  	v58 =	vor.u32 $0x300, v7;
	[tilespmem:s3+$0x180] =	vst v41;
	v42 =	vld.idx.msk [tilespmem:v60+s18+$0x0], $0xffff  }
0x241: {  	v56 =	vor.u32 $0x280, v30;
	v38 =	vld.idx.msk [tilespmem:v52+s18+$0x0], $0xffff  }
0x242: {  	[tilespmem:s15+$0x200] =	vst v55;
	v52 =	vor.u32 $0x280, v24  }
0x243: {  	[tilespmem:s16+$0x200] =	vst v53;
	v59 =	vld.idx.msk [tilespmem:v61+s18+$0x0], $0xffff  }
0x244: {  	v54 =	vld.idx.msk [tilespmem:v54+s18+$0x0], $0xffff;
	[tilespmem:s9+$0x280] =	vst v57;
	v60 =	vor.u32 $0x300, v14  }
0x245: {  	v58 =	vld.idx.msk [tilespmem:v58+s18+$0x0], $0xffff;
	[tilespmem:s4+$0x200] =	vst v42  }
0x246: {  	[tilespmem:s3+$0x200] =	vst v38;
	v40 =	vld.idx.msk [tilespmem:v56+s18+$0x0], $0xffff  }
0x247: {  	[tilespmem:s10+$0x280] =	vst v35;
	v37 =	vld.idx.msk [tilespmem:v52+s18+$0x0], $0xffff  }
0x248: {  	[tilespmem:s15+$0x280] =	vst v59;
	v52 =	vld.idx.msk [tilespmem:v16+s18+$0x0], $0xffff;
	v16 =	vor.u32 $0x300, v24  }
0x249: {  	[tilespmem:s11+$0x380] =	vst v32;
	v7 =	vor.u32 $0x380, v7;
	v60 =	vld.idx.msk [tilespmem:v60+s18+$0x0], $0xffff  }
0x24a: {  	[tilespmem:s16+$0x280] =	vst v54;
	v14 =	vor.u32 $0x380, v14  }
0x24b: {  	v61 =	vld.idx.msk [tilespmem:v23+s18+$0x0], $0xffff;
	v56 =	vor.u32 $0x380, v8;
	[tilespmem:s4+$0x280] =	vst v40  }
0x24c: {  	v23 =	vor.u32 $0x380, v15;
	[tilespmem:s3+$0x280] =	vst v37;
	v15 =	vld.idx.msk [tilespmem:v36+s18+$0x0], $0xffff  }
0x24d: {  	v30 =	vor.u32 $0x380, v30;
	[tilespmem:s9+$0x300] =	vst v58;
	v8 =	vld.idx.msk [tilespmem:v16+s18+$0x0], $0xffff  }
0x24e: {  	v7 =	vld.idx.msk [tilespmem:v7+s18+$0x0], $0xffff;
	[tilespmem:s15+$0x300] =	vst v60;
	v16 =	vor.u32 $0x380, v24  }
0x24f: {  	[tilespmem:s10+$0x300] =	vst v52;
	v63 =	vld.idx.msk [tilespmem:v14+s18+$0x0], $0xffff  }
0x250: {  	[tilespmem:s16+$0x300] =	vst v61;
	v62 =	vld.idx.msk [tilespmem:v56+s18+$0x0], $0xffff  }
0x251: {  	v24 =	vld.idx.msk [tilespmem:v23+s18+$0x0], $0xffff;
	[tilespmem:s4+$0x300] =	vst v15  }
0x252: {  	[tilespmem:s3+$0x300] =	vst v8;
	v23 =	vld.idx.msk [tilespmem:v30+s18+$0x0], $0xffff  }
0x253: {  	[tilespmem:s9+$0x380] =	vst v7;
	v16 =	vld.idx.msk [tilespmem:v16+s18+$0x0], $0xffff  }
0x254: {  	[tilespmem:s15+$0x380] =	vst v63  }
0x255: {  	[tilespmem:s10+$0x380] =	vst v62  }
0x256: {  	s9 =	sor.u32 $0x1, s8;
	[tilespmem:s16+$0x380] =	vst v24  }
0x257: {  	s8 =	sshll.u32 s9, $0xC;
	[tilespmem:s4+$0x380] =	vst v23  }
0x258: {  	s29 =	simm.s32 $0x17040;
	s8 =	sadd.s32 s8, s12;
	s10 =	simm.s32 $0x0;
	[tilespmem:s3+$0x380] =	vst v16  }
0x259: {  	[hbm4b:s8+s10] =	stream.linear.scatter [tilespmem:s29], [sflag:$0x3], $0x4000, $0x38;
	[tilespmem:$0x1F040] =	vst v63  }
0x25a: {  	v11 =	vadd.f32 v11, v29;
	v29 =	vmul.f32 v35, v3;
	_ =	swait.ge [sflag:s26], $0x4000  }
0x25b: {  	v9 =	vadd.f32 v43, v9;
	v14 =	vadd.f32 v27, v26;
	v26 =	vmul.f32 v34, v2;
	[sflag:s26] =	ssyncset.done $0x0  }
0x25c: {  	s11 =	simm.s32 $0x810;
	v4 =	vmul.f32 v32, v4;
	v19 =	vadd.f32 v29, v19;
	v29 =	vmul.f32 v57, v5;
	[sflag:s26] =	ssyncadd.s32 $0xFFFFC000  }
0x25d: {  	v12 =	vadd.f32 v12, v11;
	v17 =	vadd.f32 v26, v17;
	v30 =	vmul.f32 v31, v6;
	v26 =	vld [tilespmem:s11+$0xFFFFFFF0]  }
0x25e: {  	v4 =	vadd.f32 v4, v9;
	v19 =	vadd.f32 v29, v19;
	v31 =	vmul.f32 v49, v13  }
0x25f: {  	v27 =	vadd.f32 v48, v47;
	v9 =	vadd.f32 v30, v17;
	v17 =	vmul.f32 v50, v2  }
0x260: {  	v29 =	vadd.f32 v31, v14;
	v14 =	vmul.f32 v52, v3;
	v31 =	vmul.f32 v53, v2;
	v30 =	vld [tilespmem:s11+$0x0]  }
0x261: {  	v3 =	vmul.f32 v62, v3;
	v11 =	vadd.f32 v17, v22;
	v17 =	vmul.f32 v51, v6  }
0x262: {  	v14 =	vadd.f32 v14, v21;
	v21 =	vmul.f32 v58, v5;
	v22 =	vshll.u32 v26, $0x3  }
0x263: {  	v3 =	vadd.f32 v3, v4;
	v26 =	vand.u32 $0x7F, v26;
	v22 =	vand.u32 $0xFFFFFC00, v22  }
0x264: {  	v4 =	vmul.f32 v7, v5;
	v21 =	vadd.f32 v21, v14;
	v14 =	vor.u32 v22, v26  }
0x265: {  	v17 =	vadd.f32 v17, v11;
	v11 =	vmul.f32 v25, v28;
	v25 =	vshll.u32 v30, $0x3  }
0x266: {  	v25 =	vand.u32 $0xFFFFFC00, v25;
	v22 =	vadd.f32 v31, v27;
	v27 =	vand.u32 $0x7F, v30  }
0x267: {  	v7 =	vmul.f32 v46, v13;
	v29 =	vadd.f32 v11, v29;
	v11 =	vor.u32 v25, v27  }
0x268: {  	v12 =	vadd.f32 v10, v12;
	v10 =	vmul.f32 v54, v2  }
0x269: {  	v20 =	vmul.f32 v20, v6;
	v3 =	vadd.f32 v4, v3;
	v4 =	vadd.f32 v7, v9;
	v5 =	vld.idx.msk [tilespmem:v14+s18+$0x0], $0xffff  }
0x26a: {  	v7 =	vadd.f32 v10, v19;
	v9 =	vmul.f32 v59, v6;
	v25 =	vor.u32 $0x80, v14  }
0x26b: {  	v12 =	vadd.f32 v18, v12;
	v19 =	vmul.f32 v45, v13;
	v26 =	vmul.f32 v55, v6  }
0x26c: {  	s13 =	simm.s32 $0x1810;
	s5 =	sand.u32 $0x60, s10;
	s3 =	sand.u32 $0x3C00, s10;
	v9 =	vadd.f32 v9, v7;
	v31 =	vmul.f32 v61, v2;
	v27 =	vmul.f32 v44, v28;
	v30 =	vld.idx.msk [tilespmem:v11+s18+$0x0], $0xffff  }
0x26d: {  	s14 =	simm.s32 $0x830;
	s3 =	sor.u32 s5, s3;
	v10 =	vld [tilespmem:s13+$0xFFFFFFF0];
	v22 =	vadd.f32 v26, v22;
	v26 =	vmul.f32 v39, v13;
	v39 =	vor.u32 $0x80, v11  }
0x26e: {  	v33 =	vmul.f32 v33, v28;
	v17 =	vadd.f32 v19, v17;
	v7 =	vld [tilespmem:s14+$0xFFFFFFF0];
	v21 =	vadd.f32 v31, v21;
	[tilespmem:s3+$0x1B040] =	vst v5  }
0x26f: {  	v31 =	vmul.f32 v60, v6;
	v27 =	vadd.f32 v27, v4;
	v4 =	vmul.f32 v41, v28;
	v25 =	vld.idx.msk [tilespmem:v25+s18+$0x0], $0xffff  }
0x270: {  	v18 =	vmul.f32 v42, v13;
	v8 =	vmul.f32 v8, v28;
	v19 =	vld [tilespmem:s13+$0x0];
	v43 =	vor.u32 $0x100, v14;
	s3 =	sadd.s32 $0x1B040, s3  }
0x271: {  	v16 =	vmul.f32 v16, v28;
	v17 =	vadd.f32 v4, v17;
	v4 =	vadd.f32 v31, v21;
	v21 =	vld [tilespmem:s14+$0x0];
	[tilespmem:s3+$0x10] =	vst v30  }
0x272: {  	v12 =	vadd.f32 v20, v12;
	v45 =	vmul.f32 v37, v28;
	v2 =	vmul.f32 v24, v2;
	v24 =	vld.idx.msk [tilespmem:v39+s18+$0x0], $0xffff  }
0x273: {  	v44 =	vmul.f32 v40, v13;
	v20 =	vor.u32 $0x100, v11;
	v31 =	vshll.u32 v7, $0x3  }
0x274: {  	v2 =	vadd.f32 v2, v3;
	v7 =	vand.u32 $0x7F, v7;
	v31 =	vand.u32 $0xFFFFFC00, v31;
	[tilespmem:s3+$0x80] =	vst v25  }
0x275: {  	s20 =	simm.s32 $0x850;
	v3 =	vmul.f32 v63, v6;
	v9 =	vadd.f32 v44, v9;
	v7 =	vor.u32 v31, v7;
	v34 =	vld.idx.msk [tilespmem:v43+s18+$0x0], $0xffff  }
0x276: {  	s28 =	simm.s32 $0x870;
	v46 =	vld [tilespmem:s20+$0x0];
	v18 =	vadd.f32 v18, v22;
	v31 =	vor.u32 $0x180, v14;
	v6 =	vshll.u32 v21, $0x3  }
0x277: {  	v51 =	vld [tilespmem:s28+$0x0];
	v22 =	vmul.f32 v38, v28;
	v21 =	vand.u32 $0x7F, v21;
	v6 =	vand.u32 $0xFFFFFC00, v6;
	[tilespmem:s3+$0x90] =	vst v24  }
0x278: {  	v3 =	vadd.f32 v3, v2;
	v12 =	vadd.f32 v26, v12;
	v6 =	vor.u32 v6, v21;
	v20 =	vld.idx.msk [tilespmem:v20+s18+$0x0], $0xffff  }
0x279: {  	v55 =	vld [tilespmem:s28+$0xFFFFFFF0];
	v21 =	vadd.f32 v45, v9;
	v9 =	vmul.f32 v15, v13;
	v15 =	vor.u32 $0x180, v11  }
0x27a: {  	v28 =	vor.u32 $0x200, v14;
	v5 =	vmul.f32 v5, v10;
	v13 =	vmul.f32 v23, v13;
	v23 =	vld.idx.msk [tilespmem:v7+s18+$0x0], $0xffff;
	[tilespmem:s3+$0x100] =	vst v34  }
0x27b: {  	s15 =	simm.s32 $0x1830;
	v18 =	vadd.f32 v22, v18;
	v9 =	vadd.f32 v9, v4;
	v26 =	vld.idx.msk [tilespmem:v31+s18+$0x0], $0xffff;
	v31 =	vor.u32 $0x80, v7  }
0x27c: {  	s19 =	simm.s32 $0x100;
	s16 =	simm.s32 $0x20;
	v5 =	vadd.f32 v5, v29;
	v29 =	vmul.f32 v30, v19;
	v3 =	vadd.f32 v13, v3;
	v4 =	vld [tilespmem:s15+$0xFFFFFFF0]  }
0x27d: {  	s4 =	sand.u32 $0x60, s16;
	s5 =	sand.u32 $0x3C00, s19;
	v32 =	vand.u32 $0x7F, v46;
	v13 =	vadd.f32 v8, v9;
	v9 =	vadd.f32 v33, v12;
	v8 =	vld.idx.msk [tilespmem:v6+s18+$0x0], $0xffff;
	[tilespmem:s3+$0x110] =	vst v20  }
0x27e: {  	s4 =	sor.u32 s4, s5;
	v22 =	vadd.f32 v16, v3;
	v3 =	vor.u32 $0x80, v6;
	v30 =	vmul.f32 v34, v10;
	v12 =	vld.idx.msk [tilespmem:v15+s18+$0x0], $0xffff  }
0x27f: {  	v49 =	vor.u32 $0x300, v14;
	v16 =	vor.u32 $0x200, v11;
	[tilespmem:s4+$0x1B040] =	vst v23;
	v15 =	vmul.f32 v25, v10;
	v25 =	vld [tilespmem:s20+$0xFFFFFFF0]  }
0x280: {  	v52 =	vor.u32 $0x300, v11;
	v20 =	vmul.f32 v20, v19;
	v27 =	vadd.f32 v30, v27;
	v31 =	vld.idx.msk [tilespmem:v31+s18+$0x0], $0xffff;
	[tilespmem:s3+$0x180] =	vst v26  }
0x281: {  	s10 =	sadd.s32 $0x1B040, s4;
	v9 =	vadd.f32 v15, v9;
	v15 =	vmul.f32 v24, v19;
	v24 =	vld.idx.msk [tilespmem:v28+s18+$0x0], $0xffff;
	v28 =	vor.u32 $0x100, v7  }
0x282: {  	v2 =	vld [tilespmem:s15+$0x0];
	v5 =	vadd.f32 v29, v5;
	[tilespmem:s10+$0x10] =	vst v8;
	v30 =	vor.u32 $0x280, v14;
	v20 =	vadd.f32 v20, v27  }
0x283: {  	v29 =	vld.idx.msk [tilespmem:v3+s18+$0x0], $0xffff;
	v27 =	vor.u32 $0x280, v11;
	v15 =	vadd.f32 v15, v9;
	v9 =	vmul.f32 v23, v4;
	[tilespmem:s3+$0x190] =	vst v12  }
0x284: {  	s24 =	simm.s32 $0x1850;
	v23 =	vor.u32 $0x100, v6;
	v26 =	vmul.f32 v26, v10;
	v47 =	vshll.u32 v25, $0x3;
	v16 =	vld.idx.msk [tilespmem:v16+s18+$0x0], $0xffff  }
0x285: {  	v3 =	vld [tilespmem:s24+$0x0];
	v48 =	vadd.f32 v9, v5;
	v5 =	vand.u32 $0xFFFFFC00, v47;
	v9 =	vand.u32 $0x7F, v25;
	[tilespmem:s10+$0x80] =	vst v31  }
0x286: {  	v63 =	vand.u32 $0x7F, v51;
	v17 =	vadd.f32 v26, v17;
	v9 =	vor.u32 v5, v9;
	v25 =	vld.idx.msk [tilespmem:v28+s18+$0x0], $0xffff;
	[tilespmem:s3+$0x200] =	vst v24  }
0x287: {  	v28 =	vmul.f32 v8, v2;
	v8 =	vshll.u32 v46, $0x3;
	v26 =	vld.idx.msk [tilespmem:v30+s18+$0x0], $0xffff;
	v30 =	vor.u32 $0x180, v7  }
0x288: {  	v57 =	vor.u32 $0x280, v7;
	[tilespmem:s10+$0x90] =	vst v29;
	v5 =	vld [tilespmem:s24+$0xFFFFFFF0];
	v31 =	vmul.f32 v31, v4;
	v8 =	vand.u32 $0xFFFFFC00, v8  }
0x289: {  	v50 =	vor.u32 $0x180, v6;
	v23 =	vld.idx.msk [tilespmem:v23+s18+$0x0], $0xffff;
	v24 =	vmul.f32 v24, v10;
	[tilespmem:s3+$0x210] =	vst v16;
	v8 =	vor.u32 v8, v32  }
0x28a: {  	v29 =	vmul.f32 v29, v2;
	v15 =	vadd.f32 v31, v15;
	v16 =	vmul.f32 v16, v19;
	v27 =	vld.idx.msk [tilespmem:v27+s18+$0x0], $0xffff  }
0x28b: {  	v60 =	vor.u32 $0x280, v6;
	v18 =	vadd.f32 v24, v18;
	v24 =	vld.idx.msk [tilespmem:v9+s18+$0x0], $0xffff;
	[tilespmem:s10+$0x100] =	vst v25;
	v25 =	vmul.f32 v25, v4  }
0x28c: {  	v12 =	vmul.f32 v12, v19;
	v31 =	vor.u32 $0x80, v9;
	v29 =	vadd.f32 v29, v15;
	v30 =	vld.idx.msk [tilespmem:v30+s18+$0x0], $0xffff;
	[tilespmem:s3+$0x280] =	vst v26  }
0x28d: {  	s16 =	simm.s32 $0x200;
	s15 =	simm.s32 $0x40;
	v53 =	vadd.f32 v16, v18;
	v33 =	vld.idx.msk [tilespmem:v49+s18+$0x0], $0xffff;
	v16 =	vadd.f32 v25, v20;
	v20 =	vor.u32 $0x200, v7  }
0x28e: {  	s31 =	sand.u32 $0x3C00, s16;
	s30 =	sand.u32 $0x60, s15;
	[tilespmem:s10+$0x110] =	vst v23;
	v15 =	vmul.f32 v23, v2;
	v23 =	vor.u32 $0x380, v14;
	v26 =	vmul.f32 v26, v10;
	v18 =	vld.idx.msk [tilespmem:v8+s18+$0x0], $0xffff  }
0x28f: {  	s5 =	sor.u32 s30, s31;
	v17 =	vadd.f32 v12, v17;
	v28 =	vadd.f32 v28, v48;
	v54 =	vor.u32 $0x80, v8;
	v25 =	vld.idx.msk [tilespmem:v50+s18+$0x0], $0xffff;
	[tilespmem:s3+$0x290] =	vst v27  }
0x290: {  	[tilespmem:s5+$0x1B040] =	vst v24;
	v14 =	vadd.f32 v26, v21;
	v21 =	vmul.f32 v27, v19;
	v26 =	vld.idx.msk [tilespmem:v52+s18+$0x0], $0xffff;
	v27 =	vor.u32 $0x200, v6  }
0x291: {  	v12 =	vor.u32 $0x300, v6;
	v31 =	vld.idx.msk [tilespmem:v31+s18+$0x0], $0xffff;
	v15 =	vadd.f32 v15, v16;
	v16 =	vmul.f32 v24, v5;
	[tilespmem:s10+$0x180] =	vst v30  }
0x292: {  	s11 =	sadd.s32 $0x1B040, s5;
	v59 =	vor.u32 $0x100, v8;
	v14 =	vadd.f32 v21, v14;
	v21 =	vor.u32 $0x380, v11;
	v20 =	vld.idx.msk [tilespmem:v20+s18+$0x0], $0xffff;
	[tilespmem:s3+$0x300] =	vst v33  }
0x293: {  	v24 =	vmul.f32 v30, v4;
	v16 =	vadd.f32 v16, v28;
	v30 =	vor.u32 $0x100, v9;
	[tilespmem:s11+$0x10] =	vst v18;
	v56 =	vld.idx.msk [tilespmem:v23+s18+$0x0], $0xffff  }
0x294: {  	v32 =	vor.u32 $0x180, v8;
	v28 =	vmul.f32 v33, v10;
	v18 =	vmul.f32 v18, v3;
	[tilespmem:s10+$0x190] =	vst v25;
	v23 =	vld.idx.msk [tilespmem:v54+s18+$0x0], $0xffff  }
0x295: {  	s4 =	simm.s32 $0x1870;
	v58 =	vmul.f32 v25, v2;
	v25 =	vor.u32 $0x180, v9;
	v17 =	vadd.f32 v24, v17;
	v24 =	vld.idx.msk [tilespmem:v27+s18+$0x0], $0xffff  }
0x296: {  	[tilespmem:s3+$0x310] =	vst v26;
	v28 =	vadd.f32 v28, v13;
	v16 =	vadd.f32 v18, v16;
	v18 =	vmul.f32 v26, v19;
	v13 =	vld [tilespmem:s4+$0x0]  }
0x297: {  	[tilespmem:s11+$0x80] =	vst v31;
	v31 =	vmul.f32 v31, v5;
	v27 =	vand.u32 $0x7F, v55;
	v61 =	vld.idx.msk [tilespmem:v21+s18+$0x0], $0xffff;
	v21 =	vshll.u32 v55, $0x3  }
0x298: {  	v17 =	vadd.f32 v58, v17;
	v18 =	vadd.f32 v18, v28;
	v21 =	vand.u32 $0xFFFFFC00, v21;
	v26 =	vld.idx.msk [tilespmem:v30+s18+$0x0], $0xffff;
	[tilespmem:s10+$0x200] =	vst v20  }
0x299: {  	v30 =	vmul.f32 v20, v4;
	v20 =	vor.u32 v21, v27;
	v21 =	vshll.u32 v51, $0x3;
	v27 =	vld.idx.msk [tilespmem:v57+s18+$0x0], $0xffff;
	[tilespmem:s3+$0x380] =	vst v56  }
0x29a: {  	v28 =	vadd.f32 v31, v29;
	v62 =	vmul.f32 v56, v10;
	v10 =	vld [tilespmem:s4+$0xFFFFFFF0];
	v21 =	vand.u32 $0xFFFFFC00, v21;
	[tilespmem:s11+$0x90] =	vst v23  }
0x29b: {  	v31 =	vor.u32 $0x300, v7;
	[tilespmem:s10+$0x210] =	vst v24;
	v21 =	vor.u32 v21, v63;
	v29 =	vld.idx.msk [tilespmem:v59+s18+$0x0], $0xffff;
	v30 =	vadd.f32 v30, v53  }
0x29c: {  	s19 =	simm.s32 $0x6;
	s20 =	simm.s32 $0x890;
	v11 =	vor.u32 $0x300, v8;
	v33 =	vadd.f32 v62, v22;
	v22 =	vld.idx.msk [tilespmem:v60+s18+$0x0], $0xffff;
	[tilespmem:s3+$0x390] =	vst v61;
	v19 =	vmul.f32 v61, v19  }
.LBB2_13:
0x29d: {  	v34 =	vld [tilespmem:s20+$0x0];
	s19 =	sadd.s32 $0x2, s19;
	v35 =	vor.u32 $0x300, v21;
	v23 =	vmul.f32 v23, v3;
	v24 =	vmul.f32 v24, v2;
	v36 =	vmovc v2;
	v2 =	vmovc v3  }
0x29e: {  	v3 =	vmov v13;
	p1 =	slt.u32 s19, $0x7E;
	v37 =	vld.idx.msk [tilespmem:v20+s18+$0x0], $0xffff;
	[tilespmem:s11+$0x100] =	vst v26;
	v26 =	vmul.f32 v26, v5;
	v19 =	vadd.f32 v19, v33  }
0x29f: {  	v13 =	vld.idx.msk [tilespmem:v25+s18+$0x0], $0xffff;
	[tilespmem:s10+$0x280] =	vst v27;
	v25 =	vmul.f32 v27, v4;
	v30 =	vadd.f32 v24, v30  }
0x2a0: {  	v24 =	vor.u32 $0x80, v20;
	v28 =	vadd.f32 v23, v28;
	v15 =	vadd.f32 v26, v15;
	v23 =	vld.idx.msk [tilespmem:v31+s18+$0x0], $0xffff  }
0x2a1: {  	s15 =	sadd.s32 $0x20, s15;
	s16 =	sadd.s32 $0x100, s16;
	v27 =	vor.u32 $0x200, v9;
	v31 =	vor.u32 $0x380, v7;
	v7 =	vmovc v9;
	v26 =	vld.idx.msk [tilespmem:v21+s18+$0x0], $0xffff;
	[tilespmem:s11+$0x110] =	vst v29;
	v29 =	vmul.f32 v29, v2  }
0x2a2: {  	s3 =	sand.u32 $0x60, s15;
	s5 =	sand.u32 $0x3C00, s16;
	v33 =	vor.u32 $0x80, v21;
	v14 =	vadd.f32 v25, v14;
	v32 =	vld.idx.msk [tilespmem:v32+s18+$0x0], $0xffff;
	[tilespmem:s10+$0x290] =	vst v22;
	v22 =	vmul.f32 v22, v36  }
0x2a3: {  	s3 =	sor.u32 s3, s5;
	v9 =	vmovc v20;
	v25 =	vor.u32 $0x200, v8;
	v15 =	vadd.f32 v29, v15;
	v29 =	vld.idx.msk [tilespmem:v12+s18+$0x0], $0xffff;
	v12 =	vmovc v11;
	v11 =	vmov v35  }
0x2a4: {  	v35 =	vmul.f32 v37, v10;
	v20 =	vld [tilespmem:s20+$0xFFFFFFF0];
	[tilespmem:s3+$0x1B040] =	vst v37;
	v14 =	vadd.f32 v22, v14;
	v22 =	vor.u32 $0x380, v6;
	v6 =	vmovc v8  }
0x2a5: {  	s3 =	sadd.s32 $0x1B040, s3;
	v8 =	vmov v21;
	v37 =	vld.idx.msk [tilespmem:v24+s18+$0x0], $0xffff;
	[tilespmem:s11+$0x180] =	vst v13;
	v13 =	vmul.f32 v13, v5  }
0x2a6: {  	v16 =	vadd.f32 v35, v16;
	v24 =	vmul.f32 v23, v4;
	v21 =	vld.idx.msk [tilespmem:v27+s18+$0x0], $0xffff;
	[tilespmem:s10+$0x300] =	vst v23  }
0x2a7: {  	v27 =	vor.u32 $0x100, v9;
	[tilespmem:s3+$0x10] =	vst v26;
	v26 =	vmul.f32 v26, v3;
	v13 =	vadd.f32 v13, v17;
	v31 =	vld.idx.msk [tilespmem:v31+s18+$0x0], $0xffff  }
0x2a8: {  	v17 =	vmul.f32 v32, v2;
	v18 =	vadd.f32 v24, v18;
	v23 =	vld.idx.msk [tilespmem:v33+s18+$0x0], $0xffff;
	v33 =	vor.u32 $0x280, v7;
	[tilespmem:s11+$0x190] =	vst v32  }
0x2a9: {  	v32 =	vor.u32 $0x100, v8;
	v16 =	vadd.f32 v26, v16;
	v24 =	vld.idx.msk [tilespmem:v25+s18+$0x0], $0xffff;
	[tilespmem:s10+$0x310] =	vst v29;
	v26 =	vmul.f32 v29, v36  }
0x2aa: {  	s4 =	sadd.s32 $0x20, s4;
	v35 =	vor.u32 $0x280, v6;
	v25 =	vor.u32 $0x180, v9;
	v17 =	vadd.f32 v17, v13;
	v38 =	vld.idx.msk [tilespmem:v22+s18+$0x0], $0xffff  }
0x2ab: {  	v22 =	vshll.u32 v20, $0x3;
	v29 =	vmul.f32 v37, v10;
	v13 =	vld [tilespmem:s4+$0x0];
	[tilespmem:s3+$0x80] =	vst v37;
	v18 =	vadd.f32 v26, v18  }
.Ltmp5:
0x2ac: {  	v20 =	vand.u32 $0x7F, v20;
	v22 =	vand.u32 $0xFFFFFC00, v22;
	v37 =	vmul.f32 v21, v5;
	v26 =	vld.idx.msk [tilespmem:v27+s18+$0x0], $0xffff;
	[tilespmem:s11+$0x200] =	vst v21;
	(pc) =	sbr.rel @p1 .LBB2_13-.Ltmp5, $4  }
0x2ad: {  	v20 =	vor.u32 v22, v20;
	v21 =	vshll.u32 v34, $0x3;
	v22 =	vmul.f32 v31, v4;
	v27 =	vld.idx.msk [tilespmem:v33+s18+$0x0], $0xffff;
	[tilespmem:s10+$0x380] =	vst v31  }
0x2ae: {  	v28 =	vadd.f32 v29, v28;
	v4 =	vmovc v5;
	v5 =	vmovc v10;
	v21 =	vand.u32 $0xFFFFFC00, v21;
	v31 =	vand.u32 $0x7F, v34;
	[tilespmem:s3+$0x90] =	vst v23;
	v10 =	vld [tilespmem:s4+$0xFFFFFFF0]  }
0x2af: {  	v21 =	vor.u32 v21, v31;
	v31 =	vor.u32 $0x300, v7;
	v33 =	vadd.f32 v22, v19;
	v29 =	vld.idx.msk [tilespmem:v32+s18+$0x0], $0xffff;
	[tilespmem:s11+$0x210] =	vst v24  }
0x2b0: {  	s20 =	sadd.s32 $0x20, s20;
	v30 =	vadd.f32 v37, v30;
	v32 =	vor.u32 $0x180, v8;
	v19 =	vmul.f32 v38, v36;
	v22 =	vld.idx.msk [tilespmem:v35+s18+$0x0], $0xffff;
	[tilespmem:s10+$0x390] =	vst v38;
	s10 =	smov.u32 s11;
	s11 =	smov.u32 s3  }
0x2b1: {  	_ =	sdelay $0x3  }
0x2b2: {  	v34 =	vld.idx.msk [tilespmem:v20+s18+$0x0], $0xffff  }
0x2b3: {  	v35 =	vor.u32 $0x80, v20  }
0x2b4: {  	v36 =	vld.idx.msk [tilespmem:v21+s18+$0x0], $0xffff;
	s3 =	sadd.s32 $0x20, s15;
	s4 =	sadd.s32 $0x100, s16  }
0x2b5: {  	v37 =	vor.u32 $0x80, v21;
	s3 =	sand.u32 $0x60, s3;
	s4 =	sand.u32 $0x3C00, s4  }
0x2b6: {  	s3 =	sor.u32 s3, s4  }
0x2b7: {  	[tilespmem:s3+$0x1B040] =	vst v34  }
0x2b8: {  	s3 =	sadd.s32 $0x1B040, s3;
	v35 =	vld.idx.msk [tilespmem:v35+s18+$0x0], $0xffff  }
0x2b9: {  	v38 =	vor.u32 $0x100, v20;
	[tilespmem:s3+$0x10] =	vst v36  }
0x2ba: {  	v37 =	vld.idx.msk [tilespmem:v37+s18+$0x0], $0xffff  }
0x2bb: {  	v39 =	vor.u32 $0x100, v21;
	_ =	sdelay $0x1  }
0x2bc: {  	[tilespmem:s3+$0x80] =	vst v35  }
0x2bd: {  	[tilespmem:s11+$0x100] =	vst v26;
	v38 =	vld.idx.msk [tilespmem:v38+s18+$0x0], $0xffff  }
0x2be: {  	v40 =	vor.u32 $0x180, v20;
	v25 =	vld.idx.msk [tilespmem:v25+s18+$0x0], $0xffff;
	[tilespmem:s3+$0x90] =	vst v37  }
0x2bf: {  	v41 =	vor.u32 $0x200, v9;
	[tilespmem:s11+$0x110] =	vst v29;
	v39 =	vld.idx.msk [tilespmem:v39+s18+$0x0], $0xffff  }
0x2c0: {  	v42 =	vor.u32 $0x180, v21;
	v32 =	vld.idx.msk [tilespmem:v32+s18+$0x0], $0xffff  }
0x2c1: {  	v43 =	vor.u32 $0x200, v8  }
0x2c2: {  	[tilespmem:s3+$0x100] =	vst v38  }
0x2c3: {  	[tilespmem:s11+$0x180] =	vst v25;
	v40 =	vld.idx.msk [tilespmem:v40+s18+$0x0], $0xffff  }
0x2c4: {  	v44 =	vor.u32 $0x200, v20;
	v41 =	vld.idx.msk [tilespmem:v41+s18+$0x0], $0xffff;
	[tilespmem:s3+$0x110] =	vst v39  }
0x2c5: {  	v24 =	vmul.f32 v24, v2;
	v45 =	vor.u32 $0x280, v9;
	[tilespmem:s11+$0x190] =	vst v32;
	v42 =	vld.idx.msk [tilespmem:v42+s18+$0x0], $0xffff  }
0x2c6: {  	v54 =	vmul.f32 v26, v5;
	v55 =	vor.u32 $0x200, v21;
	[tilespmem:s10+$0x280] =	vst v27;
	v19 =	vadd.f32 v19, v33;
	v33 =	vld.idx.msk [tilespmem:v43+s18+$0x0], $0xffff  }
0x2c7: {  	v23 =	vmul.f32 v23, v3;
	v57 =	vor.u32 $0x280, v8;
	v56 =	vmul.f32 v27, v4;
	v31 =	vld.idx.msk [tilespmem:v31+s18+$0x0], $0xffff;
	[tilespmem:s10+$0x290] =	vst v22  }
0x2c8: {  	v7 =	vor.u32 $0x380, v7;
	v24 =	vadd.f32 v24, v30;
	v15 =	vadd.f32 v54, v15;
	v12 =	vld.idx.msk [tilespmem:v12+s18+$0x0], $0xffff;
	[tilespmem:s3+$0x180] =	vst v40  }
0x2c9: {  	v6 =	vor.u32 $0x380, v6;
	v23 =	vadd.f32 v23, v28;
	v58 =	vmul.f32 v29, v3;
	[tilespmem:s11+$0x200] =	vst v41;
	v27 =	vld.idx.msk [tilespmem:v44+s18+$0x0], $0xffff  }
0x2ca: {  	v62 =	vor.u32 $0x280, v20;
	v14 =	vadd.f32 v56, v14;
	v59 =	vmul.f32 v22, v2;
	v61 =	vld.idx.msk [tilespmem:v45+s18+$0x0], $0xffff;
	[tilespmem:s3+$0x190] =	vst v42  }
0x2cb: {  	v63 =	vor.u32 $0x300, v9;
	v60 =	vmul.f32 v34, v10;
	v15 =	vadd.f32 v58, v15;
	[tilespmem:s11+$0x210] =	vst v33;
	v43 =	vld.idx.msk [tilespmem:v55+s18+$0x0], $0xffff  }
0x2cc: {  	v46 =	vmul.f32 v36, v13;
	v25 =	vmul.f32 v25, v5;
	[tilespmem:s10+$0x300] =	vst v31;
	v45 =	vor.u32 $0x280, v21;
	v30 =	vld.idx.msk [tilespmem:v57+s18+$0x0], $0xffff  }
0x2cd: {  	v14 =	vadd.f32 v59, v14;
	v16 =	vadd.f32 v60, v16;
	v7 =	vld.idx.msk [tilespmem:v7+s18+$0x0], $0xffff;
	[tilespmem:s10+$0x310] =	vst v12  }
0x2ce: {  	v17 =	vadd.f32 v25, v17;
	v32 =	vmul.f32 v32, v3;
	v6 =	vld.idx.msk [tilespmem:v6+s18+$0x0], $0xffff;
	[tilespmem:s3+$0x200] =	vst v27  }
0x2cf: {  	v50 =	vor.u32 $0x300, v20;
	v16 =	vadd.f32 v46, v16;
	v12 =	vmul.f32 v12, v2;
	[tilespmem:s11+$0x280] =	vst v61;
	v47 =	vld.idx.msk [tilespmem:v62+s18+$0x0], $0xffff  }
0x2d0: {  	v53 =	vor.u32 $0x380, v9;
	v17 =	vadd.f32 v32, v17;
	v51 =	vmul.f32 v35, v10;
	v49 =	vld.idx.msk [tilespmem:v63+s18+$0x0], $0xffff;
	[tilespmem:s3+$0x210] =	vst v43  }
0x2d1: {  	v54 =	vor.u32 $0x300, v21;
	v52 =	vmul.f32 v41, v5;
	[tilespmem:s11+$0x290] =	vst v30;
	v44 =	vmul.f32 v31, v4;
	v31 =	vld.idx.msk [tilespmem:v45+s18+$0x0], $0xffff  }
0x2d2: {  	v58 =	vmul.f32 v37, v13;
	v48 =	vmul.f32 v7, v4;
	v23 =	vadd.f32 v51, v23;
	v11 =	vld.idx.msk [tilespmem:v11+s18+$0x0], $0xffff  }
0x2d3: {  	v24 =	vadd.f32 v52, v24;
	v57 =	vmul.f32 v38, v10;
	v55 =	vor.u32 $0x380, v8  }
0x2d4: {  	v23 =	vadd.f32 v58, v23;
	v2 =	vmul.f32 v6, v2;
	v29 =	vmul.f32 v61, v5;
	[tilespmem:s3+$0x280] =	vst v47  }
0x2d5: {  	v60 =	vmul.f32 v39, v13;
	v15 =	vadd.f32 v57, v15;
	[tilespmem:s11+$0x300] =	vst v49;
	v25 =	vld.idx.msk [tilespmem:v50+s18+$0x0], $0xffff  }
0x2d6: {  	v59 =	vor.u32 $0x380, v20;
	v14 =	vadd.f32 v29, v14;
	v61 =	vmul.f32 v30, v3;
	v9 =	vld.idx.msk [tilespmem:v53+s18+$0x0], $0xffff;
	[tilespmem:s3+$0x290] =	vst v31  }
0x2d7: {  	(xrf2) =	vadd.scan.msk.f32 $0xffff, v16;
	v15 =	vadd.f32 v60, v15;
	v4 =	vadd.f32 v48, v19;
	[tilespmem:s11+$0x310] =	vst v11;
	v19 =	vld.idx.msk [tilespmem:v54+s18+$0x0], $0xffff  }
0x2d8: {  	v56 =	vmul.f32 v33, v3;
	(xrf2) =	vadd.scan.msk.f32 $0xffff, v23;
	v63 =	vor.u32 $0x380, v21;
	v18 =	vadd.f32 v44, v18;
	v8 =	vld.idx.msk [tilespmem:v55+s18+$0x0], $0xffff  }
0x2d9: {  	v14 =	vadd.f32 v61, v14;
	(xrf2) =	vadd.scan.msk.f32 $0xffff, v15;
	v28 =	vmul.f32 v42, v13;
	v2 =	vadd.f32 v2, v4  }
0x2da: {  	v12 =	vadd.f32 v12, v18;
	v18 =	vmul.f32 v49, v5;
	v62 =	vmul.f32 v40, v10;
	[tilespmem:s3+$0x300] =	vst v25  }
0x2db: {  	v4 =	vadd.f32 v56, v24;
	v11 =	vmul.f32 v11, v3;
	v29 =	vmul.f32 v9, v5;
	v30 =	vld.idx.msk [tilespmem:v59+s18+$0x0], $0xffff  }
0x2dc: {  	v32 =	vmul.f32 v27, v10;
	v12 =	vadd.f32 v18, v12;
	v17 =	vadd.f32 v62, v17;
	[tilespmem:s3+$0x310] =	vst v19  }
0x2dd: {  	v35 =	vmul.f32 v43, v13;
	v2 =	vadd.f32 v29, v2;
	v3 =	vmul.f32 v8, v3;
	v33 =	vld.idx.msk [tilespmem:v63+s18+$0x0], $0xffff  }
0x2de: {  	v4 =	vadd.f32 v32, v4;
	v17 =	vadd.f32 v28, v17;
	v34 =	vmul.f32 v47, v10  }
0x2df: {  	v11 =	vadd.f32 v11, v12;
	v2 =	vadd.f32 v3, v2;
	v3 =	vmul.f32 v25, v10  }
0x2e0: {  	v36 =	vmul.f32 v31, v13;
	(xrf2) =	vadd.scan.msk.f32 $0xffff, v17;
	v12 =	vadd.f32 v34, v14;
	v37 =	vmul.f32 v30, v10  }
0x2e1: {  	v4 =	vadd.f32 v35, v4;
	v38 =	vmul.f32 v19, v13;
	v3 =	vadd.f32 v3, v11  }
0x2e2: {  	v12 =	vadd.f32 v36, v12;
	v39 =	vmul.f32 v33, v13;
	v2 =	vadd.f32 v37, v2  }
0x2e3: {  	(xrf2) =	vadd.scan.msk.f32 $0xffff, v4;
	v3 =	vadd.f32 v38, v3  }
0x2e4: {  	s28 =	sshll.u32 s9, $0x3;
	[tilespmem:s10+$0x380] =	vst v7;
	v40, _, _ =	vpop (xrf2);
	(xrf2) =	vadd.scan.msk.f32 $0xffff, v12;
	v2 =	vadd.f32 v39, v2  }
0x2e5: {  	v41 =	vmov s28;
	[tilespmem:s10+$0x390] =	vst v6;
	v43, _, _ =	vpop (xrf2);
	(xrf2) =	vadd.scan.msk.f32 $0xffff, v3  }
0x2e6: {  	v42 =	vshrl.u32 v41, $0x3;
	[tilespmem:s11+$0x380] =	vst v9;
	v44 =	vbroadcast v43, $0xF;
	v47, _, _ =	vpop (xrf2);
	(xrf2) =	vadd.scan.msk.f32 $0xffff, v2  }
0x2e7: {  	[tilespmem:s11+$0x390] =	vst v8;
	v50 =	vbroadcast v47, $0xF;
	v2 =	vshll.u32 v42, v0  }
0x2e8: {  	v4 =	vmul.f32 v44, v1;
	[tilespmem:s3+$0x380] =	vst v30;
	v45 =	vbroadcast v2, $0x0;
	v46 =	vadd.s32 $0x1, v2  }
0x2e9: {  	s30 =	sadd.s32 $0x800, s8;
	s31 =	simm.s32 $0x1B040;
	v5 =	vmul.f32 v50, v1;
	[tilespmem:s3+$0x390] =	vst v33;
	v48 =	vadd.s32 $0x2, v2;
	v7 =	vbroadcast v46, $0x0  }
0x2ea: {  	v49, _, _ =	vpop (xrf2);
	v3 =	vbroadcast v40, $0xF;
	[hbm4b:s30+s2] =	stream.linear.scatter [tilespmem:s31], [sflag:$0x4], $0x4000, $0x38;
	v52 =	vadd.s32 $0x3, v2;
	v51 =	vbroadcast v48, $0x0;
	[tilespmem:$0x1F040] =	vst v63  }
0x2eb: {  	v10 =	vbroadcast v49, $0xF;
	s3 =	rddreg [dreg:$0x15];
	v53 =	vadd.s32 $0x4, v2;
	v9 =	vbroadcast v52, $0x0  }
0x2ec: {  	s5 =	simm.s32 @!p0 $0xF040;
	s4 =	simm.s32 @!p0 $0x0;
	v3 =	vmul.f32 v3, v1;
	s3 =	sadd.s32 @!p0 s7, s3;
	v54 =	vadd.s32 $0x5, v2;
	v11 =	vbroadcast v53, $0x0  }
0x2ed: {  	v55, _, _ =	vpop (xrf2);
	v10 =	vmul.f32 v10, v1;
	[tilespmem:s5], [sflag:$0x2] =	stream.linear.gather @!p0 [hbm4b:s3+s4], $0x8000, $0x38;
	v56 =	vadd.s32 $0x6, v2;
	v12 =	vbroadcast v54, $0x0;
	[tilespmem:$0x1F040] =	vst v63  }
0x2ee: {  	v57, _, _ =	vpop (xrf2);
	v2 =	vadd.s32 $0x7, v2;
	v58 =	vbroadcast v56, $0x0;
	[tilespmem:v45+s1+$0x0] =	vst.idx.msk $0x1, v3;
	v3 =	vbroadcast v55, $0xF  }
0x2ef: {  	s6 =	sadd.s32 $0x1, s6;
	v60 =	vbroadcast v57, $0xF;
	v2 =	vbroadcast v2, $0x0;
	v59, _, _ =	vpop (xrf2);
	[tilespmem:v7+s1+$0x0] =	vst.idx.msk $0x1, v4  }
0x2f0: {  	p0 =	sne.s32 s6, $0x4;
	v61 =	vbroadcast v59, $0xF;
	[tilespmem:v51+s1+$0x0] =	vst.idx.msk $0x1, v5;
	v3 =	vmul.f32 v3, v1;
	v62, _, _ =	vpop (xrf2)  }
.Ltmp6:
0x2f1: {  	v4 =	vmul.f32 v60, v1;
	[tilespmem:v9+s1+$0x0] =	vst.idx.msk $0x1, v10;
	v7 =	vbroadcast v62, $0xF;
	(pc) =	sbr.rel @p0 .LBB2_6-.Ltmp6, $4  }
0x2f2: {  	[tilespmem:v11+s1+$0x0] =	vst.idx.msk $0x1, v3;
	v3 =	vmul.f32 v61, v1  }
0x2f3: {  	[tilespmem:v12+s1+$0x0] =	vst.idx.msk $0x1, v4;
	v63 =	vmul.f32 v7, v1  }
0x2f4: {  	[tilespmem:v58+s1+$0x0] =	vst.idx.msk $0x1, v3  }
0x2f5: {  	[tilespmem:v2+s1+$0x0] =	vst.idx.msk $0x1, v63  }
0x2f6: {  	_ =	swait.ge [sflag:s25], $0x4000  }
0x2f7: {  	[sflag:s25] =	ssyncset.done $0x0  }
0x2f8: {  	[sflag:s25] =	ssyncadd.s32 $0xFFFFC000  }
0x2f9: {  	_ =	swait.ge [sflag:s26], $0x4000  }
0x2fa: {  	[sflag:s26] =	ssyncset.done $0x0  }
0x2fb: {  	s4 =	simm.s32 $0x5;
	[sflag:s26] =	ssyncadd.s32 $0xFFFFC000  }
0x2fc: {  	_ =	swait.ge [sflag:s4], $0x1000  }
0x2fd: {  	[sflag:s4] =	ssyncset.done $0x0  }
0x2fe: {  	[sflag:s4] =	ssyncadd.s32 $0xFFFFF000  }
0x2ff: {  	_ =	swait.ge [sflag:s4], $0x1000  }
0x300: {  	[sflag:s4] =	ssyncset.done $0x0  }
0x301: {  	[sflag:s4] =	ssyncadd.s32 $0xFFFFF000  }
0x302: {  	_ =	swait.ge [sflag:s4], $0x1000  }
0x303: {  	[sflag:s4] =	ssyncset.done $0x0  }
0x304: {  	s5 =	simm.s32 $0x6;
	s3 =	rddreg [dreg:$0x16];
	[sflag:s4] =	ssyncadd.s32 $0xFFFFF000  }
0x305: {  	[hbm4b:s3+s2] =	stream.linear.scatter [tilespmem:s1], [sflag:$0x6], $0x40, $0x38;
	[tilespmem:$0x1F040] =	vst v63  }
0x306: {  	_ =	swait.ge [sflag:s5], $0x40  }
0x307: {  	s6 =	rddreg [dreg:$0x18]  }
0x308: {  	s30 =	rddreg [dreg:$0x17];
	s6 =	sadd.s32 $0x1, s6  }
0x309: {  	p0 =	sne.s32 s6, s30  }
.Ltmp7:
0x30a: {  	_ = 	snop;
	(pc) =	sbr.rel @p0 .LBB2_1-.Ltmp7, $3  }
0x30b: {  	_ =	sdelay $0x1  }
0x30c: {  	[sflag:s5] =	ssyncset.done $0x0  }
0x30d: {  	s8 =	simm.s32 $0x80;
	s9 =	simm.s32 $0x400;
	[sflag:s5] =	ssyncadd.s32 $0xFFFFFFC0  }
0x30e: {  	_ =	sfence.sel $0x180000  }
0x30f: {  	[bflag:$0x0] =	sbarrier.arrive $0xFFFF  }
0x310: {  	_ =	strace $0x90000047  }
0x311: {  	s0 =	stileid.u32;
	[bflag:$0x2] =	sbarrier.arrive $0xFFFF  }
0x312: {  	p0 =	sne.s32 s0, $0x0;
	s0 =	rddreg [dreg:$0xa]  }
0x313: {  	s0 =	sadd.s32 @!p0 $0x100000, s0  }
0x314: {  	[sflag:s0] =	ssyncadd.tile.s32 @!p0 $0x1;
	_ =	shalt  }
.Lfunc_end2:
_tile_overlayer_lowered:
.L_overlay_start_2:
0x315: {  	(tag) =	ssettag $0x2  }
0x316: {  	s0 =	rddreg [dreg:$0x0];
	s2 =	stileid.u32  }
0x317: {  	s1 =	rddreg [dreg:$0x1];
	p0 =	sne.s32 s2, $0x0  }
0x318: {  	s3 =	rddreg [dreg:$0x2];
	[bflag:$0x3] =	sbarrier.arrive $0xFFFF;
	s2 =	simm.s32 @!p0 $0x1C06  }
0x319: {  	[timem:s3], [sflag:s2] =	dma.local @!p0 [hbm:s0], s1  }
0x31a: {  	s0 =	simm.s32 @!p0 $0x6  }
0x31b: {  	_ =	swait.ge @!p0 [sflag:s0], s1  }
0x31c: {  	s1 =	ssub.s32 @!p0 $0x0, s1;
	[sflag:s0] =	ssyncset.done @!p0 $0x0  }
0x31d: {  	[sflag:s0] =	ssyncadd.s32 @!p0 s1  }
0x31e: {  	[bflag:$0x3] =	sbarrier.arrive $0xFFFF  }
0x31f: {  	_ =	shalt  }

</sc_bundles>
